<compile_context>
chip_gen: v7x
topology: tpu7x:2x2x1
jax: 0.10.2.dev20260603
libtpu: 0.0.44.dev20260713+nightly
codegen_flags: <defaults>
</compile_context>

<pallas_src>
import functools

import jax
import jax.numpy as jnp
from jax import lax
from jax.experimental import pallas as pl
from jax.experimental.pallas import tpu as pltpu
from jax.experimental.pallas import tpu_sc as plsc

N = 16384
D = 256
L = 16
NW = 32
COLS_PER_W = D // NW
C = N // L
W = 4
NBINS = 256
INV = 1.0 / (N + 1)

_mesh = plsc.VectorSubcoreMesh(core_axis_name="c", subcore_axis_name="s")


@functools.partial(
    pl.kernel,
    out_type=jax.ShapeDtypeStruct((1, D, N), jnp.float32),
    mesh=_mesh,
    scratch_types=[
        pltpu.VMEM((N,), jnp.float32),
        pltpu.VMEM((N,), jnp.int32),
        pltpu.VMEM((N,), jnp.int32),
        pltpu.VMEM((N,), jnp.int32),
        pltpu.VMEM((N,), jnp.int32),
        pltpu.VMEM((N,), jnp.int32),
        pltpu.VMEM((N,), jnp.int32),
        pltpu.VMEM((NBINS * L,), jnp.int32),
        pltpu.VMEM((NBINS * L,), jnp.int32),
        pltpu.SMEM((NBINS,), jnp.int32),
    ],
    compiler_params=pltpu.CompilerParams(needs_layout_passes=False),
)
def _rank_all_columns(x_hbm, out_hbm, io, key_a, key_b, pay_a, pay_b,
                      sbuf_a, sbuf_b, hist_a, hist_b, tbuf):
    wid = lax.axis_index("s") * 2 + lax.axis_index("c")
    lanes = lax.iota(jnp.int32, L)
    ones = jnp.ones((L,), jnp.int32)
    zeros = jnp.zeros((L,), jnp.int32)

    def to_key(xf):
        xi = lax.bitcast_convert_type(xf + 0.0, jnp.int32)
        m = lax.shift_right_arithmetic(xi, 31)
        return lax.bitwise_xor(xi, lax.bitwise_or(m, jnp.int32(-(2**31))))

    def digit(key, sh):
        return lax.bitwise_and(lax.shift_right_logical(key, sh),
                               jnp.int32(0xFF))

    def zero_hist(hist):
        @plsc.parallel_loop(0, NBINS, unroll=8)
        def _zero(i):
            hist[pl.ds(i * L, L)] = zeros

    def scan_hist(hist):
        @plsc.parallel_loop(0, NBINS, unroll=8)
        def _scan1(d):
            v = hist[pl.ds(d * L, L)]
            inc = plsc.cumsum(v)
            hist[pl.ds(d * L, L)] = inc - v
            tbuf[d] = jnp.sum(v)

        def _scan2(i, carry):
            v = tbuf[i]
            tbuf[i] = carry
            return carry + v
        lax.fori_loop(0, NBINS, _scan2, jnp.int32(0), unroll=4)

        @plsc.parallel_loop(0, NBINS, unroll=8)
        def _scan3(d):
            hist[pl.ds(d * L, L)] = hist[pl.ds(d * L, L)] + tbuf[d]

    def pos_pass(sbuf, hist):
        def _pos(w, carry):
            t0 = w * W
            s = [sbuf[pl.ds((t0 + j) * L, L)] for j in range(W)]
            r = [plsc.load_gather(hist, [s[j]]) for j in range(W)]
            o = [r[0]]
            for j in range(1, W):
                acc = r[j]
                for jp in range(j):
                    acc = acc + jnp.where(s[j] == s[jp], 1, 0).astype(jnp.int32)
                o.append(acc)
            for j in range(W):
                sbuf[pl.ds((t0 + j) * L, L)] = o[j]
            for j in range(W):
                plsc.addupdate_scatter(hist, [s[j]], ones)
            return carry
        lax.fori_loop(0, C // W, _pos, 0)

    def do_col(ci, carry):
        col = wid * COLS_PER_W + ci
        pltpu.sync_copy(x_hbm.at[col], io)

        zero_hist(hist_a)

        @plsc.parallel_loop(0, C, unroll=8)
        def _hist1(t):
            s = lax.shift_left(digit(to_key(io[pl.ds(t * L, L)]), 0),
                               jnp.int32(4)) + lanes
            plsc.addupdate_scatter(hist_a, [s], ones)
            sbuf_a[pl.ds(t * L, L)] = s

        def perm_pass(gk, gp, key_out, pay_out, sbuf, sbuf_next, hist,
                      hist_next, sh_next):
            scan_hist(hist)
            zero_hist(hist_next)
            pos_pass(sbuf, hist)

            @plsc.parallel_loop(0, C, unroll=8)
            def _perm(t):
                p = sbuf[pl.ds(t * L, L)]
                k = gk(t)
                hi = lax.shift_right_logical(p, jnp.int32(10))
                a = lax.bitwise_or(
                    lax.shift_left(lax.bitwise_and(p, jnp.int32(C - 1)),
                                   jnp.int32(4)), hi)
                plsc.store_scatter(key_out, [a], k)
                plsc.store_scatter(pay_out, [a], gp(t))
                sn = lax.shift_left(digit(k, sh_next), jnp.int32(4)) + hi
                plsc.store_scatter(sbuf_next, [a], sn)
                plsc.addupdate_scatter(hist_next, [sn], ones)

        def k_io(t):
            return to_key(io[pl.ds(t * L, L)])

        def p_iota(t):
            return t * L + lanes

        def k_a(t):
            return key_a[pl.ds(t * L, L)]

        def p_a(t):
            return pay_a[pl.ds(t * L, L)]

        def k_b(t):
            return key_b[pl.ds(t * L, L)]

        def p_b(t):
            return pay_b[pl.ds(t * L, L)]

        perm_pass(k_io, p_iota, key_a, pay_a, sbuf_a, sbuf_b,
                  hist_a, hist_b, 8)
        perm_pass(k_a, p_a, key_b, pay_b, sbuf_b, sbuf_a,
                  hist_b, hist_a, 16)
        perm_pass(k_b, p_b, key_a, pay_a, sbuf_a, sbuf_b,
                  hist_a, hist_b, 24)

        scan_hist(hist_b)
        pos_pass(sbuf_b, hist_b)

        @plsc.parallel_loop(0, C, unroll=8)
        def _out(t):
            p = sbuf_b[pl.ds(t * L, L)]
            val = lax.convert_element_type(p + 1, jnp.float32) * INV
            plsc.store_scatter(io, [pay_a[pl.ds(t * L, L)]], val)

        pltpu.sync_copy(io, out_hbm.at[0, col])
        return carry

    lax.fori_loop(0, COLS_PER_W, do_col, 0)


def kernel(samples):
    xt = jnp.transpose(samples)
    return _rank_all_columns(xt)

# --- scband reference (transcript-rebuilt; emitter-appended) ---
"""Pipeline reference for scband-meta-ce-1855425872125 (READ-ONLY COPY).

The authoritative reference and input builder live on the scoring server;
editing this copy changes nothing except your own understanding.
"""

import jax, jax.numpy as jnp
import numpy as np

N_SAMPLES = 16384
DIM = 256

def setup_inputs(seed: int = 0) -> dict:
    key = jax.random.key(seed)
    samples = jax.random.normal(key, (N_SAMPLES, DIM), dtype=jnp.float32)
    return {"samples": samples}

def reference(samples):
    # Faithful translation of MetaCE.__init__ rank-based CDF estimation
    # with est_F='n+1' and survival=False.
    n = samples.shape[0]
    s = jnp.transpose(samples)[None, :, :]  # [1, dim, n] == samples.T.unsqueeze(0)
    order = jnp.argsort(s, axis=2)           # ascending order indices
    F_ = jnp.argsort(order, axis=2)          # ranks (double argsort)
    F = (F_.astype(jnp.float32) + 1.0) / (n + 1)  # (F_ + 1) / (n_samples + 1)
    return F

if __name__ == "__main__":
    import jax
    _d = setup_inputs()
    print(jax.jit(kernel)(*tuple(_d.values())))

</pallas_src>

<mosaic_0001>
#map = affine_map<(d0, d1) -> (0, 0)>
#map1 = affine_map<(d0, d1) -> (0, 0, 0)>
module attributes {stable_mosaic.version = 14 : i64} {
  func.func @_rank_all_columns(%arg0: i32, %arg1: i32, %arg2: memref<256x16384xf32, #tpu.memory_space<hbm>>, %arg3: memref<1x256x16384xf32, #tpu.memory_space<hbm>>, %arg4: memref<16384xf32, #tpu.memory_space<vmem>>, %arg5: memref<16384xi32, #tpu.memory_space<vmem>>, %arg6: memref<16384xi32, #tpu.memory_space<vmem>>, %arg7: memref<16384xi32, #tpu.memory_space<vmem>>, %arg8: memref<16384xi32, #tpu.memory_space<vmem>>, %arg9: memref<16384xi32, #tpu.memory_space<vmem>>, %arg10: memref<16384xi32, #tpu.memory_space<vmem>>, %arg11: memref<4096xi32, #tpu.memory_space<vmem>>, %arg12: memref<4096xi32, #tpu.memory_space<vmem>>, %arg13: memref<256xi32, #tpu.memory_space<smem>>) attributes {dimension_semantics = [#tpu.dimension_semantics<core_parallel>, #tpu.dimension_semantics<subcore_parallel>], iteration_bounds = array<i64: 2, 16>, scalar_prefetch = 0 : i64, scratch_operands = 10 : i64, tpu.core_type = #tpu.core_type<sc_vector_subcore>, window_params = [{transform_indices = #map}, {transform_indices = #map1}]} {
    %mul3A = arith.constant 2 : i32
    %mul3A_0 = arith.muli %arg1, %mul3A : i32
    %add3A = arith.addi %mul3A_0, %arg0 : i32
    %iota3A = tpu.iota {dimensions = array<i32: 0>} : vector<16xi32>
    %broadcast_in_dim3A = arith.constant 1 : i32
    %broadcast_in_dim3A_1 = vector.broadcast %broadcast_in_dim3A : i32 to vector<16xi32>
    %broadcast_in_dim3A_2 = arith.constant 0 : i32
    %broadcast_in_dim3A_3 = vector.broadcast %broadcast_in_dim3A_2 : i32 to vector<16xi32>
    %scan3A = arith.constant 0 : i32
    %scan3A_4 = arith.constant 0 : i32
    %scan3A_5 = arith.constant 8 : i32
    %scan3A_6 = arith.addi %scan3A_4, %scan3A_5 : i32
    %scan3A_7 = arith.constant 1 : i32
    scf.for %scan3A_9 = %scan3A_4 to %scan3A_6 step %scan3A_7  : i32 {
      %mul3A_10 = arith.constant 8 : i32
      %mul3A_11 = arith.muli %add3A, %mul3A_10 : i32
      %add3A_12 = arith.addi %mul3A_11, %scan3A_9 : i32
      "tpu.region"() ({
        %run_scoped3A_115 = tpu.sem_alloc : memref<!tpu.dma_semaphore, #tpu.memory_space<semaphore_mem>>
        %dma_start3A = arith.constant 0 : i32
        %dma_start3A_116 = tpu.memref_slice %arg2[%add3A_12, %dma_start3A] : memref<256x16384xf32, #tpu.memory_space<hbm>> -> memref<1x16384xf32, #tpu.memory_space<hbm>>
        %dma_start3A_117 = tpu.memref_squeeze %dma_start3A_116 : memref<1x16384xf32, #tpu.memory_space<hbm>> -> memref<16384xf32, #tpu.memory_space<hbm>>
        %dma_start3A_118 = arith.constant 0 : i32
        %dma_start3A_119 = tpu.memref_slice %arg2[%add3A_12, %dma_start3A_118] : memref<256x16384xf32, #tpu.memory_space<hbm>> -> memref<1x16384xf32, #tpu.memory_space<hbm>>
        %dma_start3A_120 = tpu.memref_squeeze %dma_start3A_119 : memref<1x16384xf32, #tpu.memory_space<hbm>> -> memref<16384xf32, #tpu.memory_space<hbm>>
        tpu.enqueue_dma source(%dma_start3A_120 : memref<16384xf32, #tpu.memory_space<hbm>>) target(%arg4 : memref<16384xf32, #tpu.memory_space<vmem>>) target_semaphore(%run_scoped3A_115 : memref<!tpu.dma_semaphore, #tpu.memory_space<semaphore_mem>>)
        %dma_wait3A = arith.constant 0 : i32
        %dma_wait3A_121 = tpu.memref_slice %arg2[%add3A_12, %dma_wait3A] : memref<256x16384xf32, #tpu.memory_space<hbm>> -> memref<1x16384xf32, #tpu.memory_space<hbm>>
        %dma_wait3A_122 = tpu.memref_squeeze %dma_wait3A_121 : memref<1x16384xf32, #tpu.memory_space<hbm>> -> memref<16384xf32, #tpu.memory_space<hbm>>
        %dma_wait3A_123 = arith.constant 0 : i32
        %dma_wait3A_124 = tpu.memref_slice %arg2[%add3A_12, %dma_wait3A_123] : memref<256x16384xf32, #tpu.memory_space<hbm>> -> memref<1x16384xf32, #tpu.memory_space<hbm>>
        %dma_wait3A_125 = tpu.memref_squeeze %dma_wait3A_124 : memref<1x16384xf32, #tpu.memory_space<hbm>> -> memref<16384xf32, #tpu.memory_space<hbm>>
        tpu.wait_dma2 semaphore(%run_scoped3A_115 : memref<!tpu.dma_semaphore, #tpu.memory_space<semaphore_mem>>) src(%dma_wait3A_125 : memref<16384xf32, #tpu.memory_space<hbm>>) dst(%arg4 : memref<16384xf32, #tpu.memory_space<vmem>>)
        tpu.yield
      }) : () -> ()
      %parallel_loop3A = arith.constant 0 : i32
      %parallel_loop3A_13 = arith.constant 256 : i32
      %parallel_loop3A_14 = arith.constant 1 : i32
      scf.for %parallel_loop3A_115 = %parallel_loop3A to %parallel_loop3A_13 step %parallel_loop3A_14  : i32 {
        %parallel_loop3A_116 = arith.constant 16 : i32
        %parallel_loop3A_117 = arith.muli %parallel_loop3A_115, %parallel_loop3A_116 : i32
        %parallel_loop3A_118 = arith.index_cast %parallel_loop3A_117 : i32 to index
        %parallel_loop3A_119 = tpu.vector_load %arg11[%parallel_loop3A_118] {strides = array<i32>} : memref<4096xi32, #tpu.memory_space<vmem>>, vector<16xi32>,
        tpu.vector_store %arg11[%parallel_loop3A_118], %broadcast_in_dim3A_3 {strides = array<i32>} : memref<4096xi32, #tpu.memory_space<vmem>>, vector<16xi32>,
      } {sc.loop_unroll_factor = 8 : i64, sc.parallel_access}
      %parallel_loop3A_15 = arith.constant 0 : i32
      %parallel_loop3A_16 = arith.constant 1024 : i32
      %parallel_loop3A_17 = arith.constant 1 : i32
      scf.for %parallel_loop3A_115 = %parallel_loop3A_15 to %parallel_loop3A_16 step %parallel_loop3A_17  : i32 {
        %parallel_loop3A_116 = arith.constant 16 : i32
        %parallel_loop3A_117 = arith.muli %parallel_loop3A_115, %parallel_loop3A_116 : i32
        %parallel_loop3A_118 = arith.index_cast %parallel_loop3A_117 : i32 to index
        %parallel_loop3A_119 = tpu.vector_load %arg4[%parallel_loop3A_118] {strides = array<i32>} : memref<16384xf32, #tpu.memory_space<vmem>>, vector<16xf32>,
        %parallel_loop3A_120 = arith.constant 0.000000e+00 : f32
        %parallel_loop3A_121 = vector.broadcast %parallel_loop3A_120 : f32 to vector<16xf32>
        %parallel_loop3A_122 = arith.addf %parallel_loop3A_119, %parallel_loop3A_121 : vector<16xf32>
        %parallel_loop3A_123 = tpu.bitcast %parallel_loop3A_122 : vector<16xf32> -> vector<16xi32>
        %parallel_loop3A_124 = arith.constant 31 : i32
        %parallel_loop3A_125 = vector.broadcast %parallel_loop3A_124 : i32 to vector<16xi32>
        %parallel_loop3A_126 = arith.shrsi %parallel_loop3A_123, %parallel_loop3A_125 : vector<16xi32>
        %parallel_loop3A_127 = arith.constant -2147483648 : i32
        %parallel_loop3A_128 = vector.broadcast %parallel_loop3A_127 : i32 to vector<16xi32>
        %parallel_loop3A_129 = arith.ori %parallel_loop3A_126, %parallel_loop3A_128 : vector<16xi32>
        %parallel_loop3A_130 = arith.xori %parallel_loop3A_123, %parallel_loop3A_129 : vector<16xi32>
        %parallel_loop3A_131 = arith.constant 0 : i32
        %parallel_loop3A_132 = vector.broadcast %parallel_loop3A_131 : i32 to vector<16xi32>
        %parallel_loop3A_133 = arith.shrui %parallel_loop3A_130, %parallel_loop3A_132 : vector<16xi32>
        %parallel_loop3A_134 = arith.constant 255 : i32
        %parallel_loop3A_135 = vector.broadcast %parallel_loop3A_134 : i32 to vector<16xi32>
        %parallel_loop3A_136 = arith.andi %parallel_loop3A_133, %parallel_loop3A_135 : vector<16xi32>
        %parallel_loop3A_137 = arith.constant 4 : i32
        %parallel_loop3A_138 = vector.broadcast %parallel_loop3A_137 : i32 to vector<16xi32>
        %parallel_loop3A_139 = arith.shli %parallel_loop3A_136, %parallel_loop3A_138 : vector<16xi32>
        %parallel_loop3A_140 = arith.addi %parallel_loop3A_139, %iota3A : vector<16xi32>
        tpu.vector_store_idx %arg11[%parallel_loop3A_140], %broadcast_in_dim3A_1 {add = true} : memref<4096xi32, #tpu.memory_space<vmem>>[vector<16xi32>], vector<16xi32>,
        %parallel_loop3A_141 = arith.constant 16 : i32
        %parallel_loop3A_142 = arith.muli %parallel_loop3A_115, %parallel_loop3A_141 : i32
        %parallel_loop3A_143 = arith.index_cast %parallel_loop3A_142 : i32 to index
        %parallel_loop3A_144 = tpu.vector_load %arg9[%parallel_loop3A_143] {strides = array<i32>} : memref<16384xi32, #tpu.memory_space<vmem>>, vector<16xi32>,
        tpu.vector_store %arg9[%parallel_loop3A_143], %parallel_loop3A_140 {strides = array<i32>} : memref<16384xi32, #tpu.memory_space<vmem>>, vector<16xi32>,
      } {sc.loop_unroll_factor = 8 : i64, sc.parallel_access}
      %parallel_loop3A_18 = arith.constant 0 : i32
      %parallel_loop3A_19 = arith.constant 256 : i32
      %parallel_loop3A_20 = arith.constant 1 : i32
      scf.for %parallel_loop3A_115 = %parallel_loop3A_18 to %parallel_loop3A_19 step %parallel_loop3A_20  : i32 {
        %parallel_loop3A_116 = arith.constant 16 : i32
        %parallel_loop3A_117 = arith.muli %parallel_loop3A_115, %parallel_loop3A_116 : i32
        %parallel_loop3A_118 = arith.index_cast %parallel_loop3A_117 : i32 to index
        %parallel_loop3A_119 = tpu.vector_load %arg11[%parallel_loop3A_118] {strides = array<i32>} : memref<4096xi32, #tpu.memory_space<vmem>>, vector<16xi32>,
        %parallel_loop3A_120 = arith.constant true
        %parallel_loop3A_121 = vector.broadcast %parallel_loop3A_120 : i1 to vector<16xi1>
        %parallel_loop3A_122 = tpu.scan <sum>, %parallel_loop3A_119 masked %parallel_loop3A_121 : vector<16xi32>, vector<16xi1> -> vector<16xi32>
        %parallel_loop3A_123 = arith.subi %parallel_loop3A_122, %parallel_loop3A_119 : vector<16xi32>
        %parallel_loop3A_124 = arith.constant 16 : i32
        %parallel_loop3A_125 = arith.muli %parallel_loop3A_115, %parallel_loop3A_124 : i32
        %parallel_loop3A_126 = arith.index_cast %parallel_loop3A_125 : i32 to index
        %parallel_loop3A_127 = tpu.vector_load %arg11[%parallel_loop3A_126] {strides = array<i32>} : memref<4096xi32, #tpu.memory_space<vmem>>, vector<16xi32>,
        tpu.vector_store %arg11[%parallel_loop3A_126], %parallel_loop3A_123 {strides = array<i32>} : memref<4096xi32, #tpu.memory_space<vmem>>, vector<16xi32>,
        %parallel_loop3A_128 = arith.constant true
        %parallel_loop3A_129 = vector.broadcast %parallel_loop3A_128 : i1 to vector<16xi1>
        %parallel_loop3A_130 = tpu.scan <sum>, %parallel_loop3A_119 masked %parallel_loop3A_129 : vector<16xi32>, vector<16xi1> -> vector<16xi32>
        %parallel_loop3A_131 = vector.extract %parallel_loop3A_130[15] : i32 from vector<16xi32>
        %parallel_loop3A_132 = arith.index_cast %parallel_loop3A_115 : i32 to index
        %parallel_loop3A_133 = memref.load %arg13[%parallel_loop3A_132] : memref<256xi32, #tpu.memory_space<smem>>
        memref.store %parallel_loop3A_131, %arg13[%parallel_loop3A_132] : memref<256xi32, #tpu.memory_space<smem>>
      } {sc.loop_unroll_factor = 8 : i64, sc.parallel_access}
      %scan3A_21 = arith.constant 0 : i32
      %scan3A_22 = arith.constant 0 : i32
      %scan3A_23 = arith.constant 256 : i32
      %scan3A_24 = arith.addi %scan3A_22, %scan3A_23 : i32
      %scan3A_25 = arith.constant 4 : i32
      %scan3A_26 = scf.for %scan3A_115 = %scan3A_22 to %scan3A_24 step %scan3A_25 iter_args(%scan3A_116 = %scan3A_21) -> (i32)  : i32 {
        %get3A = arith.index_cast %scan3A_115 : i32 to index
        %get3A_117 = memref.load %arg13[%get3A] : memref<256xi32, #tpu.memory_space<smem>>
        %swap3A = arith.index_cast %scan3A_115 : i32 to index
        %swap3A_118 = memref.load %arg13[%swap3A] : memref<256xi32, #tpu.memory_space<smem>>
        memref.store %scan3A_116, %arg13[%swap3A] : memref<256xi32, #tpu.memory_space<smem>>
        %add3A_119 = arith.addi %scan3A_116, %get3A_117 : i32
        %scan3A_120 = arith.constant 1 : i32
        %scan3A_121 = arith.addi %scan3A_115, %scan3A_120 : i32
        %get3A_122 = arith.index_cast %scan3A_121 : i32 to index
        %get3A_123 = memref.load %arg13[%get3A_122] : memref<256xi32, #tpu.memory_space<smem>>
        %swap3A_124 = arith.index_cast %scan3A_121 : i32 to index
        %swap3A_125 = memref.load %arg13[%swap3A_124] : memref<256xi32, #tpu.memory_space<smem>>
        memref.store %add3A_119, %arg13[%swap3A_124] : memref<256xi32, #tpu.memory_space<smem>>
        %add3A_126 = arith.addi %add3A_119, %get3A_123 : i32
        %scan3A_127 = arith.constant 2 : i32
        %scan3A_128 = arith.addi %scan3A_115, %scan3A_127 : i32
        %get3A_129 = arith.index_cast %scan3A_128 : i32 to index
        %get3A_130 = memref.load %arg13[%get3A_129] : memref<256xi32, #tpu.memory_space<smem>>
        %swap3A_131 = arith.index_cast %scan3A_128 : i32 to index
        %swap3A_132 = memref.load %arg13[%swap3A_131] : memref<256xi32, #tpu.memory_space<smem>>
        memref.store %add3A_126, %arg13[%swap3A_131] : memref<256xi32, #tpu.memory_space<smem>>
        %add3A_133 = arith.addi %add3A_126, %get3A_130 : i32
        %scan3A_134 = arith.constant 3 : i32
        %scan3A_135 = arith.addi %scan3A_115, %scan3A_134 : i32
        %get3A_136 = arith.index_cast %scan3A_135 : i32 to index
        %get3A_137 = memref.load %arg13[%get3A_136] : memref<256xi32, #tpu.memory_space<smem>>
        %swap3A_138 = arith.index_cast %scan3A_135 : i32 to index
        %swap3A_139 = memref.load %arg13[%swap3A_138] : memref<256xi32, #tpu.memory_space<smem>>
        memref.store %add3A_133, %arg13[%swap3A_138] : memref<256xi32, #tpu.memory_space<smem>>
        %add3A_140 = arith.addi %add3A_133, %get3A_137 : i32
        scf.yield %add3A_140 : i32
      }
      %scan3A_27 = arith.constant 256 : i32
      %parallel_loop3A_28 = arith.constant 0 : i32
      %parallel_loop3A_29 = arith.constant 256 : i32
      %parallel_loop3A_30 = arith.constant 1 : i32
      scf.for %parallel_loop3A_115 = %parallel_loop3A_28 to %parallel_loop3A_29 step %parallel_loop3A_30  : i32 {
        %parallel_loop3A_116 = arith.constant 16 : i32
        %parallel_loop3A_117 = arith.muli %parallel_loop3A_115, %parallel_loop3A_116 : i32
        %parallel_loop3A_118 = arith.index_cast %parallel_loop3A_117 : i32 to index
        %parallel_loop3A_119 = tpu.vector_load %arg11[%parallel_loop3A_118] {strides = array<i32>} : memref<4096xi32, #tpu.memory_space<vmem>>, vector<16xi32>,
        %parallel_loop3A_120 = arith.index_cast %parallel_loop3A_115 : i32 to index
        %parallel_loop3A_121 = memref.load %arg13[%parallel_loop3A_120] : memref<256xi32, #tpu.memory_space<smem>>
        %parallel_loop3A_122 = vector.broadcast %parallel_loop3A_121 : i32 to vector<16xi32>
        %parallel_loop3A_123 = arith.addi %parallel_loop3A_119, %parallel_loop3A_122 : vector<16xi32>
        %parallel_loop3A_124 = arith.constant 16 : i32
        %parallel_loop3A_125 = arith.muli %parallel_loop3A_115, %parallel_loop3A_124 : i32
        %parallel_loop3A_126 = arith.index_cast %parallel_loop3A_125 : i32 to index
        %parallel_loop3A_127 = tpu.vector_load %arg11[%parallel_loop3A_126] {strides = array<i32>} : memref<4096xi32, #tpu.memory_space<vmem>>, vector<16xi32>,
        tpu.vector_store %arg11[%parallel_loop3A_126], %parallel_loop3A_123 {strides = array<i32>} : memref<4096xi32, #tpu.memory_space<vmem>>, vector<16xi32>,
      } {sc.loop_unroll_factor = 8 : i64, sc.parallel_access}
      %parallel_loop3A_31 = arith.constant 0 : i32
      %parallel_loop3A_32 = arith.constant 256 : i32
      %parallel_loop3A_33 = arith.constant 1 : i32
      scf.for %parallel_loop3A_115 = %parallel_loop3A_31 to %parallel_loop3A_32 step %parallel_loop3A_33  : i32 {
        %parallel_loop3A_116 = arith.constant 16 : i32
        %parallel_loop3A_117 = arith.muli %parallel_loop3A_115, %parallel_loop3A_116 : i32
        %parallel_loop3A_118 = arith.index_cast %parallel_loop3A_117 : i32 to index
        %parallel_loop3A_119 = tpu.vector_load %arg12[%parallel_loop3A_118] {strides = array<i32>} : memref<4096xi32, #tpu.memory_space<vmem>>, vector<16xi32>,
        tpu.vector_store %arg12[%parallel_loop3A_118], %broadcast_in_dim3A_3 {strides = array<i32>} : memref<4096xi32, #tpu.memory_space<vmem>>, vector<16xi32>,
      } {sc.loop_unroll_factor = 8 : i64, sc.parallel_access}
      %scan3A_34 = arith.constant 0 : i32
      %scan3A_35 = arith.constant 0 : i32
      %scan3A_36 = arith.constant 256 : i32
      %scan3A_37 = arith.addi %scan3A_35, %scan3A_36 : i32
      %scan3A_38 = arith.constant 1 : i32
      scf.for %scan3A_115 = %scan3A_35 to %scan3A_37 step %scan3A_38  : i32 {
        %mul3A_116 = arith.constant 4 : i32
        %mul3A_117 = arith.muli %scan3A_115, %mul3A_116 : i32
        %add3A_118 = arith.constant 0 : i32
        %add3A_119 = arith.addi %mul3A_117, %add3A_118 : i32
        %mul3A_120 = arith.constant 16 : i32
        %mul3A_121 = arith.muli %add3A_119, %mul3A_120 : i32
        %get3A = arith.index_cast %mul3A_121 : i32 to index
        %get3A_122 = tpu.vector_load %arg9[%get3A] {strides = array<i32>} : memref<16384xi32, #tpu.memory_space<vmem>>, vector<16xi32>,
        %add3A_123 = arith.constant 1 : i32
        %add3A_124 = arith.addi %mul3A_117, %add3A_123 : i32
        %mul3A_125 = arith.constant 16 : i32
        %mul3A_126 = arith.muli %add3A_124, %mul3A_125 : i32
        %get3A_127 = arith.index_cast %mul3A_126 : i32 to index
        %get3A_128 = tpu.vector_load %arg9[%get3A_127] {strides = array<i32>} : memref<16384xi32, #tpu.memory_space<vmem>>, vector<16xi32>,
        %add3A_129 = arith.constant 2 : i32
        %add3A_130 = arith.addi %mul3A_117, %add3A_129 : i32
        %mul3A_131 = arith.constant 16 : i32
        %mul3A_132 = arith.muli %add3A_130, %mul3A_131 : i32
        %get3A_133 = arith.index_cast %mul3A_132 : i32 to index
        %get3A_134 = tpu.vector_load %arg9[%get3A_133] {strides = array<i32>} : memref<16384xi32, #tpu.memory_space<vmem>>, vector<16xi32>,
        %add3A_135 = arith.constant 3 : i32
        %add3A_136 = arith.addi %mul3A_117, %add3A_135 : i32
        %mul3A_137 = arith.constant 16 : i32
        %mul3A_138 = arith.muli %add3A_136, %mul3A_137 : i32
        %get3A_139 = arith.index_cast %mul3A_138 : i32 to index
        %get3A_140 = tpu.vector_load %arg9[%get3A_139] {strides = array<i32>} : memref<16384xi32, #tpu.memory_space<vmem>>, vector<16xi32>,
        %gather3A = tpu.vector_load_idx %arg11[%get3A_122] : memref<4096xi32, #tpu.memory_space<vmem>>[vector<16xi32>], vector<16xi32>,
        %gather3A_141 = tpu.vector_load_idx %arg11[%get3A_128] : memref<4096xi32, #tpu.memory_space<vmem>>[vector<16xi32>], vector<16xi32>,
        %gather3A_142 = tpu.vector_load_idx %arg11[%get3A_134] : memref<4096xi32, #tpu.memory_space<vmem>>[vector<16xi32>], vector<16xi32>,
        %gather3A_143 = tpu.vector_load_idx %arg11[%get3A_140] : memref<4096xi32, #tpu.memory_space<vmem>>[vector<16xi32>], vector<16xi32>,
        %eq3A = arith.cmpi eq, %get3A_128, %get3A_122 : vector<16xi32>
        %jit3A = arith.constant 1 : i32
        %jit3A_144 = arith.constant 0 : i32
        %broadcast_in_dim3A_145 = vector.broadcast %jit3A : i32 to vector<16xi32>
        %broadcast_in_dim3A_146 = vector.broadcast %jit3A_144 : i32 to vector<16xi32>
        %select_n3A = arith.select %eq3A, %broadcast_in_dim3A_145, %broadcast_in_dim3A_146 : vector<16xi1>, vector<16xi32>
        %add3A_147 = arith.addi %gather3A_141, %select_n3A : vector<16xi32>
        %eq3A_148 = arith.cmpi eq, %get3A_134, %get3A_122 : vector<16xi32>
        %jit3A_149 = arith.constant 1 : i32
        %jit3A_150 = arith.constant 0 : i32
        %broadcast_in_dim3A_151 = vector.broadcast %jit3A_149 : i32 to vector<16xi32>
        %broadcast_in_dim3A_152 = vector.broadcast %jit3A_150 : i32 to vector<16xi32>
        %select_n3A_153 = arith.select %eq3A_148, %broadcast_in_dim3A_151, %broadcast_in_dim3A_152 : vector<16xi1>, vector<16xi32>
        %add3A_154 = arith.addi %gather3A_142, %select_n3A_153 : vector<16xi32>
        %eq3A_155 = arith.cmpi eq, %get3A_134, %get3A_128 : vector<16xi32>
        %jit3A_156 = arith.constant 1 : i32
        %jit3A_157 = arith.constant 0 : i32
        %broadcast_in_dim3A_158 = vector.broadcast %jit3A_156 : i32 to vector<16xi32>
        %broadcast_in_dim3A_159 = vector.broadcast %jit3A_157 : i32 to vector<16xi32>
        %select_n3A_160 = arith.select %eq3A_155, %broadcast_in_dim3A_158, %broadcast_in_dim3A_159 : vector<16xi1>, vector<16xi32>
        %add3A_161 = arith.addi %add3A_154, %select_n3A_160 : vector<16xi32>
        %eq3A_162 = arith.cmpi eq, %get3A_140, %get3A_122 : vector<16xi32>
        %jit3A_163 = arith.constant 1 : i32
        %jit3A_164 = arith.constant 0 : i32
        %broadcast_in_dim3A_165 = vector.broadcast %jit3A_163 : i32 to vector<16xi32>
        %broadcast_in_dim3A_166 = vector.broadcast %jit3A_164 : i32 to vector<16xi32>
        %select_n3A_167 = arith.select %eq3A_162, %broadcast_in_dim3A_165, %broadcast_in_dim3A_166 : vector<16xi1>, vector<16xi32>
        %add3A_168 = arith.addi %gather3A_143, %select_n3A_167 : vector<16xi32>
        %eq3A_169 = arith.cmpi eq, %get3A_140, %get3A_128 : vector<16xi32>
        %jit3A_170 = arith.constant 1 : i32
        %jit3A_171 = arith.constant 0 : i32
        %broadcast_in_dim3A_172 = vector.broadcast %jit3A_170 : i32 to vector<16xi32>
        %broadcast_in_dim3A_173 = vector.broadcast %jit3A_171 : i32 to vector<16xi32>
        %select_n3A_174 = arith.select %eq3A_169, %broadcast_in_dim3A_172, %broadcast_in_dim3A_173 : vector<16xi1>, vector<16xi32>
        %add3A_175 = arith.addi %add3A_168, %select_n3A_174 : vector<16xi32>
        %eq3A_176 = arith.cmpi eq, %get3A_140, %get3A_134 : vector<16xi32>
        %jit3A_177 = arith.constant 1 : i32
        %jit3A_178 = arith.constant 0 : i32
        %broadcast_in_dim3A_179 = vector.broadcast %jit3A_177 : i32 to vector<16xi32>
        %broadcast_in_dim3A_180 = vector.broadcast %jit3A_178 : i32 to vector<16xi32>
        %select_n3A_181 = arith.select %eq3A_176, %broadcast_in_dim3A_179, %broadcast_in_dim3A_180 : vector<16xi1>, vector<16xi32>
        %add3A_182 = arith.addi %add3A_175, %select_n3A_181 : vector<16xi32>
        %add3A_183 = arith.constant 0 : i32
        %add3A_184 = arith.addi %mul3A_117, %add3A_183 : i32
        %mul3A_185 = arith.constant 16 : i32
        %mul3A_186 = arith.muli %add3A_184, %mul3A_185 : i32
        %swap3A = arith.index_cast %mul3A_186 : i32 to index
        %swap3A_187 = tpu.vector_load %arg9[%swap3A] {strides = array<i32>} : memref<16384xi32, #tpu.memory_space<vmem>>, vector<16xi32>,
        tpu.vector_store %arg9[%swap3A], %gather3A {strides = array<i32>} : memref<16384xi32, #tpu.memory_space<vmem>>, vector<16xi32>,
        %add3A_188 = arith.constant 1 : i32
        %add3A_189 = arith.addi %mul3A_117, %add3A_188 : i32
        %mul3A_190 = arith.constant 16 : i32
        %mul3A_191 = arith.muli %add3A_189, %mul3A_190 : i32
        %swap3A_192 = arith.index_cast %mul3A_191 : i32 to index
        %swap3A_193 = tpu.vector_load %arg9[%swap3A_192] {strides = array<i32>} : memref<16384xi32, #tpu.memory_space<vmem>>, vector<16xi32>,
        tpu.vector_store %arg9[%swap3A_192], %add3A_147 {strides = array<i32>} : memref<16384xi32, #tpu.memory_space<vmem>>, vector<16xi32>,
        %add3A_194 = arith.constant 2 : i32
        %add3A_195 = arith.addi %mul3A_117, %add3A_194 : i32
        %mul3A_196 = arith.constant 16 : i32
        %mul3A_197 = arith.muli %add3A_195, %mul3A_196 : i32
        %swap3A_198 = arith.index_cast %mul3A_197 : i32 to index
        %swap3A_199 = tpu.vector_load %arg9[%swap3A_198] {strides = array<i32>} : memref<16384xi32, #tpu.memory_space<vmem>>, vector<16xi32>,
        tpu.vector_store %arg9[%swap3A_198], %add3A_161 {strides = array<i32>} : memref<16384xi32, #tpu.memory_space<vmem>>, vector<16xi32>,
        %add3A_200 = arith.constant 3 : i32
        %add3A_201 = arith.addi %mul3A_117, %add3A_200 : i32
        %mul3A_202 = arith.constant 16 : i32
        %mul3A_203 = arith.muli %add3A_201, %mul3A_202 : i32
        %swap3A_204 = arith.index_cast %mul3A_203 : i32 to index
        %swap3A_205 = tpu.vector_load %arg9[%swap3A_204] {strides = array<i32>} : memref<16384xi32, #tpu.memory_space<vmem>>, vector<16xi32>,
        tpu.vector_store %arg9[%swap3A_204], %add3A_182 {strides = array<i32>} : memref<16384xi32, #tpu.memory_space<vmem>>, vector<16xi32>,
        tpu.vector_store_idx %arg11[%get3A_122], %broadcast_in_dim3A_1 {add = true} : memref<4096xi32, #tpu.memory_space<vmem>>[vector<16xi32>], vector<16xi32>,
        tpu.vector_store_idx %arg11[%get3A_128], %broadcast_in_dim3A_1 {add = true} : memref<4096xi32, #tpu.memory_space<vmem>>[vector<16xi32>], vector<16xi32>,
        tpu.vector_store_idx %arg11[%get3A_134], %broadcast_in_dim3A_1 {add = true} : memref<4096xi32, #tpu.memory_space<vmem>>[vector<16xi32>], vector<16xi32>,
        tpu.vector_store_idx %arg11[%get3A_140], %broadcast_in_dim3A_1 {add = true} : memref<4096xi32, #tpu.memory_space<vmem>>[vector<16xi32>], vector<16xi32>,
      }
      %scan3A_39 = arith.constant 256 : i32
      %parallel_loop3A_40 = arith.constant 0 : i32
      %parallel_loop3A_41 = arith.constant 1024 : i32
      %parallel_loop3A_42 = arith.constant 1 : i32
      scf.for %parallel_loop3A_115 = %parallel_loop3A_40 to %parallel_loop3A_41 step %parallel_loop3A_42  : i32 {
        %parallel_loop3A_116 = arith.constant 16 : i32
        %parallel_loop3A_117 = arith.muli %parallel_loop3A_115, %parallel_loop3A_116 : i32
        %parallel_loop3A_118 = arith.index_cast %parallel_loop3A_117 : i32 to index
        %parallel_loop3A_119 = tpu.vector_load %arg9[%parallel_loop3A_118] {strides = array<i32>} : memref<16384xi32, #tpu.memory_space<vmem>>, vector<16xi32>,
        %parallel_loop3A_120 = arith.constant 16 : i32
        %parallel_loop3A_121 = arith.muli %parallel_loop3A_115, %parallel_loop3A_120 : i32
        %parallel_loop3A_122 = arith.index_cast %parallel_loop3A_121 : i32 to index
        %parallel_loop3A_123 = tpu.vector_load %arg4[%parallel_loop3A_122] {strides = array<i32>} : memref<16384xf32, #tpu.memory_space<vmem>>, vector<16xf32>,
        %parallel_loop3A_124 = arith.constant 0.000000e+00 : f32
        %parallel_loop3A_125 = vector.broadcast %parallel_loop3A_124 : f32 to vector<16xf32>
        %parallel_loop3A_126 = arith.addf %parallel_loop3A_123, %parallel_loop3A_125 : vector<16xf32>
        %parallel_loop3A_127 = tpu.bitcast %parallel_loop3A_126 : vector<16xf32> -> vector<16xi32>
        %parallel_loop3A_128 = arith.constant 31 : i32
        %parallel_loop3A_129 = vector.broadcast %parallel_loop3A_128 : i32 to vector<16xi32>
        %parallel_loop3A_130 = arith.shrsi %parallel_loop3A_127, %parallel_loop3A_129 : vector<16xi32>
        %parallel_loop3A_131 = arith.constant -2147483648 : i32
        %parallel_loop3A_132 = vector.broadcast %parallel_loop3A_131 : i32 to vector<16xi32>
        %parallel_loop3A_133 = arith.ori %parallel_loop3A_130, %parallel_loop3A_132 : vector<16xi32>
        %parallel_loop3A_134 = arith.xori %parallel_loop3A_127, %parallel_loop3A_133 : vector<16xi32>
        %parallel_loop3A_135 = arith.constant 10 : i32
        %parallel_loop3A_136 = vector.broadcast %parallel_loop3A_135 : i32 to vector<16xi32>
        %parallel_loop3A_137 = arith.shrui %parallel_loop3A_119, %parallel_loop3A_136 : vector<16xi32>
        %parallel_loop3A_138 = arith.constant 1023 : i32
        %parallel_loop3A_139 = vector.broadcast %parallel_loop3A_138 : i32 to vector<16xi32>
        %parallel_loop3A_140 = arith.andi %parallel_loop3A_119, %parallel_loop3A_139 : vector<16xi32>
        %parallel_loop3A_141 = arith.constant 4 : i32
        %parallel_loop3A_142 = vector.broadcast %parallel_loop3A_141 : i32 to vector<16xi32>
        %parallel_loop3A_143 = arith.shli %parallel_loop3A_140, %parallel_loop3A_142 : vector<16xi32>
        %parallel_loop3A_144 = arith.ori %parallel_loop3A_143, %parallel_loop3A_137 : vector<16xi32>
        tpu.vector_store_idx %arg5[%parallel_loop3A_144], %parallel_loop3A_134 : memref<16384xi32, #tpu.memory_space<vmem>>[vector<16xi32>], vector<16xi32>,
        %parallel_loop3A_145 = arith.constant 16 : i32
        %parallel_loop3A_146 = arith.muli %parallel_loop3A_115, %parallel_loop3A_145 : i32
        %parallel_loop3A_147 = vector.broadcast %parallel_loop3A_146 : i32 to vector<16xi32>
        %parallel_loop3A_148 = arith.addi %parallel_loop3A_147, %iota3A : vector<16xi32>
        tpu.vector_store_idx %arg7[%parallel_loop3A_144], %parallel_loop3A_148 : memref<16384xi32, #tpu.memory_space<vmem>>[vector<16xi32>], vector<16xi32>,
        %parallel_loop3A_149 = arith.constant 8 : i32
        %parallel_loop3A_150 = vector.broadcast %parallel_loop3A_149 : i32 to vector<16xi32>
        %parallel_loop3A_151 = arith.shrui %parallel_loop3A_134, %parallel_loop3A_150 : vector<16xi32>
        %parallel_loop3A_152 = arith.constant 255 : i32
        %parallel_loop3A_153 = vector.broadcast %parallel_loop3A_152 : i32 to vector<16xi32>
        %parallel_loop3A_154 = arith.andi %parallel_loop3A_151, %parallel_loop3A_153 : vector<16xi32>
        %parallel_loop3A_155 = arith.constant 4 : i32
        %parallel_loop3A_156 = vector.broadcast %parallel_loop3A_155 : i32 to vector<16xi32>
        %parallel_loop3A_157 = arith.shli %parallel_loop3A_154, %parallel_loop3A_156 : vector<16xi32>
        %parallel_loop3A_158 = arith.addi %parallel_loop3A_157, %parallel_loop3A_137 : vector<16xi32>
        tpu.vector_store_idx %arg10[%parallel_loop3A_144], %parallel_loop3A_158 : memref<16384xi32, #tpu.memory_space<vmem>>[vector<16xi32>], vector<16xi32>,
        tpu.vector_store_idx %arg12[%parallel_loop3A_158], %broadcast_in_dim3A_1 {add = true} : memref<4096xi32, #tpu.memory_space<vmem>>[vector<16xi32>], vector<16xi32>,
      } {sc.loop_unroll_factor = 8 : i64, sc.parallel_access}
      %parallel_loop3A_43 = arith.constant 0 : i32
      %parallel_loop3A_44 = arith.constant 256 : i32
      %parallel_loop3A_45 = arith.constant 1 : i32
      scf.for %parallel_loop3A_115 = %parallel_loop3A_43 to %parallel_loop3A_44 step %parallel_loop3A_45  : i32 {
        %parallel_loop3A_116 = arith.constant 16 : i32
        %parallel_loop3A_117 = arith.muli %parallel_loop3A_115, %parallel_loop3A_116 : i32
        %parallel_loop3A_118 = arith.index_cast %parallel_loop3A_117 : i32 to index
        %parallel_loop3A_119 = tpu.vector_load %arg12[%parallel_loop3A_118] {strides = array<i32>} : memref<4096xi32, #tpu.memory_space<vmem>>, vector<16xi32>,
        %parallel_loop3A_120 = arith.constant true
        %parallel_loop3A_121 = vector.broadcast %parallel_loop3A_120 : i1 to vector<16xi1>
        %parallel_loop3A_122 = tpu.scan <sum>, %parallel_loop3A_119 masked %parallel_loop3A_121 : vector<16xi32>, vector<16xi1> -> vector<16xi32>
        %parallel_loop3A_123 = arith.subi %parallel_loop3A_122, %parallel_loop3A_119 : vector<16xi32>
        %parallel_loop3A_124 = arith.constant 16 : i32
        %parallel_loop3A_125 = arith.muli %parallel_loop3A_115, %parallel_loop3A_124 : i32
        %parallel_loop3A_126 = arith.index_cast %parallel_loop3A_125 : i32 to index
        %parallel_loop3A_127 = tpu.vector_load %arg12[%parallel_loop3A_126] {strides = array<i32>} : memref<4096xi32, #tpu.memory_space<vmem>>, vector<16xi32>,
        tpu.vector_store %arg12[%parallel_loop3A_126], %parallel_loop3A_123 {strides = array<i32>} : memref<4096xi32, #tpu.memory_space<vmem>>, vector<16xi32>,
        %parallel_loop3A_128 = arith.constant true
        %parallel_loop3A_129 = vector.broadcast %parallel_loop3A_128 : i1 to vector<16xi1>
        %parallel_loop3A_130 = tpu.scan <sum>, %parallel_loop3A_119 masked %parallel_loop3A_129 : vector<16xi32>, vector<16xi1> -> vector<16xi32>
        %parallel_loop3A_131 = vector.extract %parallel_loop3A_130[15] : i32 from vector<16xi32>
        %parallel_loop3A_132 = arith.index_cast %parallel_loop3A_115 : i32 to index
        %parallel_loop3A_133 = memref.load %arg13[%parallel_loop3A_132] : memref<256xi32, #tpu.memory_space<smem>>
        memref.store %parallel_loop3A_131, %arg13[%parallel_loop3A_132] : memref<256xi32, #tpu.memory_space<smem>>
      } {sc.loop_unroll_factor = 8 : i64, sc.parallel_access}
      %scan3A_46 = arith.constant 0 : i32
      %scan3A_47 = arith.constant 0 : i32
      %scan3A_48 = arith.constant 256 : i32
      %scan3A_49 = arith.addi %scan3A_47, %scan3A_48 : i32
      %scan3A_50 = arith.constant 4 : i32
      %scan3A_51 = scf.for %scan3A_115 = %scan3A_47 to %scan3A_49 step %scan3A_50 iter_args(%scan3A_116 = %scan3A_46) -> (i32)  : i32 {
        %get3A = arith.index_cast %scan3A_115 : i32 to index
        %get3A_117 = memref.load %arg13[%get3A] : memref<256xi32, #tpu.memory_space<smem>>
        %swap3A = arith.index_cast %scan3A_115 : i32 to index
        %swap3A_118 = memref.load %arg13[%swap3A] : memref<256xi32, #tpu.memory_space<smem>>
        memref.store %scan3A_116, %arg13[%swap3A] : memref<256xi32, #tpu.memory_space<smem>>
        %add3A_119 = arith.addi %scan3A_116, %get3A_117 : i32
        %scan3A_120 = arith.constant 1 : i32
        %scan3A_121 = arith.addi %scan3A_115, %scan3A_120 : i32
        %get3A_122 = arith.index_cast %scan3A_121 : i32 to index
        %get3A_123 = memref.load %arg13[%get3A_122] : memref<256xi32, #tpu.memory_space<smem>>
        %swap3A_124 = arith.index_cast %scan3A_121 : i32 to index
        %swap3A_125 = memref.load %arg13[%swap3A_124] : memref<256xi32, #tpu.memory_space<smem>>
        memref.store %add3A_119, %arg13[%swap3A_124] : memref<256xi32, #tpu.memory_space<smem>>
        %add3A_126 = arith.addi %add3A_119, %get3A_123 : i32
        %scan3A_127 = arith.constant 2 : i32
        %scan3A_128 = arith.addi %scan3A_115, %scan3A_127 : i32
        %get3A_129 = arith.index_cast %scan3A_128 : i32 to index
        %get3A_130 = memref.load %arg13[%get3A_129] : memref<256xi32, #tpu.memory_space<smem>>
        %swap3A_131 = arith.index_cast %scan3A_128 : i32 to index
        %swap3A_132 = memref.load %arg13[%swap3A_131] : memref<256xi32, #tpu.memory_space<smem>>
        memref.store %add3A_126, %arg13[%swap3A_131] : memref<256xi32, #tpu.memory_space<smem>>
        %add3A_133 = arith.addi %add3A_126, %get3A_130 : i32
        %scan3A_134 = arith.constant 3 : i32
        %scan3A_135 = arith.addi %scan3A_115, %scan3A_134 : i32
        %get3A_136 = arith.index_cast %scan3A_135 : i32 to index
        %get3A_137 = memref.load %arg13[%get3A_136] : memref<256xi32, #tpu.memory_space<smem>>
        %swap3A_138 = arith.index_cast %scan3A_135 : i32 to index
        %swap3A_139 = memref.load %arg13[%swap3A_138] : memref<256xi32, #tpu.memory_space<smem>>
        memref.store %add3A_133, %arg13[%swap3A_138] : memref<256xi32, #tpu.memory_space<smem>>
        %add3A_140 = arith.addi %add3A_133, %get3A_137 : i32
        scf.yield %add3A_140 : i32
      }
      %scan3A_52 = arith.constant 256 : i32
      %parallel_loop3A_53 = arith.constant 0 : i32
      %parallel_loop3A_54 = arith.constant 256 : i32
      %parallel_loop3A_55 = arith.constant 1 : i32
      scf.for %parallel_loop3A_115 = %parallel_loop3A_53 to %parallel_loop3A_54 step %parallel_loop3A_55  : i32 {
        %parallel_loop3A_116 = arith.constant 16 : i32
        %parallel_loop3A_117 = arith.muli %parallel_loop3A_115, %parallel_loop3A_116 : i32
        %parallel_loop3A_118 = arith.index_cast %parallel_loop3A_117 : i32 to index
        %parallel_loop3A_119 = tpu.vector_load %arg12[%parallel_loop3A_118] {strides = array<i32>} : memref<4096xi32, #tpu.memory_space<vmem>>, vector<16xi32>,
        %parallel_loop3A_120 = arith.index_cast %parallel_loop3A_115 : i32 to index
        %parallel_loop3A_121 = memref.load %arg13[%parallel_loop3A_120] : memref<256xi32, #tpu.memory_space<smem>>
        %parallel_loop3A_122 = vector.broadcast %parallel_loop3A_121 : i32 to vector<16xi32>
        %parallel_loop3A_123 = arith.addi %parallel_loop3A_119, %parallel_loop3A_122 : vector<16xi32>
        %parallel_loop3A_124 = arith.constant 16 : i32
        %parallel_loop3A_125 = arith.muli %parallel_loop3A_115, %parallel_loop3A_124 : i32
        %parallel_loop3A_126 = arith.index_cast %parallel_loop3A_125 : i32 to index
        %parallel_loop3A_127 = tpu.vector_load %arg12[%parallel_loop3A_126] {strides = array<i32>} : memref<4096xi32, #tpu.memory_space<vmem>>, vector<16xi32>,
        tpu.vector_store %arg12[%parallel_loop3A_126], %parallel_loop3A_123 {strides = array<i32>} : memref<4096xi32, #tpu.memory_space<vmem>>, vector<16xi32>,
      } {sc.loop_unroll_factor = 8 : i64, sc.parallel_access}
      %parallel_loop3A_56 = arith.constant 0 : i32
      %parallel_loop3A_57 = arith.constant 256 : i32
      %parallel_loop3A_58 = arith.constant 1 : i32
      scf.for %parallel_loop3A_115 = %parallel_loop3A_56 to %parallel_loop3A_57 step %parallel_loop3A_58  : i32 {
        %parallel_loop3A_116 = arith.constant 16 : i32
        %parallel_loop3A_117 = arith.muli %parallel_loop3A_115, %parallel_loop3A_116 : i32
        %parallel_loop3A_118 = arith.index_cast %parallel_loop3A_117 : i32 to index
        %parallel_loop3A_119 = tpu.vector_load %arg11[%parallel_loop3A_118] {strides = array<i32>} : memref<4096xi32, #tpu.memory_space<vmem>>, vector<16xi32>,
        tpu.vector_store %arg11[%parallel_loop3A_118], %broadcast_in_dim3A_3 {strides = array<i32>} : memref<4096xi32, #tpu.memory_space<vmem>>, vector<16xi32>,
      } {sc.loop_unroll_factor = 8 : i64, sc.parallel_access}
      %scan3A_59 = arith.constant 0 : i32
      %scan3A_60 = arith.constant 0 : i32
      %scan3A_61 = arith.constant 256 : i32
      %scan3A_62 = arith.addi %scan3A_60, %scan3A_61 : i32
      %scan3A_63 = arith.constant 1 : i32
      scf.for %scan3A_115 = %scan3A_60 to %scan3A_62 step %scan3A_63  : i32 {
        %mul3A_116 = arith.constant 4 : i32
        %mul3A_117 = arith.muli %scan3A_115, %mul3A_116 : i32
        %add3A_118 = arith.constant 0 : i32
        %add3A_119 = arith.addi %mul3A_117, %add3A_118 : i32
        %mul3A_120 = arith.constant 16 : i32
        %mul3A_121 = arith.muli %add3A_119, %mul3A_120 : i32
        %get3A = arith.index_cast %mul3A_121 : i32 to index
        %get3A_122 = tpu.vector_load %arg10[%get3A] {strides = array<i32>} : memref<16384xi32, #tpu.memory_space<vmem>>, vector<16xi32>,
        %add3A_123 = arith.constant 1 : i32
        %add3A_124 = arith.addi %mul3A_117, %add3A_123 : i32
        %mul3A_125 = arith.constant 16 : i32
        %mul3A_126 = arith.muli %add3A_124, %mul3A_125 : i32
        %get3A_127 = arith.index_cast %mul3A_126 : i32 to index
        %get3A_128 = tpu.vector_load %arg10[%get3A_127] {strides = array<i32>} : memref<16384xi32, #tpu.memory_space<vmem>>, vector<16xi32>,
        %add3A_129 = arith.constant 2 : i32
        %add3A_130 = arith.addi %mul3A_117, %add3A_129 : i32
        %mul3A_131 = arith.constant 16 : i32
        %mul3A_132 = arith.muli %add3A_130, %mul3A_131 : i32
        %get3A_133 = arith.index_cast %mul3A_132 : i32 to index
        %get3A_134 = tpu.vector_load %arg10[%get3A_133] {strides = array<i32>} : memref<16384xi32, #tpu.memory_space<vmem>>, vector<16xi32>,
        %add3A_135 = arith.constant 3 : i32
        %add3A_136 = arith.addi %mul3A_117, %add3A_135 : i32
        %mul3A_137 = arith.constant 16 : i32
        %mul3A_138 = arith.muli %add3A_136, %mul3A_137 : i32
        %get3A_139 = arith.index_cast %mul3A_138 : i32 to index
        %get3A_140 = tpu.vector_load %arg10[%get3A_139] {strides = array<i32>} : memref<16384xi32, #tpu.memory_space<vmem>>, vector<16xi32>,
        %gather3A = tpu.vector_load_idx %arg12[%get3A_122] : memref<4096xi32, #tpu.memory_space<vmem>>[vector<16xi32>], vector<16xi32>,
        %gather3A_141 = tpu.vector_load_idx %arg12[%get3A_128] : memref<4096xi32, #tpu.memory_space<vmem>>[vector<16xi32>], vector<16xi32>,
        %gather3A_142 = tpu.vector_load_idx %arg12[%get3A_134] : memref<4096xi32, #tpu.memory_space<vmem>>[vector<16xi32>], vector<16xi32>,
        %gather3A_143 = tpu.vector_load_idx %arg12[%get3A_140] : memref<4096xi32, #tpu.memory_space<vmem>>[vector<16xi32>], vector<16xi32>,
        %eq3A = arith.cmpi eq, %get3A_128, %get3A_122 : vector<16xi32>
        %jit3A = arith.constant 1 : i32
        %jit3A_144 = arith.constant 0 : i32
        %broadcast_in_dim3A_145 = vector.broadcast %jit3A : i32 to vector<16xi32>
        %broadcast_in_dim3A_146 = vector.broadcast %jit3A_144 : i32 to vector<16xi32>
        %select_n3A = arith.select %eq3A, %broadcast_in_dim3A_145, %broadcast_in_dim3A_146 : vector<16xi1>, vector<16xi32>
        %add3A_147 = arith.addi %gather3A_141, %select_n3A : vector<16xi32>
        %eq3A_148 = arith.cmpi eq, %get3A_134, %get3A_122 : vector<16xi32>
        %jit3A_149 = arith.constant 1 : i32
        %jit3A_150 = arith.constant 0 : i32
        %broadcast_in_dim3A_151 = vector.broadcast %jit3A_149 : i32 to vector<16xi32>
        %broadcast_in_dim3A_152 = vector.broadcast %jit3A_150 : i32 to vector<16xi32>
        %select_n3A_153 = arith.select %eq3A_148, %broadcast_in_dim3A_151, %broadcast_in_dim3A_152 : vector<16xi1>, vector<16xi32>
        %add3A_154 = arith.addi %gather3A_142, %select_n3A_153 : vector<16xi32>
        %eq3A_155 = arith.cmpi eq, %get3A_134, %get3A_128 : vector<16xi32>
        %jit3A_156 = arith.constant 1 : i32
        %jit3A_157 = arith.constant 0 : i32
        %broadcast_in_dim3A_158 = vector.broadcast %jit3A_156 : i32 to vector<16xi32>
        %broadcast_in_dim3A_159 = vector.broadcast %jit3A_157 : i32 to vector<16xi32>
        %select_n3A_160 = arith.select %eq3A_155, %broadcast_in_dim3A_158, %broadcast_in_dim3A_159 : vector<16xi1>, vector<16xi32>
        %add3A_161 = arith.addi %add3A_154, %select_n3A_160 : vector<16xi32>
        %eq3A_162 = arith.cmpi eq, %get3A_140, %get3A_122 : vector<16xi32>
        %jit3A_163 = arith.constant 1 : i32
        %jit3A_164 = arith.constant 0 : i32
        %broadcast_in_dim3A_165 = vector.broadcast %jit3A_163 : i32 to vector<16xi32>
        %broadcast_in_dim3A_166 = vector.broadcast %jit3A_164 : i32 to vector<16xi32>
        %select_n3A_167 = arith.select %eq3A_162, %broadcast_in_dim3A_165, %broadcast_in_dim3A_166 : vector<16xi1>, vector<16xi32>
        %add3A_168 = arith.addi %gather3A_143, %select_n3A_167 : vector<16xi32>
        %eq3A_169 = arith.cmpi eq, %get3A_140, %get3A_128 : vector<16xi32>
        %jit3A_170 = arith.constant 1 : i32
        %jit3A_171 = arith.constant 0 : i32
        %broadcast_in_dim3A_172 = vector.broadcast %jit3A_170 : i32 to vector<16xi32>
        %broadcast_in_dim3A_173 = vector.broadcast %jit3A_171 : i32 to vector<16xi32>
        %select_n3A_174 = arith.select %eq3A_169, %broadcast_in_dim3A_172, %broadcast_in_dim3A_173 : vector<16xi1>, vector<16xi32>
        %add3A_175 = arith.addi %add3A_168, %select_n3A_174 : vector<16xi32>
        %eq3A_176 = arith.cmpi eq, %get3A_140, %get3A_134 : vector<16xi32>
        %jit3A_177 = arith.constant 1 : i32
        %jit3A_178 = arith.constant 0 : i32
        %broadcast_in_dim3A_179 = vector.broadcast %jit3A_177 : i32 to vector<16xi32>
        %broadcast_in_dim3A_180 = vector.broadcast %jit3A_178 : i32 to vector<16xi32>
        %select_n3A_181 = arith.select %eq3A_176, %broadcast_in_dim3A_179, %broadcast_in_dim3A_180 : vector<16xi1>, vector<16xi32>
        %add3A_182 = arith.addi %add3A_175, %select_n3A_181 : vector<16xi32>
        %add3A_183 = arith.constant 0 : i32
        %add3A_184 = arith.addi %mul3A_117, %add3A_183 : i32
        %mul3A_185 = arith.constant 16 : i32
        %mul3A_186 = arith.muli %add3A_184, %mul3A_185 : i32
        %swap3A = arith.index_cast %mul3A_186 : i32 to index
        %swap3A_187 = tpu.vector_load %arg10[%swap3A] {strides = array<i32>} : memref<16384xi32, #tpu.memory_space<vmem>>, vector<16xi32>,
        tpu.vector_store %arg10[%swap3A], %gather3A {strides = array<i32>} : memref<16384xi32, #tpu.memory_space<vmem>>, vector<16xi32>,
        %add3A_188 = arith.constant 1 : i32
        %add3A_189 = arith.addi %mul3A_117, %add3A_188 : i32
        %mul3A_190 = arith.constant 16 : i32
        %mul3A_191 = arith.muli %add3A_189, %mul3A_190 : i32
        %swap3A_192 = arith.index_cast %mul3A_191 : i32 to index
        %swap3A_193 = tpu.vector_load %arg10[%swap3A_192] {strides = array<i32>} : memref<16384xi32, #tpu.memory_space<vmem>>, vector<16xi32>,
        tpu.vector_store %arg10[%swap3A_192], %add3A_147 {strides = array<i32>} : memref<16384xi32, #tpu.memory_space<vmem>>, vector<16xi32>,
        %add3A_194 = arith.constant 2 : i32
        %add3A_195 = arith.addi %mul3A_117, %add3A_194 : i32
        %mul3A_196 = arith.constant 16 : i32
        %mul3A_197 = arith.muli %add3A_195, %mul3A_196 : i32
        %swap3A_198 = arith.index_cast %mul3A_197 : i32 to index
        %swap3A_199 = tpu.vector_load %arg10[%swap3A_198] {strides = array<i32>} : memref<16384xi32, #tpu.memory_space<vmem>>, vector<16xi32>,
        tpu.vector_store %arg10[%swap3A_198], %add3A_161 {strides = array<i32>} : memref<16384xi32, #tpu.memory_space<vmem>>, vector<16xi32>,
        %add3A_200 = arith.constant 3 : i32
        %add3A_201 = arith.addi %mul3A_117, %add3A_200 : i32
        %mul3A_202 = arith.constant 16 : i32
        %mul3A_203 = arith.muli %add3A_201, %mul3A_202 : i32
        %swap3A_204 = arith.index_cast %mul3A_203 : i32 to index
        %swap3A_205 = tpu.vector_load %arg10[%swap3A_204] {strides = array<i32>} : memref<16384xi32, #tpu.memory_space<vmem>>, vector<16xi32>,
        tpu.vector_store %arg10[%swap3A_204], %add3A_182 {strides = array<i32>} : memref<16384xi32, #tpu.memory_space<vmem>>, vector<16xi32>,
        tpu.vector_store_idx %arg12[%get3A_122], %broadcast_in_dim3A_1 {add = true} : memref<4096xi32, #tpu.memory_space<vmem>>[vector<16xi32>], vector<16xi32>,
        tpu.vector_store_idx %arg12[%get3A_128], %broadcast_in_dim3A_1 {add = true} : memref<4096xi32, #tpu.memory_space<vmem>>[vector<16xi32>], vector<16xi32>,
        tpu.vector_store_idx %arg12[%get3A_134], %broadcast_in_dim3A_1 {add = true} : memref<4096xi32, #tpu.memory_space<vmem>>[vector<16xi32>], vector<16xi32>,
        tpu.vector_store_idx %arg12[%get3A_140], %broadcast_in_dim3A_1 {add = true} : memref<4096xi32, #tpu.memory_space<vmem>>[vector<16xi32>], vector<16xi32>,
      }
      %scan3A_64 = arith.constant 256 : i32
      %parallel_loop3A_65 = arith.constant 0 : i32
      %parallel_loop3A_66 = arith.constant 1024 : i32
      %parallel_loop3A_67 = arith.constant 1 : i32
      scf.for %parallel_loop3A_115 = %parallel_loop3A_65 to %parallel_loop3A_66 step %parallel_loop3A_67  : i32 {
        %parallel_loop3A_116 = arith.constant 16 : i32
        %parallel_loop3A_117 = arith.muli %parallel_loop3A_115, %parallel_loop3A_116 : i32
        %parallel_loop3A_118 = arith.index_cast %parallel_loop3A_117 : i32 to index
        %parallel_loop3A_119 = tpu.vector_load %arg10[%parallel_loop3A_118] {strides = array<i32>} : memref<16384xi32, #tpu.memory_space<vmem>>, vector<16xi32>,
        %parallel_loop3A_120 = arith.constant 16 : i32
        %parallel_loop3A_121 = arith.muli %parallel_loop3A_115, %parallel_loop3A_120 : i32
        %parallel_loop3A_122 = arith.index_cast %parallel_loop3A_121 : i32 to index
        %parallel_loop3A_123 = tpu.vector_load %arg5[%parallel_loop3A_122] {strides = array<i32>} : memref<16384xi32, #tpu.memory_space<vmem>>, vector<16xi32>,
        %parallel_loop3A_124 = arith.constant 10 : i32
        %parallel_loop3A_125 = vector.broadcast %parallel_loop3A_124 : i32 to vector<16xi32>
        %parallel_loop3A_126 = arith.shrui %parallel_loop3A_119, %parallel_loop3A_125 : vector<16xi32>
        %parallel_loop3A_127 = arith.constant 1023 : i32
        %parallel_loop3A_128 = vector.broadcast %parallel_loop3A_127 : i32 to vector<16xi32>
        %parallel_loop3A_129 = arith.andi %parallel_loop3A_119, %parallel_loop3A_128 : vector<16xi32>
        %parallel_loop3A_130 = arith.constant 4 : i32
        %parallel_loop3A_131 = vector.broadcast %parallel_loop3A_130 : i32 to vector<16xi32>
        %parallel_loop3A_132 = arith.shli %parallel_loop3A_129, %parallel_loop3A_131 : vector<16xi32>
        %parallel_loop3A_133 = arith.ori %parallel_loop3A_132, %parallel_loop3A_126 : vector<16xi32>
        tpu.vector_store_idx %arg6[%parallel_loop3A_133], %parallel_loop3A_123 : memref<16384xi32, #tpu.memory_space<vmem>>[vector<16xi32>], vector<16xi32>,
        %parallel_loop3A_134 = arith.constant 16 : i32
        %parallel_loop3A_135 = arith.muli %parallel_loop3A_115, %parallel_loop3A_134 : i32
        %parallel_loop3A_136 = arith.index_cast %parallel_loop3A_135 : i32 to index
        %parallel_loop3A_137 = tpu.vector_load %arg7[%parallel_loop3A_136] {strides = array<i32>} : memref<16384xi32, #tpu.memory_space<vmem>>, vector<16xi32>,
        tpu.vector_store_idx %arg8[%parallel_loop3A_133], %parallel_loop3A_137 : memref<16384xi32, #tpu.memory_space<vmem>>[vector<16xi32>], vector<16xi32>,
        %parallel_loop3A_138 = arith.constant 16 : i32
        %parallel_loop3A_139 = vector.broadcast %parallel_loop3A_138 : i32 to vector<16xi32>
        %parallel_loop3A_140 = arith.shrui %parallel_loop3A_123, %parallel_loop3A_139 : vector<16xi32>
        %parallel_loop3A_141 = arith.constant 255 : i32
        %parallel_loop3A_142 = vector.broadcast %parallel_loop3A_141 : i32 to vector<16xi32>
        %parallel_loop3A_143 = arith.andi %parallel_loop3A_140, %parallel_loop3A_142 : vector<16xi32>
        %parallel_loop3A_144 = arith.constant 4 : i32
        %parallel_loop3A_145 = vector.broadcast %parallel_loop3A_144 : i32 to vector<16xi32>
        %parallel_loop3A_146 = arith.shli %parallel_loop3A_143, %parallel_loop3A_145 : vector<16xi32>
        %parallel_loop3A_147 = arith.addi %parallel_loop3A_146, %parallel_loop3A_126 : vector<16xi32>
        tpu.vector_store_idx %arg9[%parallel_loop3A_133], %parallel_loop3A_147 : memref<16384xi32, #tpu.memory_space<vmem>>[vector<16xi32>], vector<16xi32>,
        tpu.vector_store_idx %arg11[%parallel_loop3A_147], %broadcast_in_dim3A_1 {add = true} : memref<4096xi32, #tpu.memory_space<vmem>>[vector<16xi32>], vector<16xi32>,
      } {sc.loop_unroll_factor = 8 : i64, sc.parallel_access}
      %parallel_loop3A_68 = arith.constant 0 : i32
      %parallel_loop3A_69 = arith.constant 256 : i32
      %parallel_loop3A_70 = arith.constant 1 : i32
      scf.for %parallel_loop3A_115 = %parallel_loop3A_68 to %parallel_loop3A_69 step %parallel_loop3A_70  : i32 {
        %parallel_loop3A_116 = arith.constant 16 : i32
        %parallel_loop3A_117 = arith.muli %parallel_loop3A_115, %parallel_loop3A_116 : i32
        %parallel_loop3A_118 = arith.index_cast %parallel_loop3A_117 : i32 to index
        %parallel_loop3A_119 = tpu.vector_load %arg11[%parallel_loop3A_118] {strides = array<i32>} : memref<4096xi32, #tpu.memory_space<vmem>>, vector<16xi32>,
        %parallel_loop3A_120 = arith.constant true
        %parallel_loop3A_121 = vector.broadcast %parallel_loop3A_120 : i1 to vector<16xi1>
        %parallel_loop3A_122 = tpu.scan <sum>, %parallel_loop3A_119 masked %parallel_loop3A_121 : vector<16xi32>, vector<16xi1> -> vector<16xi32>
        %parallel_loop3A_123 = arith.subi %parallel_loop3A_122, %parallel_loop3A_119 : vector<16xi32>
        %parallel_loop3A_124 = arith.constant 16 : i32
        %parallel_loop3A_125 = arith.muli %parallel_loop3A_115, %parallel_loop3A_124 : i32
        %parallel_loop3A_126 = arith.index_cast %parallel_loop3A_125 : i32 to index
        %parallel_loop3A_127 = tpu.vector_load %arg11[%parallel_loop3A_126] {strides = array<i32>} : memref<4096xi32, #tpu.memory_space<vmem>>, vector<16xi32>,
        tpu.vector_store %arg11[%parallel_loop3A_126], %parallel_loop3A_123 {strides = array<i32>} : memref<4096xi32, #tpu.memory_space<vmem>>, vector<16xi32>,
        %parallel_loop3A_128 = arith.constant true
        %parallel_loop3A_129 = vector.broadcast %parallel_loop3A_128 : i1 to vector<16xi1>
        %parallel_loop3A_130 = tpu.scan <sum>, %parallel_loop3A_119 masked %parallel_loop3A_129 : vector<16xi32>, vector<16xi1> -> vector<16xi32>
        %parallel_loop3A_131 = vector.extract %parallel_loop3A_130[15] : i32 from vector<16xi32>
        %parallel_loop3A_132 = arith.index_cast %parallel_loop3A_115 : i32 to index
        %parallel_loop3A_133 = memref.load %arg13[%parallel_loop3A_132] : memref<256xi32, #tpu.memory_space<smem>>
        memref.store %parallel_loop3A_131, %arg13[%parallel_loop3A_132] : memref<256xi32, #tpu.memory_space<smem>>
      } {sc.loop_unroll_factor = 8 : i64, sc.parallel_access}
      %scan3A_71 = arith.constant 0 : i32
      %scan3A_72 = arith.constant 0 : i32
      %scan3A_73 = arith.constant 256 : i32
      %scan3A_74 = arith.addi %scan3A_72, %scan3A_73 : i32
      %scan3A_75 = arith.constant 4 : i32
      %scan3A_76 = scf.for %scan3A_115 = %scan3A_72 to %scan3A_74 step %scan3A_75 iter_args(%scan3A_116 = %scan3A_71) -> (i32)  : i32 {
        %get3A = arith.index_cast %scan3A_115 : i32 to index
        %get3A_117 = memref.load %arg13[%get3A] : memref<256xi32, #tpu.memory_space<smem>>
        %swap3A = arith.index_cast %scan3A_115 : i32 to index
        %swap3A_118 = memref.load %arg13[%swap3A] : memref<256xi32, #tpu.memory_space<smem>>
        memref.store %scan3A_116, %arg13[%swap3A] : memref<256xi32, #tpu.memory_space<smem>>
        %add3A_119 = arith.addi %scan3A_116, %get3A_117 : i32
        %scan3A_120 = arith.constant 1 : i32
        %scan3A_121 = arith.addi %scan3A_115, %scan3A_120 : i32
        %get3A_122 = arith.index_cast %scan3A_121 : i32 to index
        %get3A_123 = memref.load %arg13[%get3A_122] : memref<256xi32, #tpu.memory_space<smem>>
        %swap3A_124 = arith.index_cast %scan3A_121 : i32 to index
        %swap3A_125 = memref.load %arg13[%swap3A_124] : memref<256xi32, #tpu.memory_space<smem>>
        memref.store %add3A_119, %arg13[%swap3A_124] : memref<256xi32, #tpu.memory_space<smem>>
        %add3A_126 = arith.addi %add3A_119, %get3A_123 : i32
        %scan3A_127 = arith.constant 2 : i32
        %scan3A_128 = arith.addi %scan3A_115, %scan3A_127 : i32
        %get3A_129 = arith.index_cast %scan3A_128 : i32 to index
        %get3A_130 = memref.load %arg13[%get3A_129] : memref<256xi32, #tpu.memory_space<smem>>
        %swap3A_131 = arith.index_cast %scan3A_128 : i32 to index
        %swap3A_132 = memref.load %arg13[%swap3A_131] : memref<256xi32, #tpu.memory_space<smem>>
        memref.store %add3A_126, %arg13[%swap3A_131] : memref<256xi32, #tpu.memory_space<smem>>
        %add3A_133 = arith.addi %add3A_126, %get3A_130 : i32
        %scan3A_134 = arith.constant 3 : i32
        %scan3A_135 = arith.addi %scan3A_115, %scan3A_134 : i32
        %get3A_136 = arith.index_cast %scan3A_135 : i32 to index
        %get3A_137 = memref.load %arg13[%get3A_136] : memref<256xi32, #tpu.memory_space<smem>>
        %swap3A_138 = arith.index_cast %scan3A_135 : i32 to index
        %swap3A_139 = memref.load %arg13[%swap3A_138] : memref<256xi32, #tpu.memory_space<smem>>
        memref.store %add3A_133, %arg13[%swap3A_138] : memref<256xi32, #tpu.memory_space<smem>>
        %add3A_140 = arith.addi %add3A_133, %get3A_137 : i32
        scf.yield %add3A_140 : i32
      }
      %scan3A_77 = arith.constant 256 : i32
      %parallel_loop3A_78 = arith.constant 0 : i32
      %parallel_loop3A_79 = arith.constant 256 : i32
      %parallel_loop3A_80 = arith.constant 1 : i32
      scf.for %parallel_loop3A_115 = %parallel_loop3A_78 to %parallel_loop3A_79 step %parallel_loop3A_80  : i32 {
        %parallel_loop3A_116 = arith.constant 16 : i32
        %parallel_loop3A_117 = arith.muli %parallel_loop3A_115, %parallel_loop3A_116 : i32
        %parallel_loop3A_118 = arith.index_cast %parallel_loop3A_117 : i32 to index
        %parallel_loop3A_119 = tpu.vector_load %arg11[%parallel_loop3A_118] {strides = array<i32>} : memref<4096xi32, #tpu.memory_space<vmem>>, vector<16xi32>,
        %parallel_loop3A_120 = arith.index_cast %parallel_loop3A_115 : i32 to index
        %parallel_loop3A_121 = memref.load %arg13[%parallel_loop3A_120] : memref<256xi32, #tpu.memory_space<smem>>
        %parallel_loop3A_122 = vector.broadcast %parallel_loop3A_121 : i32 to vector<16xi32>
        %parallel_loop3A_123 = arith.addi %parallel_loop3A_119, %parallel_loop3A_122 : vector<16xi32>
        %parallel_loop3A_124 = arith.constant 16 : i32
        %parallel_loop3A_125 = arith.muli %parallel_loop3A_115, %parallel_loop3A_124 : i32
        %parallel_loop3A_126 = arith.index_cast %parallel_loop3A_125 : i32 to index
        %parallel_loop3A_127 = tpu.vector_load %arg11[%parallel_loop3A_126] {strides = array<i32>} : memref<4096xi32, #tpu.memory_space<vmem>>, vector<16xi32>,
        tpu.vector_store %arg11[%parallel_loop3A_126], %parallel_loop3A_123 {strides = array<i32>} : memref<4096xi32, #tpu.memory_space<vmem>>, vector<16xi32>,
      } {sc.loop_unroll_factor = 8 : i64, sc.parallel_access}
      %parallel_loop3A_81 = arith.constant 0 : i32
      %parallel_loop3A_82 = arith.constant 256 : i32
      %parallel_loop3A_83 = arith.constant 1 : i32
      scf.for %parallel_loop3A_115 = %parallel_loop3A_81 to %parallel_loop3A_82 step %parallel_loop3A_83  : i32 {
        %parallel_loop3A_116 = arith.constant 16 : i32
        %parallel_loop3A_117 = arith.muli %parallel_loop3A_115, %parallel_loop3A_116 : i32
        %parallel_loop3A_118 = arith.index_cast %parallel_loop3A_117 : i32 to index
        %parallel_loop3A_119 = tpu.vector_load %arg12[%parallel_loop3A_118] {strides = array<i32>} : memref<4096xi32, #tpu.memory_space<vmem>>, vector<16xi32>,
        tpu.vector_store %arg12[%parallel_loop3A_118], %broadcast_in_dim3A_3 {strides = array<i32>} : memref<4096xi32, #tpu.memory_space<vmem>>, vector<16xi32>,
      } {sc.loop_unroll_factor = 8 : i64, sc.parallel_access}
      %scan3A_84 = arith.constant 0 : i32
      %scan3A_85 = arith.constant 0 : i32
      %scan3A_86 = arith.constant 256 : i32
      %scan3A_87 = arith.addi %scan3A_85, %scan3A_86 : i32
      %scan3A_88 = arith.constant 1 : i32
      scf.for %scan3A_115 = %scan3A_85 to %scan3A_87 step %scan3A_88  : i32 {
        %mul3A_116 = arith.constant 4 : i32
        %mul3A_117 = arith.muli %scan3A_115, %mul3A_116 : i32
        %add3A_118 = arith.constant 0 : i32
        %add3A_119 = arith.addi %mul3A_117, %add3A_118 : i32
        %mul3A_120 = arith.constant 16 : i32
        %mul3A_121 = arith.muli %add3A_119, %mul3A_120 : i32
        %get3A = arith.index_cast %mul3A_121 : i32 to index
        %get3A_122 = tpu.vector_load %arg9[%get3A] {strides = array<i32>} : memref<16384xi32, #tpu.memory_space<vmem>>, vector<16xi32>,
        %add3A_123 = arith.constant 1 : i32
        %add3A_124 = arith.addi %mul3A_117, %add3A_123 : i32
        %mul3A_125 = arith.constant 16 : i32
        %mul3A_126 = arith.muli %add3A_124, %mul3A_125 : i32
        %get3A_127 = arith.index_cast %mul3A_126 : i32 to index
        %get3A_128 = tpu.vector_load %arg9[%get3A_127] {strides = array<i32>} : memref<16384xi32, #tpu.memory_space<vmem>>, vector<16xi32>,
        %add3A_129 = arith.constant 2 : i32
        %add3A_130 = arith.addi %mul3A_117, %add3A_129 : i32
        %mul3A_131 = arith.constant 16 : i32
        %mul3A_132 = arith.muli %add3A_130, %mul3A_131 : i32
        %get3A_133 = arith.index_cast %mul3A_132 : i32 to index
        %get3A_134 = tpu.vector_load %arg9[%get3A_133] {strides = array<i32>} : memref<16384xi32, #tpu.memory_space<vmem>>, vector<16xi32>,
        %add3A_135 = arith.constant 3 : i32
        %add3A_136 = arith.addi %mul3A_117, %add3A_135 : i32
        %mul3A_137 = arith.constant 16 : i32
        %mul3A_138 = arith.muli %add3A_136, %mul3A_137 : i32
        %get3A_139 = arith.index_cast %mul3A_138 : i32 to index
        %get3A_140 = tpu.vector_load %arg9[%get3A_139] {strides = array<i32>} : memref<16384xi32, #tpu.memory_space<vmem>>, vector<16xi32>,
        %gather3A = tpu.vector_load_idx %arg11[%get3A_122] : memref<4096xi32, #tpu.memory_space<vmem>>[vector<16xi32>], vector<16xi32>,
        %gather3A_141 = tpu.vector_load_idx %arg11[%get3A_128] : memref<4096xi32, #tpu.memory_space<vmem>>[vector<16xi32>], vector<16xi32>,
        %gather3A_142 = tpu.vector_load_idx %arg11[%get3A_134] : memref<4096xi32, #tpu.memory_space<vmem>>[vector<16xi32>], vector<16xi32>,
        %gather3A_143 = tpu.vector_load_idx %arg11[%get3A_140] : memref<4096xi32, #tpu.memory_space<vmem>>[vector<16xi32>], vector<16xi32>,
        %eq3A = arith.cmpi eq, %get3A_128, %get3A_122 : vector<16xi32>
        %jit3A = arith.constant 1 : i32
        %jit3A_144 = arith.constant 0 : i32
        %broadcast_in_dim3A_145 = vector.broadcast %jit3A : i32 to vector<16xi32>
        %broadcast_in_dim3A_146 = vector.broadcast %jit3A_144 : i32 to vector<16xi32>
        %select_n3A = arith.select %eq3A, %broadcast_in_dim3A_145, %broadcast_in_dim3A_146 : vector<16xi1>, vector<16xi32>
        %add3A_147 = arith.addi %gather3A_141, %select_n3A : vector<16xi32>
        %eq3A_148 = arith.cmpi eq, %get3A_134, %get3A_122 : vector<16xi32>
        %jit3A_149 = arith.constant 1 : i32
        %jit3A_150 = arith.constant 0 : i32
        %broadcast_in_dim3A_151 = vector.broadcast %jit3A_149 : i32 to vector<16xi32>
        %broadcast_in_dim3A_152 = vector.broadcast %jit3A_150 : i32 to vector<16xi32>
        %select_n3A_153 = arith.select %eq3A_148, %broadcast_in_dim3A_151, %broadcast_in_dim3A_152 : vector<16xi1>, vector<16xi32>
        %add3A_154 = arith.addi %gather3A_142, %select_n3A_153 : vector<16xi32>
        %eq3A_155 = arith.cmpi eq, %get3A_134, %get3A_128 : vector<16xi32>
        %jit3A_156 = arith.constant 1 : i32
        %jit3A_157 = arith.constant 0 : i32
        %broadcast_in_dim3A_158 = vector.broadcast %jit3A_156 : i32 to vector<16xi32>
        %broadcast_in_dim3A_159 = vector.broadcast %jit3A_157 : i32 to vector<16xi32>
        %select_n3A_160 = arith.select %eq3A_155, %broadcast_in_dim3A_158, %broadcast_in_dim3A_159 : vector<16xi1>, vector<16xi32>
        %add3A_161 = arith.addi %add3A_154, %select_n3A_160 : vector<16xi32>
        %eq3A_162 = arith.cmpi eq, %get3A_140, %get3A_122 : vector<16xi32>
        %jit3A_163 = arith.constant 1 : i32
        %jit3A_164 = arith.constant 0 : i32
        %broadcast_in_dim3A_165 = vector.broadcast %jit3A_163 : i32 to vector<16xi32>
        %broadcast_in_dim3A_166 = vector.broadcast %jit3A_164 : i32 to vector<16xi32>
        %select_n3A_167 = arith.select %eq3A_162, %broadcast_in_dim3A_165, %broadcast_in_dim3A_166 : vector<16xi1>, vector<16xi32>
        %add3A_168 = arith.addi %gather3A_143, %select_n3A_167 : vector<16xi32>
        %eq3A_169 = arith.cmpi eq, %get3A_140, %get3A_128 : vector<16xi32>
        %jit3A_170 = arith.constant 1 : i32
        %jit3A_171 = arith.constant 0 : i32
        %broadcast_in_dim3A_172 = vector.broadcast %jit3A_170 : i32 to vector<16xi32>
        %broadcast_in_dim3A_173 = vector.broadcast %jit3A_171 : i32 to vector<16xi32>
        %select_n3A_174 = arith.select %eq3A_169, %broadcast_in_dim3A_172, %broadcast_in_dim3A_173 : vector<16xi1>, vector<16xi32>
        %add3A_175 = arith.addi %add3A_168, %select_n3A_174 : vector<16xi32>
        %eq3A_176 = arith.cmpi eq, %get3A_140, %get3A_134 : vector<16xi32>
        %jit3A_177 = arith.constant 1 : i32
        %jit3A_178 = arith.constant 0 : i32
        %broadcast_in_dim3A_179 = vector.broadcast %jit3A_177 : i32 to vector<16xi32>
        %broadcast_in_dim3A_180 = vector.broadcast %jit3A_178 : i32 to vector<16xi32>
        %select_n3A_181 = arith.select %eq3A_176, %broadcast_in_dim3A_179, %broadcast_in_dim3A_180 : vector<16xi1>, vector<16xi32>
        %add3A_182 = arith.addi %add3A_175, %select_n3A_181 : vector<16xi32>
        %add3A_183 = arith.constant 0 : i32
        %add3A_184 = arith.addi %mul3A_117, %add3A_183 : i32
        %mul3A_185 = arith.constant 16 : i32
        %mul3A_186 = arith.muli %add3A_184, %mul3A_185 : i32
        %swap3A = arith.index_cast %mul3A_186 : i32 to index
        %swap3A_187 = tpu.vector_load %arg9[%swap3A] {strides = array<i32>} : memref<16384xi32, #tpu.memory_space<vmem>>, vector<16xi32>,
        tpu.vector_store %arg9[%swap3A], %gather3A {strides = array<i32>} : memref<16384xi32, #tpu.memory_space<vmem>>, vector<16xi32>,
        %add3A_188 = arith.constant 1 : i32
        %add3A_189 = arith.addi %mul3A_117, %add3A_188 : i32
        %mul3A_190 = arith.constant 16 : i32
        %mul3A_191 = arith.muli %add3A_189, %mul3A_190 : i32
        %swap3A_192 = arith.index_cast %mul3A_191 : i32 to index
        %swap3A_193 = tpu.vector_load %arg9[%swap3A_192] {strides = array<i32>} : memref<16384xi32, #tpu.memory_space<vmem>>, vector<16xi32>,
        tpu.vector_store %arg9[%swap3A_192], %add3A_147 {strides = array<i32>} : memref<16384xi32, #tpu.memory_space<vmem>>, vector<16xi32>,
        %add3A_194 = arith.constant 2 : i32
        %add3A_195 = arith.addi %mul3A_117, %add3A_194 : i32
        %mul3A_196 = arith.constant 16 : i32
        %mul3A_197 = arith.muli %add3A_195, %mul3A_196 : i32
        %swap3A_198 = arith.index_cast %mul3A_197 : i32 to index
        %swap3A_199 = tpu.vector_load %arg9[%swap3A_198] {strides = array<i32>} : memref<16384xi32, #tpu.memory_space<vmem>>, vector<16xi32>,
        tpu.vector_store %arg9[%swap3A_198], %add3A_161 {strides = array<i32>} : memref<16384xi32, #tpu.memory_space<vmem>>, vector<16xi32>,
        %add3A_200 = arith.constant 3 : i32
        %add3A_201 = arith.addi %mul3A_117, %add3A_200 : i32
        %mul3A_202 = arith.constant 16 : i32
        %mul3A_203 = arith.muli %add3A_201, %mul3A_202 : i32
        %swap3A_204 = arith.index_cast %mul3A_203 : i32 to index
        %swap3A_205 = tpu.vector_load %arg9[%swap3A_204] {strides = array<i32>} : memref<16384xi32, #tpu.memory_space<vmem>>, vector<16xi32>,
        tpu.vector_store %arg9[%swap3A_204], %add3A_182 {strides = array<i32>} : memref<16384xi32, #tpu.memory_space<vmem>>, vector<16xi32>,
        tpu.vector_store_idx %arg11[%get3A_122], %broadcast_in_dim3A_1 {add = true} : memref<4096xi32, #tpu.memory_space<vmem>>[vector<16xi32>], vector<16xi32>,
        tpu.vector_store_idx %arg11[%get3A_128], %broadcast_in_dim3A_1 {add = true} : memref<4096xi32, #tpu.memory_space<vmem>>[vector<16xi32>], vector<16xi32>,
        tpu.vector_store_idx %arg11[%get3A_134], %broadcast_in_dim3A_1 {add = true} : memref<4096xi32, #tpu.memory_space<vmem>>[vector<16xi32>], vector<16xi32>,
        tpu.vector_store_idx %arg11[%get3A_140], %broadcast_in_dim3A_1 {add = true} : memref<4096xi32, #tpu.memory_space<vmem>>[vector<16xi32>], vector<16xi32>,
      }
      %scan3A_89 = arith.constant 256 : i32
      %parallel_loop3A_90 = arith.constant 0 : i32
      %parallel_loop3A_91 = arith.constant 1024 : i32
      %parallel_loop3A_92 = arith.constant 1 : i32
      scf.for %parallel_loop3A_115 = %parallel_loop3A_90 to %parallel_loop3A_91 step %parallel_loop3A_92  : i32 {
        %parallel_loop3A_116 = arith.constant 16 : i32
        %parallel_loop3A_117 = arith.muli %parallel_loop3A_115, %parallel_loop3A_116 : i32
        %parallel_loop3A_118 = arith.index_cast %parallel_loop3A_117 : i32 to index
        %parallel_loop3A_119 = tpu.vector_load %arg9[%parallel_loop3A_118] {strides = array<i32>} : memref<16384xi32, #tpu.memory_space<vmem>>, vector<16xi32>,
        %parallel_loop3A_120 = arith.constant 16 : i32
        %parallel_loop3A_121 = arith.muli %parallel_loop3A_115, %parallel_loop3A_120 : i32
        %parallel_loop3A_122 = arith.index_cast %parallel_loop3A_121 : i32 to index
        %parallel_loop3A_123 = tpu.vector_load %arg6[%parallel_loop3A_122] {strides = array<i32>} : memref<16384xi32, #tpu.memory_space<vmem>>, vector<16xi32>,
        %parallel_loop3A_124 = arith.constant 10 : i32
        %parallel_loop3A_125 = vector.broadcast %parallel_loop3A_124 : i32 to vector<16xi32>
        %parallel_loop3A_126 = arith.shrui %parallel_loop3A_119, %parallel_loop3A_125 : vector<16xi32>
        %parallel_loop3A_127 = arith.constant 1023 : i32
        %parallel_loop3A_128 = vector.broadcast %parallel_loop3A_127 : i32 to vector<16xi32>
        %parallel_loop3A_129 = arith.andi %parallel_loop3A_119, %parallel_loop3A_128 : vector<16xi32>
        %parallel_loop3A_130 = arith.constant 4 : i32
        %parallel_loop3A_131 = vector.broadcast %parallel_loop3A_130 : i32 to vector<16xi32>
        %parallel_loop3A_132 = arith.shli %parallel_loop3A_129, %parallel_loop3A_131 : vector<16xi32>
        %parallel_loop3A_133 = arith.ori %parallel_loop3A_132, %parallel_loop3A_126 : vector<16xi32>
        tpu.vector_store_idx %arg5[%parallel_loop3A_133], %parallel_loop3A_123 : memref<16384xi32, #tpu.memory_space<vmem>>[vector<16xi32>], vector<16xi32>,
        %parallel_loop3A_134 = arith.constant 16 : i32
        %parallel_loop3A_135 = arith.muli %parallel_loop3A_115, %parallel_loop3A_134 : i32
        %parallel_loop3A_136 = arith.index_cast %parallel_loop3A_135 : i32 to index
        %parallel_loop3A_137 = tpu.vector_load %arg8[%parallel_loop3A_136] {strides = array<i32>} : memref<16384xi32, #tpu.memory_space<vmem>>, vector<16xi32>,
        tpu.vector_store_idx %arg7[%parallel_loop3A_133], %parallel_loop3A_137 : memref<16384xi32, #tpu.memory_space<vmem>>[vector<16xi32>], vector<16xi32>,
        %parallel_loop3A_138 = arith.constant 24 : i32
        %parallel_loop3A_139 = vector.broadcast %parallel_loop3A_138 : i32 to vector<16xi32>
        %parallel_loop3A_140 = arith.shrui %parallel_loop3A_123, %parallel_loop3A_139 : vector<16xi32>
        %parallel_loop3A_141 = arith.constant 255 : i32
        %parallel_loop3A_142 = vector.broadcast %parallel_loop3A_141 : i32 to vector<16xi32>
        %parallel_loop3A_143 = arith.andi %parallel_loop3A_140, %parallel_loop3A_142 : vector<16xi32>
        %parallel_loop3A_144 = arith.constant 4 : i32
        %parallel_loop3A_145 = vector.broadcast %parallel_loop3A_144 : i32 to vector<16xi32>
        %parallel_loop3A_146 = arith.shli %parallel_loop3A_143, %parallel_loop3A_145 : vector<16xi32>
        %parallel_loop3A_147 = arith.addi %parallel_loop3A_146, %parallel_loop3A_126 : vector<16xi32>
        tpu.vector_store_idx %arg10[%parallel_loop3A_133], %parallel_loop3A_147 : memref<16384xi32, #tpu.memory_space<vmem>>[vector<16xi32>], vector<16xi32>,
        tpu.vector_store_idx %arg12[%parallel_loop3A_147], %broadcast_in_dim3A_1 {add = true} : memref<4096xi32, #tpu.memory_space<vmem>>[vector<16xi32>], vector<16xi32>,
      } {sc.loop_unroll_factor = 8 : i64, sc.parallel_access}
      %parallel_loop3A_93 = arith.constant 0 : i32
      %parallel_loop3A_94 = arith.constant 256 : i32
      %parallel_loop3A_95 = arith.constant 1 : i32
      scf.for %parallel_loop3A_115 = %parallel_loop3A_93 to %parallel_loop3A_94 step %parallel_loop3A_95  : i32 {
        %parallel_loop3A_116 = arith.constant 16 : i32
        %parallel_loop3A_117 = arith.muli %parallel_loop3A_115, %parallel_loop3A_116 : i32
        %parallel_loop3A_118 = arith.index_cast %parallel_loop3A_117 : i32 to index
        %parallel_loop3A_119 = tpu.vector_load %arg12[%parallel_loop3A_118] {strides = array<i32>} : memref<4096xi32, #tpu.memory_space<vmem>>, vector<16xi32>,
        %parallel_loop3A_120 = arith.constant true
        %parallel_loop3A_121 = vector.broadcast %parallel_loop3A_120 : i1 to vector<16xi1>
        %parallel_loop3A_122 = tpu.scan <sum>, %parallel_loop3A_119 masked %parallel_loop3A_121 : vector<16xi32>, vector<16xi1> -> vector<16xi32>
        %parallel_loop3A_123 = arith.subi %parallel_loop3A_122, %parallel_loop3A_119 : vector<16xi32>
        %parallel_loop3A_124 = arith.constant 16 : i32
        %parallel_loop3A_125 = arith.muli %parallel_loop3A_115, %parallel_loop3A_124 : i32
        %parallel_loop3A_126 = arith.index_cast %parallel_loop3A_125 : i32 to index
        %parallel_loop3A_127 = tpu.vector_load %arg12[%parallel_loop3A_126] {strides = array<i32>} : memref<4096xi32, #tpu.memory_space<vmem>>, vector<16xi32>,
        tpu.vector_store %arg12[%parallel_loop3A_126], %parallel_loop3A_123 {strides = array<i32>} : memref<4096xi32, #tpu.memory_space<vmem>>, vector<16xi32>,
        %parallel_loop3A_128 = arith.constant true
        %parallel_loop3A_129 = vector.broadcast %parallel_loop3A_128 : i1 to vector<16xi1>
        %parallel_loop3A_130 = tpu.scan <sum>, %parallel_loop3A_119 masked %parallel_loop3A_129 : vector<16xi32>, vector<16xi1> -> vector<16xi32>
        %parallel_loop3A_131 = vector.extract %parallel_loop3A_130[15] : i32 from vector<16xi32>
        %parallel_loop3A_132 = arith.index_cast %parallel_loop3A_115 : i32 to index
        %parallel_loop3A_133 = memref.load %arg13[%parallel_loop3A_132] : memref<256xi32, #tpu.memory_space<smem>>
        memref.store %parallel_loop3A_131, %arg13[%parallel_loop3A_132] : memref<256xi32, #tpu.memory_space<smem>>
      } {sc.loop_unroll_factor = 8 : i64, sc.parallel_access}
      %scan3A_96 = arith.constant 0 : i32
      %scan3A_97 = arith.constant 0 : i32
      %scan3A_98 = arith.constant 256 : i32
      %scan3A_99 = arith.addi %scan3A_97, %scan3A_98 : i32
      %scan3A_100 = arith.constant 4 : i32
      %scan3A_101 = scf.for %scan3A_115 = %scan3A_97 to %scan3A_99 step %scan3A_100 iter_args(%scan3A_116 = %scan3A_96) -> (i32)  : i32 {
        %get3A = arith.index_cast %scan3A_115 : i32 to index
        %get3A_117 = memref.load %arg13[%get3A] : memref<256xi32, #tpu.memory_space<smem>>
        %swap3A = arith.index_cast %scan3A_115 : i32 to index
        %swap3A_118 = memref.load %arg13[%swap3A] : memref<256xi32, #tpu.memory_space<smem>>
        memref.store %scan3A_116, %arg13[%swap3A] : memref<256xi32, #tpu.memory_space<smem>>
        %add3A_119 = arith.addi %scan3A_116, %get3A_117 : i32
        %scan3A_120 = arith.constant 1 : i32
        %scan3A_121 = arith.addi %scan3A_115, %scan3A_120 : i32
        %get3A_122 = arith.index_cast %scan3A_121 : i32 to index
        %get3A_123 = memref.load %arg13[%get3A_122] : memref<256xi32, #tpu.memory_space<smem>>
        %swap3A_124 = arith.index_cast %scan3A_121 : i32 to index
        %swap3A_125 = memref.load %arg13[%swap3A_124] : memref<256xi32, #tpu.memory_space<smem>>
        memref.store %add3A_119, %arg13[%swap3A_124] : memref<256xi32, #tpu.memory_space<smem>>
        %add3A_126 = arith.addi %add3A_119, %get3A_123 : i32
        %scan3A_127 = arith.constant 2 : i32
        %scan3A_128 = arith.addi %scan3A_115, %scan3A_127 : i32
        %get3A_129 = arith.index_cast %scan3A_128 : i32 to index
        %get3A_130 = memref.load %arg13[%get3A_129] : memref<256xi32, #tpu.memory_space<smem>>
        %swap3A_131 = arith.index_cast %scan3A_128 : i32 to index
        %swap3A_132 = memref.load %arg13[%swap3A_131] : memref<256xi32, #tpu.memory_space<smem>>
        memref.store %add3A_126, %arg13[%swap3A_131] : memref<256xi32, #tpu.memory_space<smem>>
        %add3A_133 = arith.addi %add3A_126, %get3A_130 : i32
        %scan3A_134 = arith.constant 3 : i32
        %scan3A_135 = arith.addi %scan3A_115, %scan3A_134 : i32
        %get3A_136 = arith.index_cast %scan3A_135 : i32 to index
        %get3A_137 = memref.load %arg13[%get3A_136] : memref<256xi32, #tpu.memory_space<smem>>
        %swap3A_138 = arith.index_cast %scan3A_135 : i32 to index
        %swap3A_139 = memref.load %arg13[%swap3A_138] : memref<256xi32, #tpu.memory_space<smem>>
        memref.store %add3A_133, %arg13[%swap3A_138] : memref<256xi32, #tpu.memory_space<smem>>
        %add3A_140 = arith.addi %add3A_133, %get3A_137 : i32
        scf.yield %add3A_140 : i32
      }
      %scan3A_102 = arith.constant 256 : i32
      %parallel_loop3A_103 = arith.constant 0 : i32
      %parallel_loop3A_104 = arith.constant 256 : i32
      %parallel_loop3A_105 = arith.constant 1 : i32
      scf.for %parallel_loop3A_115 = %parallel_loop3A_103 to %parallel_loop3A_104 step %parallel_loop3A_105  : i32 {
        %parallel_loop3A_116 = arith.constant 16 : i32
        %parallel_loop3A_117 = arith.muli %parallel_loop3A_115, %parallel_loop3A_116 : i32
        %parallel_loop3A_118 = arith.index_cast %parallel_loop3A_117 : i32 to index
        %parallel_loop3A_119 = tpu.vector_load %arg12[%parallel_loop3A_118] {strides = array<i32>} : memref<4096xi32, #tpu.memory_space<vmem>>, vector<16xi32>,
        %parallel_loop3A_120 = arith.index_cast %parallel_loop3A_115 : i32 to index
        %parallel_loop3A_121 = memref.load %arg13[%parallel_loop3A_120] : memref<256xi32, #tpu.memory_space<smem>>
        %parallel_loop3A_122 = vector.broadcast %parallel_loop3A_121 : i32 to vector<16xi32>
        %parallel_loop3A_123 = arith.addi %parallel_loop3A_119, %parallel_loop3A_122 : vector<16xi32>
        %parallel_loop3A_124 = arith.constant 16 : i32
        %parallel_loop3A_125 = arith.muli %parallel_loop3A_115, %parallel_loop3A_124 : i32
        %parallel_loop3A_126 = arith.index_cast %parallel_loop3A_125 : i32 to index
        %parallel_loop3A_127 = tpu.vector_load %arg12[%parallel_loop3A_126] {strides = array<i32>} : memref<4096xi32, #tpu.memory_space<vmem>>, vector<16xi32>,
        tpu.vector_store %arg12[%parallel_loop3A_126], %parallel_loop3A_123 {strides = array<i32>} : memref<4096xi32, #tpu.memory_space<vmem>>, vector<16xi32>,
      } {sc.loop_unroll_factor = 8 : i64, sc.parallel_access}
      %scan3A_106 = arith.constant 0 : i32
      %scan3A_107 = arith.constant 0 : i32
      %scan3A_108 = arith.constant 256 : i32
      %scan3A_109 = arith.addi %scan3A_107, %scan3A_108 : i32
      %scan3A_110 = arith.constant 1 : i32
      scf.for %scan3A_115 = %scan3A_107 to %scan3A_109 step %scan3A_110  : i32 {
        %mul3A_116 = arith.constant 4 : i32
        %mul3A_117 = arith.muli %scan3A_115, %mul3A_116 : i32
        %add3A_118 = arith.constant 0 : i32
        %add3A_119 = arith.addi %mul3A_117, %add3A_118 : i32
        %mul3A_120 = arith.constant 16 : i32
        %mul3A_121 = arith.muli %add3A_119, %mul3A_120 : i32
        %get3A = arith.index_cast %mul3A_121 : i32 to index
        %get3A_122 = tpu.vector_load %arg10[%get3A] {strides = array<i32>} : memref<16384xi32, #tpu.memory_space<vmem>>, vector<16xi32>,
        %add3A_123 = arith.constant 1 : i32
        %add3A_124 = arith.addi %mul3A_117, %add3A_123 : i32
        %mul3A_125 = arith.constant 16 : i32
        %mul3A_126 = arith.muli %add3A_124, %mul3A_125 : i32
        %get3A_127 = arith.index_cast %mul3A_126 : i32 to index
        %get3A_128 = tpu.vector_load %arg10[%get3A_127] {strides = array<i32>} : memref<16384xi32, #tpu.memory_space<vmem>>, vector<16xi32>,
        %add3A_129 = arith.constant 2 : i32
        %add3A_130 = arith.addi %mul3A_117, %add3A_129 : i32
        %mul3A_131 = arith.constant 16 : i32
        %mul3A_132 = arith.muli %add3A_130, %mul3A_131 : i32
        %get3A_133 = arith.index_cast %mul3A_132 : i32 to index
        %get3A_134 = tpu.vector_load %arg10[%get3A_133] {strides = array<i32>} : memref<16384xi32, #tpu.memory_space<vmem>>, vector<16xi32>,
        %add3A_135 = arith.constant 3 : i32
        %add3A_136 = arith.addi %mul3A_117, %add3A_135 : i32
        %mul3A_137 = arith.constant 16 : i32
        %mul3A_138 = arith.muli %add3A_136, %mul3A_137 : i32
        %get3A_139 = arith.index_cast %mul3A_138 : i32 to index
        %get3A_140 = tpu.vector_load %arg10[%get3A_139] {strides = array<i32>} : memref<16384xi32, #tpu.memory_space<vmem>>, vector<16xi32>,
        %gather3A = tpu.vector_load_idx %arg12[%get3A_122] : memref<4096xi32, #tpu.memory_space<vmem>>[vector<16xi32>], vector<16xi32>,
        %gather3A_141 = tpu.vector_load_idx %arg12[%get3A_128] : memref<4096xi32, #tpu.memory_space<vmem>>[vector<16xi32>], vector<16xi32>,
        %gather3A_142 = tpu.vector_load_idx %arg12[%get3A_134] : memref<4096xi32, #tpu.memory_space<vmem>>[vector<16xi32>], vector<16xi32>,
        %gather3A_143 = tpu.vector_load_idx %arg12[%get3A_140] : memref<4096xi32, #tpu.memory_space<vmem>>[vector<16xi32>], vector<16xi32>,
        %eq3A = arith.cmpi eq, %get3A_128, %get3A_122 : vector<16xi32>
        %jit3A = arith.constant 1 : i32
        %jit3A_144 = arith.constant 0 : i32
        %broadcast_in_dim3A_145 = vector.broadcast %jit3A : i32 to vector<16xi32>
        %broadcast_in_dim3A_146 = vector.broadcast %jit3A_144 : i32 to vector<16xi32>
        %select_n3A = arith.select %eq3A, %broadcast_in_dim3A_145, %broadcast_in_dim3A_146 : vector<16xi1>, vector<16xi32>
        %add3A_147 = arith.addi %gather3A_141, %select_n3A : vector<16xi32>
        %eq3A_148 = arith.cmpi eq, %get3A_134, %get3A_122 : vector<16xi32>
        %jit3A_149 = arith.constant 1 : i32
        %jit3A_150 = arith.constant 0 : i32
        %broadcast_in_dim3A_151 = vector.broadcast %jit3A_149 : i32 to vector<16xi32>
        %broadcast_in_dim3A_152 = vector.broadcast %jit3A_150 : i32 to vector<16xi32>
        %select_n3A_153 = arith.select %eq3A_148, %broadcast_in_dim3A_151, %broadcast_in_dim3A_152 : vector<16xi1>, vector<16xi32>
        %add3A_154 = arith.addi %gather3A_142, %select_n3A_153 : vector<16xi32>
        %eq3A_155 = arith.cmpi eq, %get3A_134, %get3A_128 : vector<16xi32>
        %jit3A_156 = arith.constant 1 : i32
        %jit3A_157 = arith.constant 0 : i32
        %broadcast_in_dim3A_158 = vector.broadcast %jit3A_156 : i32 to vector<16xi32>
        %broadcast_in_dim3A_159 = vector.broadcast %jit3A_157 : i32 to vector<16xi32>
        %select_n3A_160 = arith.select %eq3A_155, %broadcast_in_dim3A_158, %broadcast_in_dim3A_159 : vector<16xi1>, vector<16xi32>
        %add3A_161 = arith.addi %add3A_154, %select_n3A_160 : vector<16xi32>
        %eq3A_162 = arith.cmpi eq, %get3A_140, %get3A_122 : vector<16xi32>
        %jit3A_163 = arith.constant 1 : i32
        %jit3A_164 = arith.constant 0 : i32
        %broadcast_in_dim3A_165 = vector.broadcast %jit3A_163 : i32 to vector<16xi32>
        %broadcast_in_dim3A_166 = vector.broadcast %jit3A_164 : i32 to vector<16xi32>
        %select_n3A_167 = arith.select %eq3A_162, %broadcast_in_dim3A_165, %broadcast_in_dim3A_166 : vector<16xi1>, vector<16xi32>
        %add3A_168 = arith.addi %gather3A_143, %select_n3A_167 : vector<16xi32>
        %eq3A_169 = arith.cmpi eq, %get3A_140, %get3A_128 : vector<16xi32>
        %jit3A_170 = arith.constant 1 : i32
        %jit3A_171 = arith.constant 0 : i32
        %broadcast_in_dim3A_172 = vector.broadcast %jit3A_170 : i32 to vector<16xi32>
        %broadcast_in_dim3A_173 = vector.broadcast %jit3A_171 : i32 to vector<16xi32>
        %select_n3A_174 = arith.select %eq3A_169, %broadcast_in_dim3A_172, %broadcast_in_dim3A_173 : vector<16xi1>, vector<16xi32>
        %add3A_175 = arith.addi %add3A_168, %select_n3A_174 : vector<16xi32>
        %eq3A_176 = arith.cmpi eq, %get3A_140, %get3A_134 : vector<16xi32>
        %jit3A_177 = arith.constant 1 : i32
        %jit3A_178 = arith.constant 0 : i32
        %broadcast_in_dim3A_179 = vector.broadcast %jit3A_177 : i32 to vector<16xi32>
        %broadcast_in_dim3A_180 = vector.broadcast %jit3A_178 : i32 to vector<16xi32>
        %select_n3A_181 = arith.select %eq3A_176, %broadcast_in_dim3A_179, %broadcast_in_dim3A_180 : vector<16xi1>, vector<16xi32>
        %add3A_182 = arith.addi %add3A_175, %select_n3A_181 : vector<16xi32>
        %add3A_183 = arith.constant 0 : i32
        %add3A_184 = arith.addi %mul3A_117, %add3A_183 : i32
        %mul3A_185 = arith.constant 16 : i32
        %mul3A_186 = arith.muli %add3A_184, %mul3A_185 : i32
        %swap3A = arith.index_cast %mul3A_186 : i32 to index
        %swap3A_187 = tpu.vector_load %arg10[%swap3A] {strides = array<i32>} : memref<16384xi32, #tpu.memory_space<vmem>>, vector<16xi32>,
        tpu.vector_store %arg10[%swap3A], %gather3A {strides = array<i32>} : memref<16384xi32, #tpu.memory_space<vmem>>, vector<16xi32>,
        %add3A_188 = arith.constant 1 : i32
        %add3A_189 = arith.addi %mul3A_117, %add3A_188 : i32
        %mul3A_190 = arith.constant 16 : i32
        %mul3A_191 = arith.muli %add3A_189, %mul3A_190 : i32
        %swap3A_192 = arith.index_cast %mul3A_191 : i32 to index
        %swap3A_193 = tpu.vector_load %arg10[%swap3A_192] {strides = array<i32>} : memref<16384xi32, #tpu.memory_space<vmem>>, vector<16xi32>,
        tpu.vector_store %arg10[%swap3A_192], %add3A_147 {strides = array<i32>} : memref<16384xi32, #tpu.memory_space<vmem>>, vector<16xi32>,
        %add3A_194 = arith.constant 2 : i32
        %add3A_195 = arith.addi %mul3A_117, %add3A_194 : i32
        %mul3A_196 = arith.constant 16 : i32
        %mul3A_197 = arith.muli %add3A_195, %mul3A_196 : i32
        %swap3A_198 = arith.index_cast %mul3A_197 : i32 to index
        %swap3A_199 = tpu.vector_load %arg10[%swap3A_198] {strides = array<i32>} : memref<16384xi32, #tpu.memory_space<vmem>>, vector<16xi32>,
        tpu.vector_store %arg10[%swap3A_198], %add3A_161 {strides = array<i32>} : memref<16384xi32, #tpu.memory_space<vmem>>, vector<16xi32>,
        %add3A_200 = arith.constant 3 : i32
        %add3A_201 = arith.addi %mul3A_117, %add3A_200 : i32
        %mul3A_202 = arith.constant 16 : i32
        %mul3A_203 = arith.muli %add3A_201, %mul3A_202 : i32
        %swap3A_204 = arith.index_cast %mul3A_203 : i32 to index
        %swap3A_205 = tpu.vector_load %arg10[%swap3A_204] {strides = array<i32>} : memref<16384xi32, #tpu.memory_space<vmem>>, vector<16xi32>,
        tpu.vector_store %arg10[%swap3A_204], %add3A_182 {strides = array<i32>} : memref<16384xi32, #tpu.memory_space<vmem>>, vector<16xi32>,
        tpu.vector_store_idx %arg12[%get3A_122], %broadcast_in_dim3A_1 {add = true} : memref<4096xi32, #tpu.memory_space<vmem>>[vector<16xi32>], vector<16xi32>,
        tpu.vector_store_idx %arg12[%get3A_128], %broadcast_in_dim3A_1 {add = true} : memref<4096xi32, #tpu.memory_space<vmem>>[vector<16xi32>], vector<16xi32>,
        tpu.vector_store_idx %arg12[%get3A_134], %broadcast_in_dim3A_1 {add = true} : memref<4096xi32, #tpu.memory_space<vmem>>[vector<16xi32>], vector<16xi32>,
        tpu.vector_store_idx %arg12[%get3A_140], %broadcast_in_dim3A_1 {add = true} : memref<4096xi32, #tpu.memory_space<vmem>>[vector<16xi32>], vector<16xi32>,
      }
      %scan3A_111 = arith.constant 256 : i32
      %parallel_loop3A_112 = arith.constant 0 : i32
      %parallel_loop3A_113 = arith.constant 1024 : i32
      %parallel_loop3A_114 = arith.constant 1 : i32
      scf.for %parallel_loop3A_115 = %parallel_loop3A_112 to %parallel_loop3A_113 step %parallel_loop3A_114  : i32 {
        %parallel_loop3A_116 = arith.constant 16 : i32
        %parallel_loop3A_117 = arith.muli %parallel_loop3A_115, %parallel_loop3A_116 : i32
        %parallel_loop3A_118 = arith.index_cast %parallel_loop3A_117 : i32 to index
        %parallel_loop3A_119 = tpu.vector_load %arg10[%parallel_loop3A_118] {strides = array<i32>} : memref<16384xi32, #tpu.memory_space<vmem>>, vector<16xi32>,
        %parallel_loop3A_120 = arith.constant 1 : i32
        %parallel_loop3A_121 = vector.broadcast %parallel_loop3A_120 : i32 to vector<16xi32>
        %parallel_loop3A_122 = arith.addi %parallel_loop3A_119, %parallel_loop3A_121 : vector<16xi32>
        %parallel_loop3A_123 = arith.sitofp %parallel_loop3A_122 : vector<16xi32> to vector<16xf32>
        %parallel_loop3A_124 = arith.constant 6.10314309E-5 : f32
        %parallel_loop3A_125 = vector.broadcast %parallel_loop3A_124 : f32 to vector<16xf32>
        %parallel_loop3A_126 = arith.mulf %parallel_loop3A_123, %parallel_loop3A_125 : vector<16xf32>
        %parallel_loop3A_127 = arith.constant 16 : i32
        %parallel_loop3A_128 = arith.muli %parallel_loop3A_115, %parallel_loop3A_127 : i32
        %parallel_loop3A_129 = arith.index_cast %parallel_loop3A_128 : i32 to index
        %parallel_loop3A_130 = tpu.vector_load %arg7[%parallel_loop3A_129] {strides = array<i32>} : memref<16384xi32, #tpu.memory_space<vmem>>, vector<16xi32>,
        tpu.vector_store_idx %arg4[%parallel_loop3A_130], %parallel_loop3A_126 : memref<16384xf32, #tpu.memory_space<vmem>>[vector<16xi32>], vector<16xf32>,
      } {sc.loop_unroll_factor = 8 : i64, sc.parallel_access}
      %run_scoped3A = arith.constant 0 : i32
      "tpu.region"() ({
        %run_scoped3A_115 = tpu.sem_alloc : memref<!tpu.dma_semaphore, #tpu.memory_space<semaphore_mem>>
        %dma_start3A = arith.constant 0 : i32
        %dma_start3A_116 = tpu.memref_slice %arg3[%run_scoped3A, %add3A_12, %dma_start3A] : memref<1x256x16384xf32, #tpu.memory_space<hbm>> -> memref<1x1x16384xf32, #tpu.memory_space<hbm>>
        %dma_start3A_117 = tpu.memref_squeeze %dma_start3A_116 : memref<1x1x16384xf32, #tpu.memory_space<hbm>> -> memref<16384xf32, #tpu.memory_space<hbm>>
        %dma_start3A_118 = arith.constant 0 : i32
        %dma_start3A_119 = tpu.memref_slice %arg3[%run_scoped3A, %add3A_12, %dma_start3A_118] : memref<1x256x16384xf32, #tpu.memory_space<hbm>> -> memref<1x1x16384xf32, #tpu.memory_space<hbm>>
        %dma_start3A_120 = tpu.memref_squeeze %dma_start3A_119 : memref<1x1x16384xf32, #tpu.memory_space<hbm>> -> memref<16384xf32, #tpu.memory_space<hbm>>
        tpu.enqueue_dma source(%arg4 : memref<16384xf32, #tpu.memory_space<vmem>>) target(%dma_start3A_120 : memref<16384xf32, #tpu.memory_space<hbm>>) target_semaphore(%run_scoped3A_115 : memref<!tpu.dma_semaphore, #tpu.memory_space<semaphore_mem>>)
        %dma_wait3A = arith.constant 0 : i32
        %dma_wait3A_121 = tpu.memref_slice %arg3[%run_scoped3A, %add3A_12, %dma_wait3A] : memref<1x256x16384xf32, #tpu.memory_space<hbm>> -> memref<1x1x16384xf32, #tpu.memory_space<hbm>>
        %dma_wait3A_122 = tpu.memref_squeeze %dma_wait3A_121 : memref<1x1x16384xf32, #tpu.memory_space<hbm>> -> memref<16384xf32, #tpu.memory_space<hbm>>
        %dma_wait3A_123 = arith.constant 0 : i32
        %dma_wait3A_124 = tpu.memref_slice %arg3[%run_scoped3A, %add3A_12, %dma_wait3A_123] : memref<1x256x16384xf32, #tpu.memory_space<hbm>> -> memref<1x1x16384xf32, #tpu.memory_space<hbm>>
        %dma_wait3A_125 = tpu.memref_squeeze %dma_wait3A_124 : memref<1x1x16384xf32, #tpu.memory_space<hbm>> -> memref<16384xf32, #tpu.memory_space<hbm>>
        tpu.wait_dma2 semaphore(%run_scoped3A_115 : memref<!tpu.dma_semaphore, #tpu.memory_space<semaphore_mem>>) src(%arg4 : memref<16384xf32, #tpu.memory_space<vmem>>) dst(%dma_wait3A_125 : memref<16384xf32, #tpu.memory_space<hbm>>)
        tpu.yield
      }) : () -> ()
    }
    %scan3A_8 = arith.constant 8 : i32
    return
  }
}

</mosaic_0001>

<sc_bundles>
// kernel: kernel.3.cloned.1.call-start
scs
__scs_entry_jumppad:
0x0: {  	(pc) =	sbr.rel $0x88, $3  }
0x1: {  	(tag) =	ssettag $0x0;
	lr =	simm.s32 $0x1  }
0x2: {  	[smem:$0x3FA0] =	sst lr;
	_ =	strace $0xD0000000  }
0x3: {  	_ = 	snop  }
0x4: {  	_ = 	snop  }
0x5: {  	_ = 	snop  }
0x6: {  	_ = 	snop  }
0x7: {  	_ = 	snop  }
__scs_overlays_trampoline_lowered:
0x8: {  	[smem:$0x3FAF] =	sst s0  }
0x9: {  	[smem:$0x3FB0] =	sst s1  }
0xa: {  	[smem:$0x3FB1] =	sst s2  }
0xb: {  	[smem:$0x3FB2] =	sst s3  }
0xc: {  	[smem:$0x3FB3] =	sst s4  }
0xd: {  	[smem:$0x3FB4] =	sst s5  }
0xe: {  	[smem:$0x3FB5] =	sst s6  }
0xf: {  	[smem:$0x3FB6] =	sst s7  }
0x10: {  	[smem:$0x3FB7] =	sst s8  }
0x11: {  	[smem:$0x3FB8] =	sst s9;
	s0 =	simm.s32 @!p0 $0x0  }
0x12: {  	s1 =	sld [smem:$0x3F9E];
	s0 =	simm.s32 @p0 $0x1  }
0x13: {  	[smem:$0x3FB9] =	sst s0;
	s0 =	simm.s32 @!p1 $0x0  }
0x14: {  	s2 =	sld [smem:$0x3F9D];
	s0 =	simm.s32 @p1 $0x1  }
0x15: {  	[smem:$0x3FBA] =	sst s0;
	s0 =	simm.s32 @!p2 $0x0  }
0x16: {  	s3 =	sld [smem:$0x3FDB];
	s0 =	simm.s32 @p2 $0x1  }
0x17: {  	s4 =	simm.s32 $0x1BF5;
	[smem:$0x3FBC] =	sst s0  }
0x18: {  	s0 =	sld [smem:$0x3F9F];
	_ =	swait.ge [sflag:s4], $0x0  }
0x19: {  	s7 =	sld [smem:$0x3FA0]  }
0x1a: {  	s8 =	sadd.s32 $0xFFFFE003, lr  }
0x1b: {  	s9 =	sadd.s32 $0xFFFFFEF7, lr;
	s5 =	simm.s32 $0xFFFFFFFF;
	p2 =	slt.u32 s8, $0xFFFFF086  }
0x1c: {  	p1 =	slt.u32 s9, $0xF7A;
	s5 =	simm.s32 @!p2 $0x0  }
0x1d: {  	s5 =	simm.s32 @p1 $0x1;
	p0 =	seq.s32 s7, s2  }
0x1e: {  	s7 =	smul.u32 @!p0 $0xF7A, s2;
	p2 =	seq.s32 @!p0 s5, $0x0  }
0x1f: {  	s9 =	smul.u32 $0xF7A, s1;
	s8 =	simm.s32 @!p0 $0x1BF5;
	p2 =	por !p2, p0  }
0x20: {  	[sflag:s8] =	ssyncset.s32 @!p0 $0xFFFFF086;
	s6 =	sadd.s32 @!p0 s3, s7;
	s7 =	simm.s32 @!p0 $0x108  }
0x21: {  	s3 =	sadd.s32 s3, s9;
	s6 =	sadd.s32 @!p0 $0x88, s6;
	s7 =	simm.s32 @p2 $0x1082  }
0x22: {  	[simem:s7], [sflag:s8] =	dma.local @!p0 [hbm:s6], $0xF7A  }
0x23: {  	s9 =	sor.u32 $0xD0000000, s2;
	s6 =	simm.s32 $0x108;
	_ =	swait.ge @!p0 [sflag:s8], $0x0  }
0x24: {  	s3 =	sadd.s32 $0x88, s3;
	s6 =	simm.s32 @!p1 $0x1082;
	[sflag:s4] =	ssyncset.s32 $0xFFFFF086  }
0x25: {  	[simem:s6], [sflag:s4] =	dma.local [hbm:s3], $0xF7A  }
0x26: {  	[smem:$0x3FA0] =	sst s1;
	(tag) =	ssettag s2;
	_ =	strace s9  }
0x27: {  	s1 =	sld [smem:$0x3FB0]  }
0x28: {  	s2 =	sld [smem:$0x3FB1]  }
0x29: {  	s4 =	sld [smem:$0x3FB3]  }
0x2a: {  	p0 =	seq.s32 s5, $0x0;
	s5 =	sld [smem:$0x3FB4]  }
0x2b: {  	s6 =	sld [smem:$0x3FB5]  }
0x2c: {  	s7 =	sld [smem:$0x3FB6]  }
0x2d: {  	s3 =	simm.s32 $0x108;
	s8 =	sld [smem:$0x3FB7]  }
0x2e: {  	s3 =	simm.s32 @!p0 $0x1082;
	s9 =	sld [smem:$0x3FB8]  }
0x2f: {  	lr =	sadd.s32 s0, s3;
	s0 =	sld [smem:$0x3FAF]  }
0x30: {  	s3 =	sld [smem:$0x3FB2]  }
0x31: {  	[smem:$0x3FBB] =	sst s10  }
0x32: {  	s10 =	sld [smem:$0x3FB9];
	_ =	sdelay $0x3  }
0x33: {  	p0 =	seq.s32 s10, $0x1;
	s10 =	sld [smem:$0x3FBB];
	_ =	sdelay $0x3  }
0x34: {  	[smem:$0x3FBB] =	sst s10  }
0x35: {  	s10 =	sld [smem:$0x3FBA];
	_ =	sdelay $0x3  }
0x36: {  	p1 =	seq.s32 s10, $0x1;
	s10 =	sld [smem:$0x3FBB];
	_ =	sdelay $0x3  }
0x37: {  	[smem:$0x3FBB] =	sst s10  }
0x38: {  	s10 =	sld [smem:$0x3FBC]  }
0x39: {  	_ = 	snop;
	(pc) =	sbr.ind lr, $3  }
0x3a: {  	_ = 	snop  }
0x3b: {  	_ = 	snop  }
0x3c: {  	p2 =	seq.s32 s10, $0x1;
	s10 =	sld [smem:$0x3FBB]  }
0x3d: {  	_ =	shalt  }
0x3e: {  	_ =	shalt  }
0x3f: {  	_ =	shalt  }
0x40: {  	_ =	shalt  }
0x41: {  	_ =	shalt  }
0x42: {  	_ =	shalt  }
0x43: {  	_ =	shalt  }
0x44: {  	_ =	shalt  }
0x45: {  	_ =	shalt  }
0x46: {  	_ =	shalt  }
0x47: {  	_ =	shalt  }
0x48: {  	_ =	shalt  }
0x49: {  	_ =	shalt  }
0x4a: {  	_ =	shalt  }
0x4b: {  	_ =	shalt  }
0x4c: {  	_ =	shalt  }
0x4d: {  	_ =	shalt  }
0x4e: {  	_ =	shalt  }
0x4f: {  	_ =	shalt  }
0x50: {  	_ =	shalt  }
0x51: {  	_ =	shalt  }
0x52: {  	_ =	shalt  }
0x53: {  	_ =	shalt  }
0x54: {  	_ =	shalt  }
0x55: {  	_ =	shalt  }
0x56: {  	_ =	shalt  }
0x57: {  	_ =	shalt  }
0x58: {  	_ =	shalt  }
0x59: {  	_ =	shalt  }
0x5a: {  	_ =	shalt  }
0x5b: {  	_ =	shalt  }
0x5c: {  	_ =	shalt  }
0x5d: {  	_ =	shalt  }
0x5e: {  	_ =	shalt  }
0x5f: {  	_ =	shalt  }
0x60: {  	_ =	shalt  }
0x61: {  	_ =	shalt  }
0x62: {  	_ =	shalt  }
0x63: {  	_ =	shalt  }
0x64: {  	_ =	shalt  }
0x65: {  	_ =	shalt  }
0x66: {  	_ =	shalt  }
0x67: {  	_ =	shalt  }
0x68: {  	_ =	shalt  }
0x69: {  	_ =	shalt  }
0x6a: {  	_ =	shalt  }
0x6b: {  	_ =	shalt  }
0x6c: {  	_ =	shalt  }
0x6d: {  	_ =	shalt  }
0x6e: {  	_ =	shalt  }
0x6f: {  	_ =	shalt  }
0x70: {  	_ =	shalt  }
0x71: {  	_ =	shalt  }
0x72: {  	_ =	shalt  }
0x73: {  	_ =	shalt  }
0x74: {  	_ =	shalt  }
0x75: {  	_ =	shalt  }
0x76: {  	_ =	shalt  }
0x77: {  	_ =	shalt  }
0x78: {  	_ =	shalt  }
0x79: {  	_ =	shalt  }
0x7a: {  	_ =	shalt  }
0x7b: {  	_ =	shalt  }
0x7c: {  	_ =	shalt  }
0x7d: {  	_ =	shalt  }
0x7e: {  	_ =	shalt  }
0x7f: {  	_ =	shalt  }
0x80: {  	_ =	shalt  }
0x81: {  	_ =	shalt  }
0x82: {  	_ =	shalt  }
0x83: {  	_ =	shalt  }
0x84: {  	_ =	shalt  }
0x85: {  	_ =	shalt  }
0x86: {  	_ =	shalt  }
0x87: {  	_ =	shalt  }
.Lfunc_end0:
.L_simem_size_0:
called_computation_lowered:
.L_overlay_start_0:
0x88: {  	s2 =	sld [smem:$0x3FD9]  }
0x89: {  	s3 =	sld [smem:$0x3FFE];
	_ =	sdelay $0x1  }
0x8a: {  	s1 =	srdreg.scid  }
0x8b: {  	s0 =	sand.u32 $0x1, s1  }
0x8c: {  	s17 =	sshll.u32 s0, $0xA;
	s2 =	sadd.s32 s3, s2  }
0x8d: {  	s2 =	sadd.s32 s2, s17  }
0x8e: {  	[smem:$0x3FC7] =	sst s2  }
0x8f: {  	_ = 	snop  }
0x90: {  	s2 =	sld [smem:$0x3FD0];
	(tm) =	ssettm $0x1  }
0x91: {  	s18 =	sld [smem:$0x3FFB];
	_ =	sdelay $0x3  }
0x92: {  	_ =	strace s18  }
0x93: {  	s3 =	sld [smem:$0x3FFC];
	_ =	sdelay $0x3  }
0x94: {  	_ =	strace s3  }
0x95: {  	s3 =	sld [smem:$0x3FFD];
	_ =	sdelay $0x3  }
0x96: {  	_ =	strace s3  }
0x97: {  	_ =	strace $0x8FFFFFFF  }
0x98: {  	s19 =	sld [smem:$0x3FDB];
	_ =	sdelay $0x1  }
0x99: {  	s4 =	simm.s32 $_scs_section_size  }
0x9a: {  	s5 =	simm.s32 $_size__tile_overlayer_lowered;
	s6 =	simm.s32 $_tile_overlayer_lowered  }
0x9b: {  	s22 =	simm.s32 $0x1BFF;
	s21 =	sshll.u32 s6, $0x1;
	s3 =	sadd.s32 s4, s19  }
0x9c: {  	s7 =	simm.s32 $0x0;
	s20 =	sshll.u32 s5, $0x1;
	s5 =	sadd.s32 s21, s3  }
0x9d: {  	[timem:s7], [sflag:s22] =	dma.local [hbm:s5], s20  }
0x9e: {  	_ =	swait.ge [sflag:s22], s20  }
0x9f: {  	s4 =	ssub.s32 $0x0, s20;
	[sflag:s22] =	ssyncset.done $0x0  }
0xa0: {  	[sflag:s22] =	ssyncadd.s32 s4;
	_ =	sdelay $0x1  }
0xa1: {  	s23 =	simm.s32 $0x1B8B  }
0xa2: {  	_ =	swait.ge [sflag:s23], $0x1  }
0xa3: {  	[sflag:s23] =	ssyncset.done $0x0  }
0xa4: {  	s25 =	simm.s32 $0x1B8E;
	s24 =	sld [smem:$0x3FFE];
	[sflag:s23] =	ssyncadd.s32 $0xFFFFFFFF  }
0xa5: {  	s26 =	simm.s32 $execute0_lowered;
	[smem:$0x3FD2] =	sst s25  }
0xa6: {  	s5 =	sshll.u32 s26, $0x1;
	_ =	strace $0x80000046;
	[dreg:$0x1] =	wrdreg $0xFFFFFFFF  }
0xa7: {  	s28 =	simm.s32 $_size_execute0_lowered;
	s3 =	sadd.s32 s3, s5;
	[dreg:$0x0] =	wrdreg $0x0  }
0xa8: {  	s5 =	sshll.u32 s28, $0x1;
	[dreg:$0x2] =	wrdreg s3  }
0xa9: {  	[dreg:$0x3] =	wrdreg s5  }
0xaa: {  	[dreg:$0x4] =	wrdreg $0xC0  }
0xab: {  	_ =	task [dreg:s7], $0x5FFFF  }
0xac: {  	[dreg:$0x1] =	wrdreg $0xFFFFFFFF  }
0xad: {  	[dreg:$0x0] =	wrdreg $0x60  }
0xae: {  	[dreg:$0x2] =	wrdreg s24  }
0xaf: {  	[dreg:$0x3] =	wrdreg s2  }
0xb0: {  	[dreg:$0x4] =	wrdreg $0x9  }
0xb1: {  	_ =	task.clear_ibuf [dreg:s7], $0x5FFFF;
	_ =	strace $0x90000046  }
0xb2: {  	s29 =	simm.s32 $0x9;
	_ =	strace $0x80000048  }
0xb3: {  	_ =	swait.ge [sflag:s29], $0x1  }
0xb4: {  	[sflag:s29] =	ssyncadd.s32 $0xFFFFFFFF  }
0xb5: {  	_ =	strace $0x90000048  }
0xb6: {  	_ =	sfence  }
0xb7: {  	s30 =	sld [smem:$0x0];
	_ =	sdelay $0x2  }
0xb8: {  	s31 =	sshll.u32 s1, $0xD;
	s1 =	sshrl.u32 s1, $0x2  }
0xb9: {  	s3 =	sand.u32 $0x4000, s31;
	s1 =	sadd.s32 s1, s30  }
0xba: {  	s0 =	sor.u32 s3, s0;
	s1 =	sshll.u32 s1, $0x11  }
0xbb: {  	s0 =	sor.u32 s1, s0  }
0xbc: {  	s0 =	sadd.s32 $0x8F2B, s0  }
0xbd: {  	[sflag:s0] =	ssyncadd.remote.s32 $0x1  }
0xbe: {  	_ =	sfence.sel $0xFFFF  }
0xbf: {  	[dreg:$0x0] =	wrdreg $0xFFFFFFFF;
	(pc) =	sbr.abs _section_cstart, $3  }
0xc0: {  	[dreg:$0x1] =	wrdreg $0xFFFFFFFF  }
0xc1: {  	_ =	task.clear_ibuf [dreg:s7], $0x2FFFF;
	_ =	strace $0x9FFFFFFF  }
0xc2: {  	(tm) =	ssettm $0x7FFFFFFF  }
0xc3: {  	_ =	shalt  }
tec
execute0_lowered:
.L_overlay_start_1:
0x0: {  	(tag) =	ssettag $0x1  }
0x1: {  	s4 =	rddreg [dreg:$0x0]  }
0x2: {  	s1 =	rddreg [dreg:$0x1]  }
0x3: {  	s3 =	srdreg.scid;
	s2 =	simm.s32 $0x0;
	s8 =	simm.s32 $0x400  }
0x4: {  	s9 =	simm.s32 $0x1;
	s10 =	simm.s32 $0x1C000;
	s11 =	simm.s32 $0x4000  }
0x5: {  	s12 =	simm.s32 $0xC000;
	s13 =	simm.s32 $0x18000;
	s14 =	simm.s32 $0x1D000  }
0x6: {  	s15 =	simm.s32 $0x8000;
	s16 =	simm.s32 $0x10000;
	s17 =	simm.s32 $0x14000  }
.Ltmp0:
0x7: {  	s18 =	simm.s32 $0x0;
	s5 =	sand.u32 $0x1, s3;
	(pc) =	sbr.rel .LBB2_1-.Ltmp0, $4  }
0x8: {  	[smem:$0x7FF] =	sst s2;
	s3 =	stileid.u32;
	s6 =	ssub.s32 $0x2, s5  }
0x9: {  	s4 =	sadd.s32 $0x400, s4;
	_ =	strace $0x80000047;
	s7 =	sshrl.u32 s6, $0x1  }
0xa: {  	s31 =	sshll.u32 s3, $0xF;
	s5 =	sshll.u32 s5, $0xE;
	s6 =	ssub.s32 s6, s7  }
0xb: {  	v0 =	vimm.s32 $0x0;
	v1 =	vlaneseq.u32;
	v2 =	vimm.s32 $0x1;
	s5 =	sor.u32 s5, s31;
	s7 =	simm.s32 $0x80;
	s6 =	smax.u32 s6, $0x1  }
.LBB2_61:
0xc: {  	s18 =	sadd.s32 $0x1, s18  }
0xd: {  	p0 =	sne.s32 s18, s6  }
.Ltmp1:
0xe: {  	_ = 	snop;
	(pc) =	sbr.rel @!p0 .LBB2_62-.Ltmp1, $1  }
0xf: {  	_ =	sdelay $0x3  }
.LBB2_1:
0x10: {  	s19 =	simm.s32 $0x0  }
.LBB2_2:
0x11: {  	s20 =	sshll.u32 s19, $0x4  }
0x12: {  	s20 =	sadd.s32 s5, s20  }
0x13: {  	s21 =	sadd.s32 s4, s20  }
0x14: {  	[tilespmem:s2], [sflag:$0x1] =	stream.strided.gather [hbm4b:s21+s7], $0x4000, s8, s7, $0x38;
	[tilespmem:$0x1E000] =	vst v63  }
0x15: {  	_ =	swait.ge [sflag:s9], $0x4000  }
0x16: {  	[sflag:s9] =	ssyncset.done $0x0  }
0x17: {  	s21 =	simm.s32 $0x1C040;
	[sflag:s9] =	ssyncadd.s32 $0xFFFFC000  }
0x18: {  	[tilespmem:s21+$0xFFFFFFC0] =	vst v0  }
0x19: {  	[tilespmem:s21+$0x30] =	vst v0  }
0x1a: {  	[tilespmem:s21+$0x20] =	vst v0  }
0x1b: {  	[tilespmem:s21+$0x10] =	vst v0  }
0x1c: {  	[tilespmem:s21+$0x0] =	vst v0  }
0x1d: {  	[tilespmem:s21+$0xFFFFFFF0] =	vst v0  }
0x1e: {  	s24 =	simm.s32 $0x0;
	s22 =	simm.s32 $0x14040;
	[tilespmem:s21+$0xFFFFFFE0] =	vst v0  }
.LBB2_3:
0x1f: {  	s24 =	sadd.s32 $0x8, s24;
	[tilespmem:s21+$0xFFFFFFD0] =	vst v0;
	s21 =	sadd.s32 $0x80, s21;
	s23 =	simm.s32 $0x40  }
0x20: {  	[tilespmem:s21+$0xFFFFFFC0] =	vst v0;
	p0 =	slt.u32 s24, $0xF8  }
0x21: {  	[tilespmem:s21+$0x30] =	vst v0  }
.Ltmp2:
0x22: {  	[tilespmem:s21+$0x20] =	vst v0;
	(pc) =	sbr.rel @p0 .LBB2_3-.Ltmp2, $4  }
0x23: {  	[tilespmem:s21+$0x10] =	vst v0  }
0x24: {  	[tilespmem:s21+$0x0] =	vst v0  }
0x25: {  	[tilespmem:s21+$0xFFFFFFF0] =	vst v0  }
0x26: {  	[tilespmem:s21+$0xFFFFFFE0] =	vst v0  }
0x27: {  	[tilespmem:s21+$0xFFFFFFD0] =	vst v0  }
0x28: {  	v3 =	vld [tilespmem:s23+$0x30]  }
0x29: {  	v4 =	vld [tilespmem:s23+$0xFFFFFFD0]  }
0x2a: {  	v5 =	vld [tilespmem:s23+$0xFFFFFFE0]  }
0x2b: {  	v6 =	vld [tilespmem:s23+$0xFFFFFFF0]  }
0x2c: {  	v7 =	vld [tilespmem:s23+$0x0]  }
0x2d: {  	v8 =	vld [tilespmem:s23+$0x10]  }
0x2e: {  	v9 =	vld [tilespmem:s23+$0x20]  }
0x2f: {  	s31 =	simm.s32 $0xC0;
	v10 =	vld [tilespmem:s23+$0xFFFFFFC0]  }
0x30: {  	v28 =	vld [tilespmem:s31+$0xFFFFFFE0]  }
0x31: {  	v29 =	vld [tilespmem:s31+$0x10]  }
0x32: {  	v3 =	vadd.f32 $0.0e+00, v3;
	v4 =	vadd.f32 $0.0e+00, v4  }
0x33: {  	v5 =	vadd.f32 $0.0e+00, v5;
	v6 =	vadd.f32 $0.0e+00, v6  }
0x34: {  	v7 =	vadd.f32 $0.0e+00, v7;
	v8 =	vadd.f32 $0.0e+00, v8  }
0x35: {  	v9 =	vadd.f32 $0.0e+00, v9;
	v10 =	vadd.f32 $0.0e+00, v10  }
0x36: {  	v59 =	vadd.f32 $0.0e+00, v28;
	v61 =	vadd.f32 $0.0e+00, v29  }
0x37: {  	v11 =	vshra.s32 v3, $0x1F;
	v12 =	vshra.s32 v4, $0x1F;
	v13 =	vshra.s32 v6, $0x1F  }
0x38: {  	v15 =	vshra.s32 v7, $0x1F;
	v17 =	vshra.s32 v8, $0x1F;
	v18 =	vshra.s32 v9, $0x1F  }
0x39: {  	v3 =	vxor.u32 v3, v11;
	v11 =	vshra.s32 v5, $0x1F;
	v4 =	vxor.u32 v4, v12  }
0x3a: {  	v6 =	vxor.u32 v6, v13;
	v7 =	vxor.u32 v7, v15;
	v3 =	vshll.u32 v3, $0x4  }
0x3b: {  	v5 =	vxor.u32 v5, v11;
	v6 =	vshll.u32 v6, $0x4;
	v7 =	vshll.u32 v7, $0x4  }
0x3c: {  	v14 =	vand.u32 $0xFF0, v3;
	v3 =	vand.u32 $0xF80, v3;
	v5 =	vshll.u32 v5, $0x4  }
0x3d: {  	v24 =	vld [tilespmem:s31+$0xFFFFFFD0];
	v13 =	vand.u32 $0xFF0, v6;
	v15 =	vand.u32 $0xFF0, v7;
	v6 =	vand.u32 $0xF80, v6  }
0x3e: {  	v7 =	vand.u32 $0xF80, v7;
	v14 =	vor.u32 v1, v14;
	v12 =	vand.u32 $0xFF0, v5  }
0x3f: {  	v13 =	vor.u32 v1, v13;
	v20 =	vor.u32 v1, v15;
	v5 =	vand.u32 $0xF80, v5  }
0x40: {  	v16 =	vand.u32 $0x7F, v14;
	v12 =	vor.u32 v1, v12;
	v23 =	vand.u32 $0x7F, v13  }
0x41: {  	v25 =	vand.u32 $0x7F, v20;
	v16 =	vor.u32 v3, v16;
	v3 =	vshra.s32 v10, $0x1F  }
0x42: {  	v22 =	vand.u32 $0x7F, v12;
	v6 =	vor.u32 v6, v23;
	v23 =	vadd.f32 $0.0e+00, v24  }
0x43: {  	v7 =	vor.u32 v7, v25;
	v3 =	vxor.u32 v10, v3;
	v22 =	vor.u32 v5, v22  }
0x44: {  	v10 =	vshll.u32 v3, $0x4;
	v3 =	vxor.u32 v8, v17;
	v8 =	vxor.u32 v9, v18  }
0x45: {  	v9 =	vshll.u32 v4, $0x4;
	v11 =	vshll.u32 v3, $0x4;
	v8 =	vshll.u32 v8, $0x4  }
0x46: {  	v57 =	vld [tilespmem:s31+$0x20];
	v3 =	vand.u32 $0xFF0, v10;
	v4 =	vand.u32 $0xFF0, v9;
	v10 =	vand.u32 $0xF80, v10  }
0x47: {  	v9 =	vand.u32 $0xF80, v9;
	v17 =	vand.u32 $0xFF0, v11;
	v18 =	vor.u32 v1, v3  }
0x48: {  	v19 =	vor.u32 v1, v4;
	v15 =	vand.u32 $0x7F, v18;
	v4 =	vor.u32 v1, v17;
	v17 =	vld [tilespmem:s31+$0x30]  }
0x49: {  	v3 =	vand.u32 $0xFF0, v8;
	v21 =	vand.u32 $0x7F, v19;
	v10 =	vor.u32 v10, v15;
	v15 =	vld [tilespmem:s31+$0xFFFFFFF0]  }
0x4a: {  	v11 =	vand.u32 $0xF80, v11;
	v26 =	vand.u32 $0x7F, v4;
	v9 =	vor.u32 v9, v21;
	v21 =	vld [tilespmem:s31+$0x0]  }
0x4b: {  	v24 =	vadd.f32 $0.0e+00, v57;
	v3 =	vor.u32 v1, v3;
	v58 =	vor.u32 v11, v26;
	v11 =	vld [tilespmem:s31+$0xFFFFFFC0]  }
0x4c: {  	v8 =	vand.u32 $0xF80, v8;
	[tilespmem:v16+s10+$0x0] =	vst.idx.add.s32.msk $0xffff, v2;
	v16 =	vshra.s32 v59, $0x1F;
	v27 =	vand.u32 $0x7F, v3  }
0x4d: {  	v5 =	vor.u32 v8, v27;
	v8 =	vshra.s32 v23, $0x1F;
	v17 =	vadd.f32 $0.0e+00, v17  }
0x4e: {  	[tilespmem:v22+s10+$0x0] =	vst.idx.add.s32.msk $0xffff, v2;
	v22 =	vxor.u32 v59, v16;
	v8 =	vxor.u32 v23, v8;
	v15 =	vadd.f32 $0.0e+00, v15  }
0x4f: {  	v21 =	vadd.f32 $0.0e+00, v21;
	[tilespmem:v9+s10+$0x0] =	vst.idx.add.s32.msk $0xffff, v2;
	v9 =	vshra.s32 v61, $0x1F;
	v60 =	vshra.s32 v17, $0x1F  }
0x50: {  	[tilespmem:s22+$0x30] =	vst v14;
	v11 =	vadd.f32 $0.0e+00, v11;
	v9 =	vxor.u32 v61, v9;
	v17 =	vxor.u32 v17, v60  }
0x51: {  	[tilespmem:v10+s10+$0x0] =	vst.idx.add.s32.msk $0xffff, v2;
	v14 =	vshra.s32 v15, $0x1F;
	v10 =	vshra.s32 v21, $0x1F;
	v17 =	vshll.u32 v17, $0x4  }
0x52: {  	[tilespmem:s22+$0xFFFFFFE0] =	vst v12;
	v12 =	vshll.u32 v9, $0x4;
	v14 =	vxor.u32 v15, v14;
	v62 =	vand.u32 $0xFF0, v17  }
0x53: {  	v10 =	vxor.u32 v21, v10;
	v17 =	vand.u32 $0xF80, v17;
	v28 =	vor.u32 v1, v62  }
0x54: {  	[tilespmem:s22+$0xFFFFFFC0] =	vst v18;
	v14 =	vshll.u32 v14, $0x4;
	v15 =	vshll.u32 v10, $0x4;
	v18 =	vand.u32 $0x7F, v28  }
0x55: {  	[tilespmem:s22+$0xFFFFFFD0] =	vst v19;
	v19 =	vand.u32 $0xFF0, v14;
	v63 =	vor.u32 v17, v18;
	v18 =	vshra.s32 v11, $0x1F  }
0x56: {  	[tilespmem:v7+s10+$0x0] =	vst.idx.add.s32.msk $0xffff, v2;
	v21 =	vand.u32 $0xFF0, v15;
	v7 =	vor.u32 v1, v19;
	v11 =	vxor.u32 v11, v18  }
0x57: {  	[tilespmem:v6+s10+$0x0] =	vst.idx.add.s32.msk $0xffff, v2;
	v17 =	vshra.s32 v24, $0x1F;
	v18 =	vshll.u32 v8, $0x4;
	v16 =	vshll.u32 v11, $0x4  }
0x58: {  	[tilespmem:s22+$0xFFFFFFF0] =	vst v13;
	v11 =	vxor.u32 v24, v17;
	v17 =	vshll.u32 v22, $0x4;
	v8 =	vand.u32 $0xFF0, v18  }
0x59: {  	[tilespmem:s22+$0x0] =	vst v20;
	v22 =	vand.u32 $0xFF0, v12;
	v11 =	vshll.u32 v11, $0x4;
	v6 =	vand.u32 $0xFF0, v16  }
0x5a: {  	[tilespmem:v58+s10+$0x0] =	vst.idx.add.s32.msk $0xffff, v2;
	v9 =	vand.u32 $0xFF0, v17;
	v10 =	vor.u32 v1, v8;
	v19 =	vor.u32 v1, v22  }
0x5b: {  	s23 =	simm.s32 $0x140C0;
	v13 =	vor.u32 v1, v6;
	v8 =	vand.u32 $0xFF0, v11;
	v9 =	vor.u32 v1, v9;
	[tilespmem:v63+s10+$0x0] =	vst.idx.add.s32.msk $0xffff, v2  }
0x5c: {  	s21 =	simm.s32 $0x4;
	s24 =	simm.s32 $0x8;
	s25 =	simm.s32 $0x140;
	v6 =	vor.u32 v1, v21;
	v20 =	vand.u32 $0x7F, v13;
	v8 =	vor.u32 v1, v8;
	[tilespmem:s23+$0x30] =	vst v28  }
.LBB2_5:
0x5d: {  	v21 =	vld [tilespmem:s25+$0x30];
	v22 =	vand.u32 $0x7F, v10;
	v23 =	vand.u32 $0x7F, v9;
	v24 =	vand.u32 $0x7F, v7;
	[tilespmem:s22+$0x10] =	vst v4;
	v4 =	vmovc v19  }
0x5e: {  	s24 =	sadd.s32 $0x8, s24;
	v25 =	vand.u32 $0x7F, v6;
	v27 =	vand.u32 $0x7F, v8;
	v19 =	vld [tilespmem:s25+$0xFFFFFFD0];
	v26 =	vand.u32 $0x7F, v4  }
0x5f: {  	v16 =	vand.u32 $0xF80, v16;
	v18 =	vand.u32 $0xF80, v18;
	v17 =	vand.u32 $0xF80, v17;
	p0 =	slt.u32 s24, $0x3F8;
	v28 =	vld [tilespmem:s25+$0xFFFFFFE0]  }
0x60: {  	v14 =	vand.u32 $0xF80, v14;
	v15 =	vand.u32 $0xF80, v15;
	v12 =	vand.u32 $0xF80, v12;
	v29 =	vld [tilespmem:s25+$0xFFFFFFF0]  }
0x61: {  	v11 =	vand.u32 $0xF80, v11;
	v16 =	vor.u32 v16, v20;
	v18 =	vor.u32 v18, v22;
	v30 =	vld [tilespmem:s25+$0x0]  }
0x62: {  	v17 =	vor.u32 v17, v23;
	v14 =	vor.u32 v14, v24;
	v20 =	vld [tilespmem:s25+$0x10];
	v21 =	vadd.f32 $0.0e+00, v21  }
0x63: {  	v23 =	vor.u32 v15, v25;
	v24 =	vor.u32 v12, v26;
	v19 =	vadd.f32 $0.0e+00, v19;
	v22 =	vld [tilespmem:s25+$0x20]  }
0x64: {  	v11 =	vor.u32 v11, v27;
	v12 =	vld [tilespmem:s25+$0xFFFFFFC0];
	v15 =	vadd.f32 $0.0e+00, v28;
	v25 =	vshra.s32 v21, $0x1F  }
0x65: {  	v26 =	vshra.s32 v19, $0x1F;
	v27 =	vadd.f32 $0.0e+00, v29;
	v21 =	vxor.u32 v21, v25;
	[tilespmem:v5+s10+$0x0] =	vst.idx.add.s32.msk $0xffff, v2;
	v5 =	vmovc v11  }
0x66: {  	v11 =	vshra.s32 v15, $0x1F;
	v25 =	vadd.f32 $0.0e+00, v30;
	v21 =	vshll.u32 v21, $0x4;
	[tilespmem:v16+s10+$0x0] =	vst.idx.add.s32.msk $0xffff, v2  }
0x67: {  	v16 =	vshra.s32 v27, $0x1F;
	v20 =	vadd.f32 $0.0e+00, v20;
	v28 =	vand.u32 $0xFF0, v21;
	[tilespmem:s23+$0xFFFFFFC0] =	vst v13  }
0x68: {  	v13 =	vshra.s32 v25, $0x1F;
	v22 =	vadd.f32 $0.0e+00, v22;
	v28 =	vor.u32 v1, v28;
	[tilespmem:v18+s10+$0x0] =	vst.idx.add.s32.msk $0xffff, v2  }
0x69: {  	v18 =	vand.u32 $0xF80, v21;
	v12 =	vadd.f32 $0.0e+00, v12;
	v21 =	vand.u32 $0x7F, v28;
	[tilespmem:s23+$0xFFFFFFD0] =	vst v10  }
0x6a: {  	v10 =	vshra.s32 v20, $0x1F;
	v29 =	vshra.s32 v22, $0x1F;
	v21 =	vor.u32 v18, v21;
	[tilespmem:v17+s10+$0x0] =	vst.idx.add.s32.msk $0xffff, v2  }
0x6b: {  	v11 =	vxor.u32 v15, v11;
	v18 =	vxor.u32 v19, v26;
	v17 =	vshra.s32 v12, $0x1F;
	[tilespmem:s23+$0xFFFFFFE0] =	vst v9  }
0x6c: {  	v13 =	vxor.u32 v25, v13;
	v9 =	vxor.u32 v12, v17;
	v12 =	vxor.u32 v27, v16;
	[tilespmem:s22+$0x20] =	vst v3;
	s22 =	smov.u32 s23  }
0x6d: {  	v16 =	vshll.u32 v9, $0x4;
	v9 =	vxor.u32 v20, v10;
	v10 =	vxor.u32 v22, v29;
	[tilespmem:v14+s10+$0x0] =	vst.idx.add.s32.msk $0xffff, v2  }
0x6e: {  	v18 =	vshll.u32 v18, $0x4;
	v17 =	vshll.u32 v11, $0x4;
	v3 =	vmovc v8;
	v14 =	vshll.u32 v12, $0x4;
	[tilespmem:s23+$0xFFFFFFF0] =	vst v7  }
0x6f: {  	v15 =	vshll.u32 v13, $0x4;
	v12 =	vshll.u32 v9, $0x4;
	v11 =	vshll.u32 v10, $0x4;
	s23 =	sadd.s32 $0x80, s23;
	[tilespmem:v21+s10+$0x0] =	vst.idx.add.s32.msk $0xffff, v2  }
.Ltmp3:
0x70: {  	s26 =	simm.s32 $0x1C040;
	v8 =	vand.u32 $0xFF0, v18;
	v7 =	vand.u32 $0xFF0, v16;
	v9 =	vand.u32 $0xFF0, v17;
	[tilespmem:s23+$0x30] =	vst v28;
	(pc) =	sbr.rel @p0 .LBB2_5-.Ltmp3, $4  }
0x71: {  	v20 =	vand.u32 $0xFF0, v15;
	v19 =	vand.u32 $0xFF0, v14;
	v21 =	vand.u32 $0xFF0, v12;
	[tilespmem:v23+s10+$0x0] =	vst.idx.add.s32.msk $0xffff, v2  }
0x72: {  	v10 =	vor.u32 v1, v8;
	v13 =	vor.u32 v1, v7;
	v8 =	vand.u32 $0xFF0, v11;
	[tilespmem:s22+$0x0] =	vst v6  }
0x73: {  	v9 =	vor.u32 v1, v9;
	v7 =	vor.u32 v1, v19;
	v6 =	vor.u32 v1, v20  }
0x74: {  	s25 =	sadd.s32 $0x80, s25;
	v19 =	vor.u32 v1, v21;
	v8 =	vor.u32 v1, v8;
	v20 =	vand.u32 $0x7F, v13;
	[tilespmem:v24+s10+$0x0] =	vst.idx.add.s32.msk $0xffff, v2  }
0x75: {  	v16 =	vand.u32 $0xF80, v16  }
0x76: {  	v60 =	vand.u32 $0x7F, v10;
	v18 =	vand.u32 $0xF80, v18;
	v16 =	vor.u32 v16, v20  }
0x77: {  	v61 =	vand.u32 $0x7F, v9;
	[tilespmem:s22+$0x10] =	vst v4;
	v4 =	vand.u32 $0xF80, v17;
	v18 =	vor.u32 v18, v60  }
0x78: {  	v4 =	vor.u32 v4, v61  }
0x79: {  	[tilespmem:v5+s10+$0x0] =	vst.idx.add.s32.msk $0xffff, v2  }
0x7a: {  	[tilespmem:s22+$0x20] =	vst v3  }
0x7b: {  	v5 =	vand.u32 $0x7F, v7;
	v14 =	vand.u32 $0xF80, v14;
	[tilespmem:v16+s10+$0x0] =	vst.idx.add.s32.msk $0xffff, v2  }
0x7c: {  	v5 =	vor.u32 v14, v5;
	[tilespmem:v18+s10+$0x0] =	vst.idx.add.s32.msk $0xffff, v2  }
0x7d: {  	v12 =	vand.u32 $0xF80, v12;
	[tilespmem:v4+s10+$0x0] =	vst.idx.add.s32.msk $0xffff, v2;
	v4 =	vand.u32 $0x7F, v19  }
0x7e: {  	v14 =	vand.u32 $0xF80, v15;
	[tilespmem:s23+$0xFFFFFFC0] =	vst v13;
	v13 =	vand.u32 $0x7F, v6;
	v4 =	vor.u32 v12, v4  }
0x7f: {  	[tilespmem:s23+$0xFFFFFFD0] =	vst v10;
	v10 =	vor.u32 v14, v13  }
0x80: {  	v3 =	vand.u32 $0x7F, v8;
	[tilespmem:s23+$0xFFFFFFE0] =	vst v9;
	v9 =	vand.u32 $0xF80, v11  }
0x81: {  	[tilespmem:v5+s10+$0x0] =	vst.idx.add.s32.msk $0xffff, v2;
	v3 =	vor.u32 v9, v3  }
0x82: {  	[tilespmem:s23+$0xFFFFFFF0] =	vst v7  }
0x83: {  	[tilespmem:v4+s10+$0x0] =	vst.idx.add.s32.msk $0xffff, v2  }
0x84: {  	[tilespmem:v10+s10+$0x0] =	vst.idx.add.s32.msk $0xffff, v2  }
0x85: {  	[tilespmem:s23+$0x10] =	vst v19  }
0x86: {  	[tilespmem:v3+s10+$0x0] =	vst.idx.add.s32.msk $0xffff, v2  }
0x87: {  	[tilespmem:s23+$0x0] =	vst v6  }
0x88: {  	[tilespmem:s23+$0x20] =	vst v8  }
0x89: {  	v3 =	vld [tilespmem:s26+$0xFFFFFFC0]  }
0x8a: {  	v4 =	vld [tilespmem:s26+$0xFFFFFFD0]  }
0x8b: {  	v5 =	vld [tilespmem:s26+$0xFFFFFFE0]  }
0x8c: {  	v6 =	vld [tilespmem:s26+$0xFFFFFFF0]  }
0x8d: {  	v7 =	vld [tilespmem:s26+$0x0]  }
0x8e: {  	v8 =	vld [tilespmem:s26+$0x10];
	(xrf0) =	vadd.scan.msk.s32 $0xffff, v3  }
0x8f: {  	v9 =	vld [tilespmem:s26+$0x20];
	(xrf0) =	vadd.scan.msk.s32 $0xffff, v4  }
0x90: {  	s24 =	simm.s32 $0x1C0C0;
	v10 =	vld [tilespmem:s26+$0x30];
	(xrf0) =	vadd.scan.msk.s32 $0xffff, v5  }
0x91: {  	v11 =	vld [tilespmem:s24+$0xFFFFFFC0];
	(xrf0) =	vadd.scan.msk.s32 $0xffff, v6  }
0x92: {  	v12 =	vld [tilespmem:s24+$0xFFFFFFD0];
	(xrf0) =	vadd.scan.msk.s32 $0xffff, v7  }
0x93: {  	v13 =	vld [tilespmem:s24+$0xFFFFFFE0];
	(xrf0) =	vadd.scan.msk.s32 $0xffff, v8  }
0x94: {  	v15 =	vld [tilespmem:s24+$0xFFFFFFF0];
	v14, _, _ =	vpop (xrf0);
	(xrf0) =	vadd.scan.msk.s32 $0xffff, v9  }
0x95: {  	v16 =	vld [tilespmem:s24+$0x0];
	v3 =	vsub.s32 v14, v3;
	(v2sf) =	vpush v14, $0xF;
	v14, _, _ =	vpop (xrf0);
	(xrf0) =	vadd.scan.msk.s32 $0xffff, v10  }
0x96: {  	[tilespmem:s26+$0xFFFFFFC0] =	vst v3;
	v3 =	vsub.s32 v14, v4;
	(v2sf) =	vpush v14, $0xF;
	v4, _, _ =	vpop (xrf0);
	v14 =	vld [tilespmem:s24+$0x10];
	(xrf0) =	vadd.scan.msk.s32 $0xffff, v11  }
0x97: {  	[tilespmem:s26+$0xFFFFFFD0] =	vst v3;
	v3 =	vsub.s32 v4, v5;
	(v2sf) =	vpush v4, $0xF;
	v4, _, _ =	vpop (xrf0);
	(xrf0) =	vadd.scan.msk.s32 $0xffff, v12  }
0x98: {  	[tilespmem:s26+$0xFFFFFFE0] =	vst v3;
	v3 =	vsub.s32 v4, v6;
	(v2sf) =	vpush v4, $0xF;
	v4, _, _ =	vpop (xrf0);
	(xrf0) =	vadd.scan.msk.s32 $0xffff, v13  }
0x99: {  	v5 =	vld [tilespmem:s24+$0x20];
	[tilespmem:s26+$0xFFFFFFF0] =	vst v3;
	v3 =	vsub.s32 v4, v7;
	(v2sf) =	vpush v4, $0xF;
	v4, _, _ =	vpop (xrf0);
	(xrf0) =	vadd.scan.msk.s32 $0xffff, v15  }
0x9a: {  	v62 =	vld [tilespmem:s24+$0x30];
	[tilespmem:s26+$0x0] =	vst v3;
	v3 =	vsub.s32 v4, v8;
	(v2sf) =	vpush v4, $0xF;
	v4, _, _ =	vpop (xrf0);
	(xrf0) =	vadd.scan.msk.s32 $0xffff, v16  }
0x9b: {  	s22 =	simm.s32 $0x1C140;
	[tilespmem:s26+$0x10] =	vst v3;
	v3 =	vsub.s32 v4, v9;
	(v2sf) =	vpush v4, $0xF;
	v4, _, _ =	vpop (xrf0);
	(xrf0) =	vadd.scan.msk.s32 $0xffff, v14  }
0x9c: {  	v18 =	vld [tilespmem:s22+$0xFFFFFFC0];
	[tilespmem:s26+$0x20] =	vst v3;
	v3 =	vsub.s32 v4, v10;
	(v2sf) =	vpush v4, $0xF;
	v4, _, _ =	vpop (xrf0)  }
0x9d: {  	v19 =	vld [tilespmem:s22+$0xFFFFFFD0];
	[tilespmem:s26+$0x30] =	vst v3;
	v3 =	vsub.s32 v4, v11;
	(v2sf) =	vpush v4, $0xF;
	v4, _, _ =	vpop (xrf0)  }
0x9e: {  	v63 =	vld [tilespmem:s22+$0xFFFFFFE0];
	(xrf0) =	vadd.scan.msk.s32 $0xffff, v5;
	[tilespmem:s24+$0xFFFFFFC0] =	vst v3;
	v3 =	vsub.s32 v4, v12;
	(v2sf) =	vpush v4, $0xF;
	v4, _, _ =	vpop (xrf0)  }
0x9f: {  	v21 =	vld [tilespmem:s22+$0xFFFFFFF0];
	(xrf0) =	vadd.scan.msk.s32 $0xffff, v62;
	[tilespmem:s24+$0xFFFFFFD0] =	vst v3;
	v3 =	vsub.s32 v4, v13;
	(v2sf) =	vpush v4, $0xF;
	v4, _, _ =	vpop (xrf0)  }
0xa0: {  	v22 =	vld [tilespmem:s22+$0x0];
	[tilespmem:s24+$0xFFFFFFE0] =	vst v3;
	v3 =	vsub.s32 v4, v15;
	(v2sf) =	vpush v4, $0xF;
	v4, _, _ =	vpop (xrf0)  }
0xa1: {  	v23 =	vld [tilespmem:s22+$0x10];
	(xrf0) =	vadd.scan.msk.s32 $0xffff, v18;
	[tilespmem:s24+$0xFFFFFFF0] =	vst v3;
	v3 =	vsub.s32 v4, v16;
	(v2sf) =	vpush v4, $0xF;
	v4, _, _ =	vpop (xrf0)  }
0xa2: {  	(xrf0) =	vadd.scan.msk.s32 $0xffff, v19;
	v8 =	vsub.s32 v4, v14  }
0xa3: {  	v7 =	vld [tilespmem:s22+$0x20];
	(xrf0) =	vadd.scan.msk.s32 $0xffff, v63  }
0xa4: {  	s23 =	simm.s32 $0x1C1C0;
	v6 =	vld [tilespmem:s22+$0x30];
	(xrf0) =	vadd.scan.msk.s32 $0xffff, v21;
	[tilespmem:s24+$0x0] =	vst v3;
	(v2sf) =	vpush v4, $0xF;
	v4, _, _ =	vpop (xrf0)  }
0xa5: {  	v3 =	vld [tilespmem:s23+$0xFFFFFFC0];
	(xrf0) =	vadd.scan.msk.s32 $0xffff, v22;
	[tilespmem:s24+$0x10] =	vst v8;
	v5 =	vsub.s32 v4, v5;
	(v2sf) =	vpush v4, $0xF;
	s25 =	spop (v2sf);
	v8, _, _ =	vpop (xrf0)  }
0xa6: {  	v4 =	vld [tilespmem:s23+$0xFFFFFFD0];
	(xrf0) =	vadd.scan.msk.s32 $0xffff, v23;
	[tilespmem:s24+$0x20] =	vst v5;
	(v2sf) =	vpush v8, $0xF;
	[smem:$0x0] =	sst s25  }
0xa7: {  	v8 =	vsub.s32 v8, v62;
	s25 =	spop (v2sf)  }
0xa8: {  	v5 =	vld [tilespmem:s23+$0xFFFFFFE0];
	v9, _, _ =	vpop (xrf0);
	(xrf0) =	vadd.scan.msk.s32 $0xffff, v7;
	[tilespmem:s24+$0x30] =	vst v8;
	[smem:$0x1] =	sst s25  }
0xa9: {  	v11 =	vsub.s32 v9, v18;
	s29 =	spop (v2sf)  }
0xaa: {  	v8 =	vld [tilespmem:s23+$0xFFFFFFF0];
	(v2sf) =	vpush v9, $0xF;
	v10, _, _ =	vpop (xrf0);
	(xrf0) =	vadd.scan.msk.s32 $0xffff, v6;
	[smem:$0x2] =	sst s29  }
0xab: {  	s24 =	spop (v2sf)  }
0xac: {  	[tilespmem:s22+$0xFFFFFFC0] =	vst v11;
	v9 =	vld [tilespmem:s23+$0x0];
	(v2sf) =	vpush v10, $0xF;
	v11, _, _ =	vpop (xrf0);
	[smem:$0x3] =	sst s24  }
0xad: {  	v12 =	vsub.s32 v10, v19;
	s24 =	spop (v2sf)  }
0xae: {  	[tilespmem:s22+$0xFFFFFFD0] =	vst v12;
	v12 =	vsub.s32 v11, v63;
	v10 =	vld [tilespmem:s23+$0x10];
	(xrf0) =	vadd.scan.msk.s32 $0xffff, v3;
	(v2sf) =	vpush v11, $0xF;
	v13, _, _ =	vpop (xrf0);
	[smem:s21] =	sst s24;
	s30 =	spop (v2sf)  }
0xaf: {  	v11 =	vld [tilespmem:s23+$0x20];
	[tilespmem:s22+$0xFFFFFFE0] =	vst v12;
	(xrf0) =	vadd.scan.msk.s32 $0xffff, v4;
	(v2sf) =	vpush v13, $0xF;
	v14, _, _ =	vpop (xrf0);
	[smem:$0x5] =	sst s30  }
0xb0: {  	v13 =	vsub.s32 v13, v21;
	s24 =	spop (v2sf)  }
0xb1: {  	[tilespmem:s22+$0xFFFFFFF0] =	vst v13;
	v12 =	vld [tilespmem:s23+$0x30];
	(xrf0) =	vadd.scan.msk.s32 $0xffff, v5;
	(v2sf) =	vpush v14, $0xF;
	v15, _, _ =	vpop (xrf0);
	[smem:$0x6] =	sst s24  }
0xb2: {  	(v2sf) =	vpush v15, $0xF  }
0xb3: {  	v13 =	vsub.s32 v14, v22;
	_ =	sdelay $0x1  }
0xb4: {  	s31 =	spop (v2sf)  }
0xb5: {  	s25 =	simm.s32 $0x1C240;
	[tilespmem:s22+$0x0] =	vst v13;
	s24 =	simm.s32 $0x18;
	v14 =	vsub.s32 v15, v23;
	(xrf0) =	vadd.scan.msk.s32 $0xffff, v8;
	v13, _, _ =	vpop (xrf0);
	[smem:$0x7] =	sst s31  }
.LBB2_7:
0xb6: {  	(xrf0) =	vadd.scan.msk.s32 $0xffff, v9;
	v19 =	vsub.s32 v13, v7;
	(v2sf) =	vpush v13, $0xF;
	v13, _, _ =	vpop (xrf0)  }
0xb7: {  	[tilespmem:s22+$0x10] =	vst v14;
	s26 =	spop (v2sf);
	s21 =	sadd.s32 $0x8, s21;
	v14 =	vmovc v3;
	v3 =	vld [tilespmem:s25+$0xFFFFFFC0];
	v15 =	vmovc v4;
	v16 =	vmov v5;
	v17 =	vmov v8;
	v18 =	vmov v9  }
0xb8: {  	s24 =	sadd.s32 $0x8, s24;
	v4 =	vld [tilespmem:s25+$0xFFFFFFD0];
	(xrf0) =	vadd.scan.msk.s32 $0xffff, v10;
	[tilespmem:s22+$0x20] =	vst v19;
	v19 =	vsub.s32 v13, v6;
	(v2sf) =	vpush v13, $0xF;
	[smem:s21+$0xFFFFFFFC] =	sst s26;
	s26 =	spop (v2sf);
	v13 =	vmovc v10  }
0xb9: {  	v5 =	vld [tilespmem:s25+$0xFFFFFFE0];
	v9, _, _ =	vpop (xrf0);
	(xrf0) =	vadd.scan.msk.s32 $0xffff, v11;
	[tilespmem:s22+$0x30] =	vst v19;
	[smem:s21+$0xFFFFFFFD] =	sst s26;
	s26 =	spop (v2sf);
	v7 =	vmov v11;
	s22 =	smov.u32 s23  }
0xba: {  	s23 =	smov.u32 s25;
	v8 =	vld [tilespmem:s25+$0xFFFFFFF0];
	v10 =	vsub.s32 v9, v14;
	(v2sf) =	vpush v9, $0xF;
	v11, _, _ =	vpop (xrf0);
	(xrf0) =	vadd.scan.msk.s32 $0xffff, v12;
	[smem:s21+$0xFFFFFFFE] =	sst s26;
	s26 =	spop (v2sf);
	v6 =	vmov v12  }
0xbb: {  	p0 =	slt.u32 s24, $0xF8;
	[smem:s21+$0xFFFFFFFF] =	sst s26  }
.Ltmp4:
0xbc: {  	v9 =	vld [tilespmem:s25+$0x0];
	[tilespmem:s22+$0xFFFFFFC0] =	vst v10;
	v12 =	vsub.s32 v11, v15;
	(v2sf) =	vpush v11, $0xF;
	v11, _, _ =	vpop (xrf0);
	s26 =	spop (v2sf);
	(pc) =	sbr.rel @p0 .LBB2_7-.Ltmp4, $4  }
0xbd: {  	v10 =	vld [tilespmem:s25+$0x10];
	(xrf0) =	vadd.scan.msk.s32 $0xffff, v3;
	[tilespmem:s22+$0xFFFFFFD0] =	vst v12;
	v12 =	vsub.s32 v11, v16;
	(v2sf) =	vpush v11, $0xF;
	v14, _, _ =	vpop (xrf0);
	[smem:s21] =	sst s26;
	s26 =	spop (v2sf)  }
0xbe: {  	v11 =	vld [tilespmem:s25+$0x20];
	(xrf0) =	vadd.scan.msk.s32 $0xffff, v4;
	[tilespmem:s22+$0xFFFFFFE0] =	vst v12;
	v15 =	vsub.s32 v14, v17;
	(v2sf) =	vpush v14, $0xF;
	v14, _, _ =	vpop (xrf0);
	[smem:s21+$0x1] =	sst s26;
	s26 =	spop (v2sf)  }
0xbf: {  	v12 =	vld [tilespmem:s25+$0x30];
	(xrf0) =	vadd.scan.msk.s32 $0xffff, v5;
	[tilespmem:s22+$0xFFFFFFF0] =	vst v15;
	v15 =	vsub.s32 v14, v18;
	(v2sf) =	vpush v14, $0xF;
	v16, _, _ =	vpop (xrf0);
	[smem:s21+$0x2] =	sst s26;
	s26 =	spop (v2sf)  }
0xc0: {  	s25 =	sadd.s32 $0x80, s25;
	(xrf0) =	vadd.scan.msk.s32 $0xffff, v8;
	[tilespmem:s22+$0x0] =	vst v15;
	v14 =	vsub.s32 v16, v13;
	(v2sf) =	vpush v16, $0xF;
	v13, _, _ =	vpop (xrf0);
	[smem:s21+$0x3] =	sst s26  }
0xc1: {  	_ = 	snop  }
0xc2: {  	(xrf0) =	vadd.scan.msk.s32 $0xffff, v9;
	(v2sf) =	vpush v13, $0xF;
	v15, _, _ =	vpop (xrf0)  }
0xc3: {  	s24 =	spop (v2sf);
	s21 =	sadd.s32 $0x8, s21;
	(xrf0) =	vadd.scan.msk.s32 $0xffff, v10;
	(v2sf) =	vpush v15, $0xF;
	v16, _, _ =	vpop (xrf0)  }
0xc4: {  	[smem:s21+$0xFFFFFFFC] =	sst s24;
	s31 =	spop (v2sf);
	(xrf0) =	vadd.scan.msk.s32 $0xffff, v11;
	(v2sf) =	vpush v16, $0xF;
	v17, _, _ =	vpop (xrf0)  }
0xc5: {  	[smem:s21+$0xFFFFFFFD] =	sst s31;
	s0 =	spop (v2sf);
	(xrf0) =	vadd.scan.msk.s32 $0xffff, v12;
	(v2sf) =	vpush v17, $0xF;
	v18, _, _ =	vpop (xrf0)  }
0xc6: {  	[smem:s21+$0xFFFFFFFE] =	sst s0;
	s25 =	spop (v2sf);
	(v2sf) =	vpush v18, $0xF;
	v19, _, _ =	vpop (xrf0)  }
0xc7: {  	[smem:s21+$0xFFFFFFFF] =	sst s25;
	s26 =	spop (v2sf);
	(v2sf) =	vpush v19, $0xF  }
0xc8: {  	[smem:s21] =	sst s26;
	s28 =	spop (v2sf);
	v20, _, _ =	vpop (xrf0)  }
0xc9: {  	[tilespmem:s22+$0x10] =	vst v14;
	v7 =	vsub.s32 v13, v7;
	[smem:s21+$0x1] =	sst s28;
	s29 =	spop (v2sf);
	(v2sf) =	vpush v20, $0xF;
	v21, _, _ =	vpop (xrf0)  }
0xca: {  	[tilespmem:s22+$0x20] =	vst v7;
	v6 =	vsub.s32 v15, v6;
	[smem:s21+$0x2] =	sst s29;
	s30 =	spop (v2sf);
	(v2sf) =	vpush v21, $0xF;
	v62, _, _ =	vpop (xrf0)  }
0xcb: {  	[tilespmem:s22+$0x30] =	vst v6;
	v3 =	vsub.s32 v16, v3;
	[smem:s21+$0x3] =	sst s30;
	s31 =	spop (v2sf);
	s21 =	sadd.s32 $0x8, s21;
	(v2sf) =	vpush v62, $0xF;
	v63, _, _ =	vpop (xrf0)  }
0xcc: {  	[tilespmem:s23+$0xFFFFFFC0] =	vst v3;
	v3 =	vsub.s32 v17, v4;
	[smem:s21+$0xFFFFFFFC] =	sst s31;
	(v2sf) =	vpush v63, $0xF;
	s0 =	spop (v2sf)  }
0xcd: {  	[tilespmem:s23+$0xFFFFFFD0] =	vst v3;
	v3 =	vsub.s32 v18, v5;
	[smem:s21+$0xFFFFFFFD] =	sst s0;
	s24 =	spop (v2sf)  }
0xce: {  	[tilespmem:s23+$0xFFFFFFE0] =	vst v3;
	v3 =	vsub.s32 v19, v8;
	[smem:s21+$0xFFFFFFFE] =	sst s24;
	s25 =	spop (v2sf)  }
0xcf: {  	[tilespmem:s23+$0xFFFFFFF0] =	vst v3;
	v3 =	vsub.s32 v20, v9;
	[smem:s21+$0xFFFFFFFF] =	sst s25;
	s26 =	spop (v2sf)  }
0xd0: {  	[tilespmem:s23+$0x0] =	vst v3;
	v3 =	vsub.s32 v21, v10;
	[smem:s21] =	sst s26;
	s28 =	spop (v2sf)  }
0xd1: {  	[tilespmem:s23+$0x10] =	vst v3;
	v3 =	vsub.s32 v62, v11;
	[smem:s21+$0x1] =	sst s28;
	s29 =	spop (v2sf)  }
0xd2: {  	[tilespmem:s23+$0x20] =	vst v3;
	v3 =	vsub.s32 v63, v12;
	[smem:s21+$0x2] =	sst s29;
	s30 =	spop (v2sf)  }
0xd3: {  	[tilespmem:s23+$0x30] =	vst v3;
	s0 =	sadd.s32 $0x8, s21;
	[smem:s21+$0x3] =	sst s30;
	s31 =	spop (v2sf)  }
0xd4: {  	[smem:s0+$0xFFFFFFFC] =	sst s31;
	s24 =	spop (v2sf)  }
0xd5: {  	[smem:s0+$0xFFFFFFFD] =	sst s24;
	s25 =	spop (v2sf)  }
0xd6: {  	[smem:s0+$0xFFFFFFFE] =	sst s25;
	s26 =	spop (v2sf)  }
0xd7: {  	p1 =	por $0x1, $0x1;
	[smem:s0+$0xFFFFFFFF] =	sst s26  }
.Ltmp5:
0xd8: {  	s28 =	spop (v2sf);
	(pc) =	sbr.rel @!p1 .LBB2_9-.Ltmp5, $4  }
0xd9: {  	[smem:s0] =	sst s28;
	s29 =	spop (v2sf)  }
0xda: {  	[smem:s0+$0x1] =	sst s29;
	s30 =	spop (v2sf)  }
0xdb: {  	p0 =	por $0x0, $0x0;
	[smem:s0+$0x2] =	sst s30;
	s31 =	spop (v2sf)  }
0xdc: {  	s22 =	simm.s32 $0x0;
	s21 =	simm.s32 $0x2;
	[smem:s0+$0x3] =	sst s31  }
0xdd: {  	s23 =	sld [smem:$0x0]  }
0xde: {  	[smem:$0x0] =	sst s22  }
0xdf: {  	s24 =	sld [smem:$0x1]  }
0xe0: {  	s23 =	sadd.s32 $0x0, s23  }
0xe1: {  	p1 =	por $0x1, $0x1;
	[smem:$0x1] =	sst s23  }
.Ltmp6:
0xe2: {  	s26 =	sadd.s32 s23, s24;
	s25 =	sld [smem:$0x2];
	(pc) =	sbr.rel @!p1 .LBB2_12-.Ltmp6, $4  }
0xe3: {  	[smem:s21] =	sst s26  }
0xe4: {  	s24 =	sld [smem:$0x3]  }
0xe5: {  	p0 =	por $0x1, $0x1;
	s25 =	sadd.s32 s26, s25  }
0xe6: {  	s23 =	simm.s32 $0x4;
	s21 =	simm.s32 $0x6;
	[smem:$0x3] =	sst s25  }
.LBB2_11:
0xe7: {  	s23 =	sadd.s32 $0x4, s23;
	s26 =	sld [smem:s21+$0xFFFFFFFE];
	s24 =	sadd.s32 s25, s24  }
0xe8: {  	p1 =	slt.u32 s23, $0xFC;
	[smem:s21+$0xFFFFFFFE] =	sst s24  }
0xe9: {  	s25 =	sld [smem:s21+$0xFFFFFFFF]  }
0xea: {  	s24 =	sadd.s32 s24, s26  }
0xeb: {  	[smem:s21+$0xFFFFFFFF] =	sst s24  }
.Ltmp7:
0xec: {  	s25 =	sadd.s32 s24, s25;
	s26 =	sld [smem:s21+$0x0];
	(pc) =	sbr.rel @p1 .LBB2_11-.Ltmp7, $4  }
0xed: {  	[smem:s21] =	sst s25  }
0xee: {  	s24 =	sld [smem:s21+$0x1]  }
0xef: {  	s25 =	sadd.s32 s25, s26  }
0xf0: {  	[smem:s21+$0x1] =	sst s25;
	s21 =	sadd.s32 $0x4, s21  }
.LBB2_12:
0xf1: {  	s23 =	sld [smem:s21+$0xFFFFFFFE];
	s24 =	sadd.s32 @p0 s25, s24  }
0xf2: {  	s22 =	smov.u32 @p0 s24  }
0xf3: {  	[smem:s21+$0xFFFFFFFE] =	sst s22  }
0xf4: {  	s26 =	sld [smem:s21+$0xFFFFFFFF];
	s23 =	sadd.s32 s22, s23  }
0xf5: {  	[smem:s21+$0xFFFFFFFF] =	sst s23  }
0xf6: {  	s31 =	sld [smem:s21+$0x0];
	_ =	sdelay $0x1  }
0xf7: {  	s22 =	simm.s32 $0x1C040;
	s23 =	sadd.s32 s23, s26  }
0xf8: {  	v4 =	vld [tilespmem:s22+$0x30];
	[smem:s21] =	sst s23;
	s23 =	sadd.s32 s23, s31  }
0xf9: {  	v9 =	vld [tilespmem:s22+$0xFFFFFFD0];
	[smem:s21+$0x1] =	sst s23  }
0xfa: {  	p0 =	por $0x1, $0x1;
	v6 =	vld [tilespmem:s22+$0xFFFFFFE0];
	s21 =	sld [smem:$0x7]  }
.Ltmp8:
0xfb: {  	s23 =	sld [smem:$0x0];
	v7 =	vld [tilespmem:s22+$0xFFFFFFF0];
	(pc) =	sbr.rel @!p0 .LBB2_14-.Ltmp8, $4  }
0xfc: {  	s26 =	sld [smem:$0x1];
	v3 =	vld [tilespmem:s22+$0x0]  }
0xfd: {  	s29 =	sld [smem:$0x2];
	v5 =	vld [tilespmem:s22+$0x10];
	v8 =	vadd.s32 s21, v4  }
0xfe: {  	s25 =	simm.s32 $0x0;
	s24 =	simm.s32 $0x4;
	s28 =	sld [smem:$0x3];
	v4 =	vld [tilespmem:s22+$0x20];
	[tilespmem:s22+$0x30] =	vst v8  }
0xff: {  	s21 =	simm.s32 $0x1D040;
	v8 =	vld [tilespmem:s22+$0xFFFFFFC0];
	v9 =	vadd.s32 s26, v9;
	s30 =	sld [smem:$0x4];
	s26 =	simm.s32 $0x1C0C0  }
.LBB2_13:
0x100: {  	v10 =	vld [tilespmem:s26+$0x30];
	s25 =	sadd.s32 $0x8, s25;
	[tilespmem:s22+$0xFFFFFFD0] =	vst v9;
	v6 =	vadd.s32 s29, v6;
	s29 =	sld [smem:s24+$0x1]  }
0x101: {  	v9 =	vld [tilespmem:s26+$0xFFFFFFD0];
	p0 =	slt.u32 s25, $0xF8;
	[tilespmem:s22+$0xFFFFFFE0] =	vst v6;
	v7 =	vadd.s32 s28, v7;
	s28 =	sld [smem:s24+$0x2];
	s24 =	sadd.s32 $0x8, s24  }
0x102: {  	v6 =	vld [tilespmem:s26+$0xFFFFFFE0];
	s31 =	sld [smem:s24+$0x3];
	[tilespmem:s22+$0xFFFFFFF0] =	vst v7;
	v3 =	vadd.s32 s30, v3  }
.Ltmp9:
0x103: {  	s30 =	sld [smem:s24+$0xFFFFFFFC];
	v7 =	vld [tilespmem:s26+$0xFFFFFFF0];
	[tilespmem:s22+$0x0] =	vst v3;
	v5 =	vadd.s32 s29, v5;
	(pc) =	sbr.rel @p0 .LBB2_13-.Ltmp9, $4  }
0x104: {  	s0 =	sld [smem:s24+$0xFFFFFFFD];
	v3 =	vld [tilespmem:s26+$0x0];
	v8 =	vadd.s32 s23, v8;
	[tilespmem:s22+$0x10] =	vst v5;
	v11 =	vadd.s32 s28, v4  }
0x105: {  	s29 =	sld [smem:s24+$0xFFFFFFFE];
	v5 =	vld [tilespmem:s26+$0x10];
	v10 =	vadd.s32 s31, v10;
	[tilespmem:s22+$0xFFFFFFC0] =	vst v8  }
0x106: {  	s28 =	sld [smem:s24+$0xFFFFFFFF];
	v4 =	vld [tilespmem:s26+$0x20];
	[tilespmem:s26+$0x30] =	vst v10;
	s23 =	smov.u32 s30  }
0x107: {  	v8 =	vld [tilespmem:s26+$0xFFFFFFC0];
	v9 =	vadd.s32 s0, v9;
	s30 =	sld [smem:s24+$0x0];
	[tilespmem:s22+$0x20] =	vst v11;
	s22 =	smov.u32 s26;
	s26 =	sadd.s32 $0x80, s26  }
.LBB2_14:
0x108: {  	[tilespmem:s22+$0xFFFFFFD0] =	vst v9  }
0x109: {  	v6 =	vadd.s32 s29, v6;
	s0 =	sld [smem:s24+$0x1]  }
0x10a: {  	[tilespmem:s22+$0xFFFFFFE0] =	vst v6;
	v62 =	vadd.s32 s28, v7  }
0x10b: {  	s31 =	sld [smem:s24+$0x2];
	[tilespmem:s22+$0xFFFFFFF0] =	vst v62;
	v3 =	vadd.s32 s30, v3  }
0x10c: {  	[tilespmem:s22+$0x0] =	vst v3;
	v3 =	vadd.s32 s0, v5  }
0x10d: {  	v63 =	vadd.s32 s23, v8;
	[tilespmem:s22+$0x10] =	vst v3  }
0x10e: {  	v3 =	vadd.s32 s31, v4;
	[tilespmem:s22+$0xFFFFFFC0] =	vst v63  }
0x10f: {  	[tilespmem:s22+$0x20] =	vst v3  }
0x110: {  	[tilespmem:s21+$0xFFFFFFC0] =	vst v0  }
0x111: {  	p0 =	por $0x1, $0x1;
	[tilespmem:s21+$0x30] =	vst v0  }
.Ltmp10:
0x112: {  	[tilespmem:s21+$0x20] =	vst v0;
	(pc) =	sbr.rel @!p0 .LBB2_16-.Ltmp10, $4  }
0x113: {  	[tilespmem:s21+$0x10] =	vst v0  }
0x114: {  	[tilespmem:s21+$0x0] =	vst v0  }
0x115: {  	[tilespmem:s21+$0xFFFFFFF0] =	vst v0  }
0x116: {  	s22 =	simm.s32 $0x0;
	[tilespmem:s21+$0xFFFFFFE0] =	vst v0  }
.LBB2_15:
0x117: {  	s22 =	sadd.s32 $0x8, s22;
	[tilespmem:s21+$0xFFFFFFD0] =	vst v0;
	s21 =	sadd.s32 $0x80, s21  }
0x118: {  	[tilespmem:s21+$0xFFFFFFC0] =	vst v0;
	p0 =	slt.u32 s22, $0xF8  }
0x119: {  	[tilespmem:s21+$0x30] =	vst v0  }
.Ltmp11:
0x11a: {  	[tilespmem:s21+$0x20] =	vst v0;
	(pc) =	sbr.rel @p0 .LBB2_15-.Ltmp11, $4  }
0x11b: {  	[tilespmem:s21+$0x10] =	vst v0  }
0x11c: {  	[tilespmem:s21+$0x0] =	vst v0  }
0x11d: {  	[tilespmem:s21+$0xFFFFFFF0] =	vst v0  }
0x11e: {  	[tilespmem:s21+$0xFFFFFFE0] =	vst v0  }
.LBB2_16:
0x11f: {  	[tilespmem:s21+$0xFFFFFFD0] =	vst v0;
	s21 =	simm.s32 $0x0  }
.LBB2_17:
0x120: {  	s0 =	sshra.s32 s21, $0x2  }
0x121: {  	v3 =	vld [tilespmem:s0+$0x14010]  }
0x122: {  	v4 =	vld [tilespmem:s0+$0x14000]  }
0x123: {  	v5 =	vld [tilespmem:s0+$0x14020]  }
0x124: {  	v6 =	vld [tilespmem:s0+$0x14030];
	_ =	sdelay $0x4  }
0x125: {  	v7 =	vld.idx.msk [tilespmem:v3+s10+$0x0], $0xffff  }
0x126: {  	v8 =	vld.idx.msk [tilespmem:v4+s10+$0x0], $0xffff  }
0x127: {  	vm0 =	veq.s32 v3, v4;
	vm12 =	veq.s32 v5, v4;
	vm13 =	veq.s32 v5, v3;
	v9 =	vld.idx.msk [tilespmem:v5+s10+$0x0], $0xffff  }
0x128: {  	vm1 =	veq.s32 v6, v4;
	vm14 =	veq.s32 v6, v3;
	vm15 =	veq.s32 v6, v5;
	v11 =	vld.idx.msk [tilespmem:v6+s10+$0x0], $0xffff  }
0x129: {  	v10 =	vsel vm0, $0x1, v0;
	v12 =	vsel vm12, $0x1, v0;
	v13 =	vsel vm13, $0x1, v0  }
0x12a: {  	v14 =	vsel vm1, $0x1, v0;
	v59 =	vsel vm14, $0x1, v0;
	v60 =	vsel vm15, $0x1, v0  }
0x12b: {  	v12 =	vadd.s32 v12, v13;
	v7 =	vadd.s32 v10, v7;
	v10 =	vadd.s32 v14, v59;
	[tilespmem:s0+$0x14000] =	vst v8  }
0x12c: {  	v61 =	vadd.s32 v9, v12;
	v62 =	vadd.s32 v60, v10;
	[tilespmem:s0+$0x14010] =	vst v7  }
0x12d: {  	p0 =	sne.s32 s21, $0xFF00;
	[tilespmem:s0+$0x14020] =	vst v61;
	v63 =	vadd.s32 v11, v62  }
.Ltmp12:
0x12e: {  	[tilespmem:s0+$0x14030] =	vst v63;
	(pc) =	sbr.rel @p0 .LBB2_17-.Ltmp12, $4  }
0x12f: {  	[tilespmem:v4+s10+$0x0] =	vst.idx.add.s32.msk $0xffff, v2  }
0x130: {  	[tilespmem:v3+s10+$0x0] =	vst.idx.add.s32.msk $0xffff, v2  }
0x131: {  	[tilespmem:v5+s10+$0x0] =	vst.idx.add.s32.msk $0xffff, v2  }
0x132: {  	s21 =	sadd.s32 $0x100, s21;
	[tilespmem:v6+s10+$0x0] =	vst.idx.add.s32.msk $0xffff, v2  }
0x133: {  	s0 =	simm.s32 $0x14040  }
0x134: {  	v5 =	vld [tilespmem:s0+$0xFFFFFFE0]  }
0x135: {  	v8 =	vld [tilespmem:s0+$0xFFFFFFC0]  }
0x136: {  	s21 =	simm.s32 $0x40;
	v3 =	vld [tilespmem:s0+$0xFFFFFFD0]  }
0x137: {  	v4 =	vld [tilespmem:s21+$0xFFFFFFC0]  }
0x138: {  	v6 =	vld [tilespmem:s0+$0xFFFFFFF0]  }
0x139: {  	v9 =	vld [tilespmem:s21+$0xFFFFFFE0]  }
0x13a: {  	v11 =	vld [tilespmem:s0+$0x30]  }
0x13b: {  	v15 =	vld [tilespmem:s0+$0x20]  }
0x13c: {  	v17 =	vld [tilespmem:s0+$0x0]  }
0x13d: {  	v22 =	vld [tilespmem:s21+$0x20]  }
0x13e: {  	v23 =	vld [tilespmem:s21+$0x30]  }
0x13f: {  	v28 =	vld [tilespmem:s21+$0x0];
	v7 =	vshll.u32 v5, $0x4;
	v10 =	vshll.u32 v8, $0x4  }
0x140: {  	v33 =	vld [tilespmem:s0+$0x10];
	v14 =	vshll.u32 v3, $0x4;
	v13 =	vadd.f32 $0.0e+00, v4;
	v4 =	vshrl.u32 v3, $0xA  }
0x141: {  	s30 =	simm.s32 $0x50;
	v18 =	vshll.u32 v6, $0x4;
	v26 =	vshrl.u32 v5, $0xA;
	v9 =	vadd.f32 $0.0e+00, v9  }
0x142: {  	v5 =	vor.u32 s30, v1;
	v29 =	vshll.u32 v15, $0x4;
	v30 =	vshll.u32 v11, $0x4  }
0x143: {  	v32 =	vshll.u32 v17, $0x4;
	v19 =	vshrl.u32 v15, $0xA;
	v23 =	vadd.f32 $0.0e+00, v23  }
0x144: {  	v15 =	vshrl.u32 v11, $0xA;
	v28 =	vadd.f32 $0.0e+00, v28;
	v31 =	vadd.f32 $0.0e+00, v22  }
0x145: {  	s22 =	simm.s32 $0x30;
	v37 =	vshll.u32 v33, $0x4;
	v25 =	vand.u32 $0x3FF0, v10;
	v10 =	vand.u32 $0x3FF0, v14;
	v14 =	vld [tilespmem:s21+$0xFFFFFFF0]  }
0x146: {  	v27 =	vld [tilespmem:s21+$0x10];
	v12 =	vand.u32 $0x3FF0, v7;
	v7 =	vor.u32 s22, v1;
	v24 =	vand.u32 $0x3FF0, v18  }
0x147: {  	s23 =	simm.s32 $0x20;
	s22 =	simm.s32 $0x70;
	v18 =	vshrl.u32 v8, $0xA;
	v16 =	vshra.s32 v13, $0x1F;
	v3 =	vor.u32 v4, v10  }
0x148: {  	v10 =	vshrl.u32 v6, $0xA;
	v6 =	vor.u32 s23, v1;
	v21 =	vor.u32 s22, v1  }
0x149: {  	v12 =	vor.u32 v26, v12;
	v22 =	vshra.s32 v23, $0x1F;
	v34 =	vshra.s32 v9, $0x1F  }
0x14a: {  	v16 =	vor.u32 $0x80000000, v16;
	v11 =	vor.u32 v10, v24;
	v20 =	vadd.f32 $0.0e+00, v14  }
0x14b: {  	v14 =	vshrl.u32 v17, $0xA;
	v17 =	vand.u32 $0x3FF0, v29;
	v29 =	vadd.f32 $0.0e+00, v27  }
0x14c: {  	v24 =	vand.u32 $0x3FF0, v30;
	v30 =	vshra.s32 v31, $0x1F;
	v8 =	vshra.s32 v20, $0x1F  }
0x14d: {  	v22 =	vor.u32 $0x80000000, v22;
	v27 =	vor.u32 $0x80000000, v8;
	v8 =	vshra.s32 v29, $0x1F  }
0x14e: {  	v36 =	vxor.u32 v23, v22;
	v22 =	vor.u32 $0x80000000, v34;
	v8 =	vor.u32 $0x80000000, v8  }
0x14f: {  	v24 =	vor.u32 v15, v24;
	v34 =	vxor.u32 v9, v22;
	v8 =	vxor.u32 v29, v8;
	v29 =	vld [tilespmem:s21+$0xFFFFFFD0]  }
0x150: {  	v35 =	vor.u32 $0x80000000, v30;
	v9 =	vshra.s32 v28, $0x1F;
	v22 =	vshrl.u32 v34, $0x4  }
0x151: {  	v30 =	vor.u32 $0x80000000, v9;
	v23 =	vor.u32 v19, v17;
	v17 =	vshrl.u32 v36, $0x4  }
0x152: {  	v22 =	vand.u32 $0xFF0, v22;
	[tilespmem:v12+s11+$0x0] =	vst.idx.msk $0xffff, v34;
	v34 =	vand.u32 $0x3FF0, v32;
	v17 =	vand.u32 $0xFF0, v17  }
0x153: {  	v9 =	vadd.s32 v15, v17;
	v17 =	vadd.s32 v26, v22;
	v22 =	vxor.u32 v28, v30  }
0x154: {  	v15 =	vand.u32 $0x3FF0, v37;
	v28 =	vshrl.u32 v33, $0xA;
	v26 =	vadd.f32 $0.0e+00, v29  }
0x155: {  	s31 =	simm.s32 $0x60;
	s24 =	simm.s32 $0x0;
	s28 =	simm.s32 $0x10;
	v30 =	vor.u32 v18, v25;
	v25 =	vshrl.u32 v22, $0x4;
	v15 =	vor.u32 v28, v15  }
0x156: {  	s25 =	simm.s32 $0x140C0;
	s26 =	simm.s32 $0xC0;
	s23 =	simm.s32 $0x70;
	[tilespmem:v24+s11+$0x0] =	vst.idx.msk $0xffff, v36;
	v32 =	vand.u32 $0xFF0, v25;
	v29 =	vor.u32 s31, v1;
	v33 =	vshra.s32 v26, $0x1F  }
.LBB2_19:
0x157: {  	v36 =	vld [tilespmem:s25+$0xFFFFFFE0];
	s24 =	sadd.s32 $0x8, s24;
	v13 =	vxor.u32 v13, v16;
	v37 =	vor.u32 s28, v1;
	v16 =	vxor.u32 v31, v35;
	[tilespmem:v24+s12+$0x0] =	vst.idx.msk $0xffff, v21;
	s22 =	sadd.s32 $0x80, s22  }
0x158: {  	v20 =	vxor.u32 v20, v27;
	v21 =	vld [tilespmem:s26+$0xFFFFFFE0];
	p0 =	slt.u32 s24, $0x3F8;
	v25 =	vshrl.u32 v13, $0x4;
	v27 =	vshrl.u32 v16, $0x4;
	[tilespmem:v24+s13+$0x0] =	vst.idx.msk $0xffff, v9  }
0x159: {  	v31 =	vshrl.u32 v20, $0x4;
	v24 =	vld [tilespmem:s25+$0xFFFFFFC0];
	v25 =	vand.u32 $0xFF0, v25;
	[tilespmem:v23+s11+$0x0] =	vst.idx.msk $0xffff, v16;
	v16 =	vand.u32 $0xFF0, v27  }
0x15a: {  	s0 =	sadd.s32 $0xFFFFFFD0, s23;
	v27 =	vld [tilespmem:s25+$0xFFFFFFD0];
	v18 =	vadd.s32 v18, v25;
	[tilespmem:v11+s11+$0x0] =	vst.idx.msk $0xffff, v20;
	v20 =	vand.u32 $0xFF0, v31;
	v25 =	vadd.s32 v19, v16  }
0x15b: {  	s21 =	sadd.s32 $0xFFFFFF90, s23;
	s23 =	smov.u32 s22;
	v31 =	vor.u32 s0, v1;
	v16 =	vld [tilespmem:s26+$0xFFFFFFC0];
	[tilespmem:v11+s12+$0x0] =	vst.idx.msk $0xffff, v7;
	v19 =	vadd.s32 v10, v20;
	v7 =	vshrl.u32 v8, $0x4  }
0x15c: {  	v35 =	vor.u32 s21, v1;
	s0 =	sadd.s32 $0xFFFFFFC0, s22;
	v10 =	vshll.u32 v36, $0x4;
	v20 =	vld [tilespmem:s25+$0xFFFFFFF0];
	v38 =	vand.u32 $0xFF0, v7;
	[tilespmem:v23+s12+$0x0] =	vst.idx.msk $0xffff, v29  }
0x15d: {  	v7 =	vor.u32 s0, v1;
	v39 =	vand.u32 $0x3FF0, v10;
	v40 =	vld [tilespmem:s25+$0x30];
	v29 =	vadd.s32 v28, v38;
	[tilespmem:v23+s13+$0x0] =	vst.idx.msk $0xffff, v25  }
0x15e: {  	v32 =	vadd.s32 v14, v32;
	v28 =	vor.u32 v14, v34;
	v10 =	vshll.u32 v24, $0x4;
	v23 =	vld [tilespmem:s25+$0x0];
	[tilespmem:v30+s11+$0x0] =	vst.idx.msk $0xffff, v13  }
0x15f: {  	v33 =	vor.u32 $0x80000000, v33;
	v34 =	vand.u32 $0x3FF0, v10;
	v10 =	vshll.u32 v27, $0x4;
	v14 =	vld [tilespmem:s25+$0x20];
	[tilespmem:v30+s12+$0x0] =	vst.idx.msk $0xffff, v35  }
0x160: {  	v26 =	vxor.u32 v26, v33;
	v13 =	vadd.f32 $0.0e+00, v16;
	v10 =	vand.u32 $0x3FF0, v10;
	v35 =	vld [tilespmem:s26+$0x20];
	[tilespmem:v30+s13+$0x0] =	vst.idx.msk $0xffff, v18  }
0x161: {  	v27 =	vshrl.u32 v27, $0xA;
	v16 =	vshrl.u32 v26, $0x4;
	v30 =	vld [tilespmem:s26+$0xFFFFFFF0];
	v33 =	vshll.u32 v20, $0x4;
	[tilespmem:v11+s13+$0x0] =	vst.idx.msk $0xffff, v19  }
0x162: {  	s0 =	sadd.s32 $0xFFFFFFB0, s22;
	v38 =	vor.u32 v27, v10;
	v10 =	vshrl.u32 v20, $0xA;
	v11 =	vshra.s32 v13, $0x1F;
	[tilespmem:v19+s14+$0x0] =	vst.idx.add.s32.msk $0xffff, v2  }
0x163: {  	v36 =	vshrl.u32 v36, $0xA;
	v20 =	vand.u32 $0xFF0, v16;
	v19 =	vor.u32 s0, v1;
	v41 =	vld [tilespmem:s26+$0x0];
	[tilespmem:v28+s11+$0x0] =	vst.idx.msk $0xffff, v22  }
0x164: {  	s0 =	sadd.s32 $0xFFFFFFE0, s22;
	v16 =	vor.u32 $0x80000000, v11;
	v22 =	vadd.f32 $0.0e+00, v21;
	v11 =	vand.u32 $0x3FF0, v33;
	v33 =	vld [tilespmem:s26+$0x30];
	[tilespmem:v12+s12+$0x0] =	vst.idx.msk $0xffff, v6;
	v6 =	vmovc v19  }
0x165: {  	v44 =	vadd.s32 v4, v20;
	v4 =	vmovc v27;
	v43 =	vor.u32 s0, v1;
	v21 =	vor.u32 s22, v1;
	v42 =	vld [tilespmem:s26+$0x10];
	[tilespmem:v12+s13+$0x0] =	vst.idx.msk $0xffff, v17  }
0x166: {  	v27 =	vshll.u32 v40, $0x4;
	v12 =	vshll.u32 v14, $0x4;
	v20 =	vadd.f32 $0.0e+00, v30;
	[tilespmem:v18+s14+$0x0] =	vst.idx.add.s32.msk $0xffff, v2  }
0x167: {  	v45 =	vshll.u32 v23, $0x4;
	v19 =	vshrl.u32 v14, $0xA;
	v30 =	vshrl.u32 v40, $0xA;
	[tilespmem:v17+s14+$0x0] =	vst.idx.add.s32.msk $0xffff, v2  }
0x168: {  	v11 =	vor.u32 v10, v11;
	v14 =	vshrl.u32 v23, $0xA;
	v18 =	vshrl.u32 v24, $0xA;
	[tilespmem:v3+s11+$0x0] =	vst.idx.msk $0xffff, v26  }
0x169: {  	v23 =	vand.u32 $0x3FF0, v12;
	v12 =	vand.u32 $0x3FF0, v27;
	v17 =	vshra.s32 v20, $0x1F;
	[tilespmem:v15+s11+$0x0] =	vst.idx.msk $0xffff, v8  }
0x16a: {  	v24 =	vor.u32 v30, v12;
	v26 =	vadd.f32 $0.0e+00, v33;
	v8 =	vadd.f32 $0.0e+00, v42;
	[tilespmem:v28+s12+$0x0] =	vst.idx.msk $0xffff, v31  }
0x16b: {  	v27 =	vor.u32 $0x80000000, v17;
	v33 =	vadd.f32 $0.0e+00, v41;
	v31 =	vadd.f32 $0.0e+00, v35;
	[tilespmem:v3+s12+$0x0] =	vst.idx.msk $0xffff, v37  }
0x16c: {  	v12 =	vor.u32 v36, v39;
	v35 =	vshra.s32 v26, $0x1F;
	v37 =	vld [tilespmem:s25+$0x10];
	v17 =	vshra.s32 v8, $0x1F;
	[tilespmem:v15+s12+$0x0] =	vst.idx.msk $0xffff, v5;
	v5 =	vmovc v43  }
0x16d: {  	v39 =	vshra.s32 v31, $0x1F;
	v35 =	vor.u32 $0x80000000, v35;
	v17 =	vor.u32 $0x80000000, v17;
	[tilespmem:v28+s13+$0x0] =	vst.idx.msk $0xffff, v32  }
0x16e: {  	v28 =	vshra.s32 v22, $0x1F;
	v40 =	vxor.u32 v26, v35;
	v8 =	vxor.u32 v8, v17;
	[tilespmem:v9+s14+$0x0] =	vst.idx.add.s32.msk $0xffff, v2  }
0x16f: {  	v23 =	vor.u32 v19, v23;
	v9 =	vor.u32 $0x80000000, v28;
	v17 =	vshrl.u32 v40, $0x4;
	v26 =	vld [tilespmem:s26+$0xFFFFFFD0];
	[tilespmem:v3+s13+$0x0] =	vst.idx.msk $0xffff, v44;
	v3 =	vmovc v38  }
0x170: {  	v38 =	vxor.u32 v22, v9;
	v9 =	vshra.s32 v33, $0x1F;
	v17 =	vand.u32 $0xFF0, v17;
	[tilespmem:v15+s13+$0x0] =	vst.idx.msk $0xffff, v29  }
0x171: {  	v35 =	vor.u32 $0x80000000, v39;
	v15 =	vshrl.u32 v38, $0x4;
	v28 =	vshll.u32 v37, $0x4;
	[tilespmem:v25+s14+$0x0] =	vst.idx.add.s32.msk $0xffff, v2  }
.Ltmp13:
0x172: {  	v22 =	vor.u32 $0x80000000, v9;
	v9 =	vadd.s32 v30, v17;
	v15 =	vand.u32 $0xFF0, v15;
	[tilespmem:v44+s14+$0x0] =	vst.idx.add.s32.msk $0xffff, v2;
	(pc) =	sbr.rel @p0 .LBB2_19-.Ltmp13, $4  }
0x173: {  	v22 =	vxor.u32 v33, v22;
	v17 =	vadd.s32 v36, v15;
	v15 =	vand.u32 $0x3FF0, v28;
	[tilespmem:v32+s14+$0x0] =	vst.idx.add.s32.msk $0xffff, v2  }
0x174: {  	s0 =	sadd.s32 $0xFFFFFFF0, s22;
	v30 =	vor.u32 v18, v34;
	v28 =	vshrl.u32 v37, $0xA;
	v26 =	vadd.f32 $0.0e+00, v26;
	[tilespmem:v29+s14+$0x0] =	vst.idx.add.s32.msk $0xffff, v2  }
0x175: {  	s21 =	simm.s32 $0x4;
	v34 =	vand.u32 $0x3FF0, v45;
	v25 =	vshrl.u32 v22, $0x4;
	v29 =	vor.u32 s0, v1;
	[tilespmem:v12+s11+$0x0] =	vst.idx.msk $0xffff, v38  }
0x176: {  	s28 =	sadd.s32 $0xFFFFFFA0, s22;
	s25 =	sadd.s32 $0x80, s25;
	s26 =	sadd.s32 $0x80, s26;
	v32 =	vand.u32 $0xFF0, v25;
	v15 =	vor.u32 v28, v15;
	v33 =	vshra.s32 v26, $0x1F;
	[tilespmem:v24+s11+$0x0] =	vst.idx.msk $0xffff, v40  }
0x177: {  	_ =	sdelay $0x3  }
0x178: {  	[tilespmem:v24+s12+$0x0] =	vst.idx.msk $0xffff, v21  }
0x179: {  	[tilespmem:v12+s12+$0x0] =	vst.idx.msk $0xffff, v6  }
0x17a: {  	[tilespmem:v15+s11+$0x0] =	vst.idx.msk $0xffff, v8  }
0x17b: {  	v57 =	vxor.u32 v31, v35;
	[tilespmem:v24+s13+$0x0] =	vst.idx.msk $0xffff, v9  }
0x17c: {  	v20 =	vxor.u32 v20, v27;
	[tilespmem:v23+s11+$0x0] =	vst.idx.msk $0xffff, v57  }
0x17d: {  	[tilespmem:v11+s11+$0x0] =	vst.idx.msk $0xffff, v20  }
0x17e: {  	[tilespmem:v12+s13+$0x0] =	vst.idx.msk $0xffff, v17  }
0x17f: {  	[tilespmem:v15+s12+$0x0] =	vst.idx.msk $0xffff, v5  }
0x180: {  	[tilespmem:v11+s12+$0x0] =	vst.idx.msk $0xffff, v7  }
0x181: {  	v6 =	vor.u32 $0x80000000, v33;
	[tilespmem:v23+s12+$0x0] =	vst.idx.msk $0xffff, v29  }
0x182: {  	v6 =	vxor.u32 v26, v6;
	[tilespmem:v17+s14+$0x0] =	vst.idx.add.s32.msk $0xffff, v2  }
0x183: {  	v21 =	vshrl.u32 v57, $0x4;
	[tilespmem:v3+s11+$0x0] =	vst.idx.msk $0xffff, v6  }
0x184: {  	v21 =	vand.u32 $0xFF0, v21;
	v7 =	vxor.u32 v13, v16;
	[tilespmem:v9+s14+$0x0] =	vst.idx.add.s32.msk $0xffff, v2  }
0x185: {  	s0 =	sadd.s32 $0xFFFFFF90, s23;
	v20 =	vshrl.u32 v20, $0x4;
	v58 =	vadd.s32 v19, v21;
	[tilespmem:v30+s11+$0x0] =	vst.idx.msk $0xffff, v7  }
0x186: {  	v60 =	vor.u32 s0, v1;
	v5 =	vshrl.u32 v8, $0x4;
	v13 =	vand.u32 $0xFF0, v20;
	[tilespmem:v23+s13+$0x0] =	vst.idx.msk $0xffff, v58  }
0x187: {  	v5 =	vand.u32 $0xFF0, v5;
	v10 =	vadd.s32 v10, v13;
	[tilespmem:v30+s12+$0x0] =	vst.idx.msk $0xffff, v60  }
0x188: {  	v6 =	vshrl.u32 v6, $0x4;
	v59 =	vshrl.u32 v7, $0x4;
	v5 =	vadd.s32 v28, v5;
	[tilespmem:v11+s13+$0x0] =	vst.idx.msk $0xffff, v10  }
0x189: {  	v7 =	vor.u32 v14, v34;
	v13 =	vand.u32 $0xFF0, v59;
	v11 =	vor.u32 s28, v1;
	[tilespmem:v15+s13+$0x0] =	vst.idx.msk $0xffff, v5  }
0x18a: {  	v6 =	vand.u32 $0xFF0, v6;
	v13 =	vadd.s32 v18, v13;
	[tilespmem:v3+s12+$0x0] =	vst.idx.msk $0xffff, v11  }
0x18b: {  	v4 =	vadd.s32 v4, v6;
	[tilespmem:v30+s13+$0x0] =	vst.idx.msk $0xffff, v13  }
0x18c: {  	[tilespmem:v3+s13+$0x0] =	vst.idx.msk $0xffff, v4  }
0x18d: {  	[tilespmem:v10+s14+$0x0] =	vst.idx.add.s32.msk $0xffff, v2  }
0x18e: {  	s26 =	sadd.s32 $0xFFFFFFD0, s23;
	[tilespmem:v7+s11+$0x0] =	vst.idx.msk $0xffff, v22  }
0x18f: {  	v10 =	vor.u32 s26, v1;
	[tilespmem:v58+s14+$0x0] =	vst.idx.add.s32.msk $0xffff, v2  }
0x190: {  	[tilespmem:v7+s12+$0x0] =	vst.idx.msk $0xffff, v10;
	v10 =	vadd.s32 v14, v32  }
0x191: {  	[tilespmem:v5+s14+$0x0] =	vst.idx.add.s32.msk $0xffff, v2  }
0x192: {  	[tilespmem:v4+s14+$0x0] =	vst.idx.add.s32.msk $0xffff, v2  }
0x193: {  	[tilespmem:v13+s14+$0x0] =	vst.idx.add.s32.msk $0xffff, v2  }
0x194: {  	[tilespmem:v7+s13+$0x0] =	vst.idx.msk $0xffff, v10  }
0x195: {  	s29 =	simm.s32 $0x1D040;
	[tilespmem:v10+s14+$0x0] =	vst.idx.add.s32.msk $0xffff, v2  }
0x196: {  	v3 =	vld [tilespmem:s29+$0xFFFFFFC0]  }
0x197: {  	v4 =	vld [tilespmem:s29+$0xFFFFFFD0]  }
0x198: {  	v5 =	vld [tilespmem:s29+$0xFFFFFFE0]  }
0x199: {  	v6 =	vld [tilespmem:s29+$0xFFFFFFF0]  }
0x19a: {  	v7 =	vld [tilespmem:s29+$0x0]  }
0x19b: {  	v8 =	vld [tilespmem:s29+$0x10];
	(xrf0) =	vadd.scan.msk.s32 $0xffff, v3  }
0x19c: {  	v9 =	vld [tilespmem:s29+$0x20];
	(xrf0) =	vadd.scan.msk.s32 $0xffff, v4  }
0x19d: {  	s24 =	simm.s32 $0x1D0C0;
	v10 =	vld [tilespmem:s29+$0x30];
	(xrf0) =	vadd.scan.msk.s32 $0xffff, v5  }
0x19e: {  	v11 =	vld [tilespmem:s24+$0xFFFFFFC0];
	(xrf0) =	vadd.scan.msk.s32 $0xffff, v6  }
0x19f: {  	v12 =	vld [tilespmem:s24+$0xFFFFFFD0];
	(xrf0) =	vadd.scan.msk.s32 $0xffff, v7  }
0x1a0: {  	v13 =	vld [tilespmem:s24+$0xFFFFFFE0];
	(xrf0) =	vadd.scan.msk.s32 $0xffff, v8  }
0x1a1: {  	v15 =	vld [tilespmem:s24+$0xFFFFFFF0];
	v14, _, _ =	vpop (xrf0);
	(xrf0) =	vadd.scan.msk.s32 $0xffff, v9  }
0x1a2: {  	v16 =	vld [tilespmem:s24+$0x0];
	v3 =	vsub.s32 v14, v3;
	(v2sf) =	vpush v14, $0xF;
	v14, _, _ =	vpop (xrf0);
	(xrf0) =	vadd.scan.msk.s32 $0xffff, v10  }
0x1a3: {  	[tilespmem:s29+$0xFFFFFFC0] =	vst v3;
	v3 =	vsub.s32 v14, v4;
	(v2sf) =	vpush v14, $0xF;
	v4, _, _ =	vpop (xrf0);
	v14 =	vld [tilespmem:s24+$0x10];
	(xrf0) =	vadd.scan.msk.s32 $0xffff, v11  }
0x1a4: {  	[tilespmem:s29+$0xFFFFFFD0] =	vst v3;
	v3 =	vsub.s32 v4, v5;
	(v2sf) =	vpush v4, $0xF;
	v4, _, _ =	vpop (xrf0);
	(xrf0) =	vadd.scan.msk.s32 $0xffff, v12  }
0x1a5: {  	[tilespmem:s29+$0xFFFFFFE0] =	vst v3;
	v3 =	vsub.s32 v4, v6;
	(v2sf) =	vpush v4, $0xF;
	v4, _, _ =	vpop (xrf0);
	(xrf0) =	vadd.scan.msk.s32 $0xffff, v13  }
0x1a6: {  	v5 =	vld [tilespmem:s24+$0x20];
	[tilespmem:s29+$0xFFFFFFF0] =	vst v3;
	v3 =	vsub.s32 v4, v7;
	(v2sf) =	vpush v4, $0xF;
	v4, _, _ =	vpop (xrf0);
	(xrf0) =	vadd.scan.msk.s32 $0xffff, v15  }
0x1a7: {  	v17 =	vld [tilespmem:s24+$0x30];
	[tilespmem:s29+$0x0] =	vst v3;
	v3 =	vsub.s32 v4, v8;
	(v2sf) =	vpush v4, $0xF;
	v4, _, _ =	vpop (xrf0);
	(xrf0) =	vadd.scan.msk.s32 $0xffff, v16  }
0x1a8: {  	s22 =	simm.s32 $0x1D140;
	[tilespmem:s29+$0x10] =	vst v3;
	v3 =	vsub.s32 v4, v9;
	(v2sf) =	vpush v4, $0xF;
	v4, _, _ =	vpop (xrf0);
	(xrf0) =	vadd.scan.msk.s32 $0xffff, v14  }
0x1a9: {  	v61 =	vld [tilespmem:s22+$0xFFFFFFC0];
	[tilespmem:s29+$0x20] =	vst v3;
	v3 =	vsub.s32 v4, v10;
	(v2sf) =	vpush v4, $0xF;
	v4, _, _ =	vpop (xrf0)  }
0x1aa: {  	v19 =	vld [tilespmem:s22+$0xFFFFFFD0];
	[tilespmem:s29+$0x30] =	vst v3;
	v3 =	vsub.s32 v4, v11;
	(v2sf) =	vpush v4, $0xF;
	v4, _, _ =	vpop (xrf0)  }
0x1ab: {  	v62 =	vld [tilespmem:s22+$0xFFFFFFE0];
	(xrf0) =	vadd.scan.msk.s32 $0xffff, v5;
	[tilespmem:s24+$0xFFFFFFC0] =	vst v3;
	v3 =	vsub.s32 v4, v12;
	(v2sf) =	vpush v4, $0xF;
	v4, _, _ =	vpop (xrf0)  }
0x1ac: {  	v63 =	vld [tilespmem:s22+$0xFFFFFFF0];
	(xrf0) =	vadd.scan.msk.s32 $0xffff, v17;
	[tilespmem:s24+$0xFFFFFFD0] =	vst v3;
	v3 =	vsub.s32 v4, v13;
	(v2sf) =	vpush v4, $0xF;
	v4, _, _ =	vpop (xrf0)  }
0x1ad: {  	v22 =	vld [tilespmem:s22+$0x0];
	[tilespmem:s24+$0xFFFFFFE0] =	vst v3;
	v3 =	vsub.s32 v4, v15;
	(v2sf) =	vpush v4, $0xF;
	v4, _, _ =	vpop (xrf0)  }
0x1ae: {  	v23 =	vld [tilespmem:s22+$0x10];
	(xrf0) =	vadd.scan.msk.s32 $0xffff, v61;
	[tilespmem:s24+$0xFFFFFFF0] =	vst v3;
	v3 =	vsub.s32 v4, v16;
	(v2sf) =	vpush v4, $0xF;
	v4, _, _ =	vpop (xrf0)  }
0x1af: {  	(xrf0) =	vadd.scan.msk.s32 $0xffff, v19;
	v8 =	vsub.s32 v4, v14  }
0x1b0: {  	v7 =	vld [tilespmem:s22+$0x20];
	(xrf0) =	vadd.scan.msk.s32 $0xffff, v62  }
0x1b1: {  	s23 =	simm.s32 $0x1D1C0;
	v6 =	vld [tilespmem:s22+$0x30];
	(xrf0) =	vadd.scan.msk.s32 $0xffff, v63;
	[tilespmem:s24+$0x0] =	vst v3;
	(v2sf) =	vpush v4, $0xF;
	v4, _, _ =	vpop (xrf0)  }
0x1b2: {  	v3 =	vld [tilespmem:s23+$0xFFFFFFC0];
	(xrf0) =	vadd.scan.msk.s32 $0xffff, v22;
	[tilespmem:s24+$0x10] =	vst v8;
	v5 =	vsub.s32 v4, v5;
	(v2sf) =	vpush v4, $0xF;
	s30 =	spop (v2sf);
	v8, _, _ =	vpop (xrf0)  }
0x1b3: {  	v4 =	vld [tilespmem:s23+$0xFFFFFFD0];
	(xrf0) =	vadd.scan.msk.s32 $0xffff, v23;
	[tilespmem:s24+$0x20] =	vst v5;
	(v2sf) =	vpush v8, $0xF;
	[smem:$0x0] =	sst s30  }
0x1b4: {  	v8 =	vsub.s32 v8, v17;
	s0 =	spop (v2sf)  }
0x1b5: {  	v5 =	vld [tilespmem:s23+$0xFFFFFFE0];
	v9, _, _ =	vpop (xrf0);
	(xrf0) =	vadd.scan.msk.s32 $0xffff, v7;
	[tilespmem:s24+$0x30] =	vst v8;
	[smem:$0x1] =	sst s0  }
0x1b6: {  	v11 =	vsub.s32 v9, v61;
	s0 =	spop (v2sf)  }
0x1b7: {  	v8 =	vld [tilespmem:s23+$0xFFFFFFF0];
	(v2sf) =	vpush v9, $0xF;
	v10, _, _ =	vpop (xrf0);
	(xrf0) =	vadd.scan.msk.s32 $0xffff, v6;
	[smem:$0x2] =	sst s0  }
0x1b8: {  	s0 =	spop (v2sf)  }
0x1b9: {  	[tilespmem:s22+$0xFFFFFFC0] =	vst v11;
	v9 =	vld [tilespmem:s23+$0x0];
	(v2sf) =	vpush v10, $0xF;
	v11, _, _ =	vpop (xrf0);
	[smem:$0x3] =	sst s0  }
0x1ba: {  	v12 =	vsub.s32 v10, v19;
	s0 =	spop (v2sf)  }
0x1bb: {  	[tilespmem:s22+$0xFFFFFFD0] =	vst v12;
	v12 =	vsub.s32 v11, v62;
	v10 =	vld [tilespmem:s23+$0x10];
	(xrf0) =	vadd.scan.msk.s32 $0xffff, v3;
	(v2sf) =	vpush v11, $0xF;
	v13, _, _ =	vpop (xrf0);
	[smem:s21] =	sst s0;
	s31 =	spop (v2sf)  }
0x1bc: {  	v11 =	vld [tilespmem:s23+$0x20];
	[tilespmem:s22+$0xFFFFFFE0] =	vst v12;
	(xrf0) =	vadd.scan.msk.s32 $0xffff, v4;
	(v2sf) =	vpush v13, $0xF;
	v14, _, _ =	vpop (xrf0);
	[smem:$0x5] =	sst s31  }
0x1bd: {  	v13 =	vsub.s32 v13, v63;
	s0 =	spop (v2sf)  }
0x1be: {  	[tilespmem:s22+$0xFFFFFFF0] =	vst v13;
	v12 =	vld [tilespmem:s23+$0x30];
	(xrf0) =	vadd.scan.msk.s32 $0xffff, v5;
	(v2sf) =	vpush v14, $0xF;
	v15, _, _ =	vpop (xrf0);
	[smem:$0x6] =	sst s0  }
0x1bf: {  	(v2sf) =	vpush v15, $0xF  }
0x1c0: {  	v13 =	vsub.s32 v14, v22;
	_ =	sdelay $0x1  }
0x1c1: {  	s0 =	spop (v2sf)  }
0x1c2: {  	s25 =	simm.s32 $0x1D240;
	s24 =	simm.s32 $0x18;
	[tilespmem:s22+$0x0] =	vst v13;
	v14 =	vsub.s32 v15, v23;
	(xrf0) =	vadd.scan.msk.s32 $0xffff, v8;
	v13, _, _ =	vpop (xrf0);
	[smem:$0x7] =	sst s0  }
.LBB2_21:
0x1c3: {  	(xrf0) =	vadd.scan.msk.s32 $0xffff, v9;
	v19 =	vsub.s32 v13, v7;
	(v2sf) =	vpush v13, $0xF;
	v13, _, _ =	vpop (xrf0)  }
0x1c4: {  	[tilespmem:s22+$0x10] =	vst v14;
	s0 =	spop (v2sf);
	s21 =	sadd.s32 $0x8, s21;
	v14 =	vmovc v3;
	v3 =	vld [tilespmem:s25+$0xFFFFFFC0];
	v15 =	vmovc v4;
	v16 =	vmov v5;
	v17 =	vmov v8;
	v18 =	vmov v9  }
0x1c5: {  	s24 =	sadd.s32 $0x8, s24;
	v4 =	vld [tilespmem:s25+$0xFFFFFFD0];
	(xrf0) =	vadd.scan.msk.s32 $0xffff, v10;
	[tilespmem:s22+$0x20] =	vst v19;
	v19 =	vsub.s32 v13, v6;
	(v2sf) =	vpush v13, $0xF;
	[smem:s21+$0xFFFFFFFC] =	sst s0;
	s0 =	spop (v2sf);
	v13 =	vmovc v10  }
0x1c6: {  	v5 =	vld [tilespmem:s25+$0xFFFFFFE0];
	v9, _, _ =	vpop (xrf0);
	(xrf0) =	vadd.scan.msk.s32 $0xffff, v11;
	[tilespmem:s22+$0x30] =	vst v19;
	[smem:s21+$0xFFFFFFFD] =	sst s0;
	s0 =	spop (v2sf);
	v7 =	vmov v11;
	s22 =	smov.u32 s23  }
0x1c7: {  	s23 =	smov.u32 s25;
	v8 =	vld [tilespmem:s25+$0xFFFFFFF0];
	v10 =	vsub.s32 v9, v14;
	(v2sf) =	vpush v9, $0xF;
	v11, _, _ =	vpop (xrf0);
	(xrf0) =	vadd.scan.msk.s32 $0xffff, v12;
	[smem:s21+$0xFFFFFFFE] =	sst s0;
	s0 =	spop (v2sf);
	v6 =	vmov v12  }
0x1c8: {  	p0 =	slt.u32 s24, $0xF8;
	[smem:s21+$0xFFFFFFFF] =	sst s0  }
.Ltmp14:
0x1c9: {  	v9 =	vld [tilespmem:s25+$0x0];
	[tilespmem:s22+$0xFFFFFFC0] =	vst v10;
	v12 =	vsub.s32 v11, v15;
	(v2sf) =	vpush v11, $0xF;
	v11, _, _ =	vpop (xrf0);
	s0 =	spop (v2sf);
	(pc) =	sbr.rel @p0 .LBB2_21-.Ltmp14, $4  }
0x1ca: {  	v10 =	vld [tilespmem:s25+$0x10];
	(xrf0) =	vadd.scan.msk.s32 $0xffff, v3;
	[tilespmem:s22+$0xFFFFFFD0] =	vst v12;
	v12 =	vsub.s32 v11, v16;
	(v2sf) =	vpush v11, $0xF;
	v14, _, _ =	vpop (xrf0);
	[smem:s21] =	sst s0;
	s0 =	spop (v2sf)  }
0x1cb: {  	v11 =	vld [tilespmem:s25+$0x20];
	(xrf0) =	vadd.scan.msk.s32 $0xffff, v4;
	[tilespmem:s22+$0xFFFFFFE0] =	vst v12;
	v15 =	vsub.s32 v14, v17;
	(v2sf) =	vpush v14, $0xF;
	v14, _, _ =	vpop (xrf0);
	[smem:s21+$0x1] =	sst s0;
	s0 =	spop (v2sf)  }
0x1cc: {  	v12 =	vld [tilespmem:s25+$0x30];
	(xrf0) =	vadd.scan.msk.s32 $0xffff, v5;
	[tilespmem:s22+$0xFFFFFFF0] =	vst v15;
	v15 =	vsub.s32 v14, v18;
	(v2sf) =	vpush v14, $0xF;
	v16, _, _ =	vpop (xrf0);
	[smem:s21+$0x2] =	sst s0;
	s0 =	spop (v2sf)  }
0x1cd: {  	s25 =	sadd.s32 $0x80, s25;
	(xrf0) =	vadd.scan.msk.s32 $0xffff, v8;
	[tilespmem:s22+$0x0] =	vst v15;
	v14 =	vsub.s32 v16, v13;
	(v2sf) =	vpush v16, $0xF;
	v13, _, _ =	vpop (xrf0);
	[smem:s21+$0x3] =	sst s0  }
0x1ce: {  	_ = 	snop  }
0x1cf: {  	(xrf0) =	vadd.scan.msk.s32 $0xffff, v9;
	(v2sf) =	vpush v13, $0xF;
	v15, _, _ =	vpop (xrf0)  }
0x1d0: {  	s0 =	spop (v2sf);
	s21 =	sadd.s32 $0x8, s21;
	(xrf0) =	vadd.scan.msk.s32 $0xffff, v10;
	(v2sf) =	vpush v15, $0xF;
	v16, _, _ =	vpop (xrf0)  }
0x1d1: {  	[smem:s21+$0xFFFFFFFC] =	sst s0;
	s24 =	spop (v2sf);
	(xrf0) =	vadd.scan.msk.s32 $0xffff, v11;
	(v2sf) =	vpush v16, $0xF;
	v17, _, _ =	vpop (xrf0)  }
0x1d2: {  	[smem:s21+$0xFFFFFFFD] =	sst s24;
	s25 =	spop (v2sf);
	(xrf0) =	vadd.scan.msk.s32 $0xffff, v12;
	(v2sf) =	vpush v17, $0xF;
	v18, _, _ =	vpop (xrf0)  }
0x1d3: {  	[smem:s21+$0xFFFFFFFE] =	sst s25;
	s26 =	spop (v2sf);
	(v2sf) =	vpush v18, $0xF;
	v19, _, _ =	vpop (xrf0)  }
0x1d4: {  	[smem:s21+$0xFFFFFFFF] =	sst s26;
	s28 =	spop (v2sf);
	(v2sf) =	vpush v19, $0xF  }
0x1d5: {  	[smem:s21] =	sst s28;
	s29 =	spop (v2sf);
	v20, _, _ =	vpop (xrf0)  }
0x1d6: {  	[tilespmem:s22+$0x10] =	vst v14;
	v7 =	vsub.s32 v13, v7;
	[smem:s21+$0x1] =	sst s29;
	s30 =	spop (v2sf);
	(v2sf) =	vpush v20, $0xF;
	v21, _, _ =	vpop (xrf0)  }
0x1d7: {  	[tilespmem:s22+$0x20] =	vst v7;
	v6 =	vsub.s32 v15, v6;
	[smem:s21+$0x2] =	sst s30;
	s31 =	spop (v2sf);
	(v2sf) =	vpush v21, $0xF;
	v62, _, _ =	vpop (xrf0)  }
0x1d8: {  	[tilespmem:s22+$0x30] =	vst v6;
	v3 =	vsub.s32 v16, v3;
	[smem:s21+$0x3] =	sst s31;
	s22 =	spop (v2sf);
	s21 =	sadd.s32 $0x8, s21;
	(v2sf) =	vpush v62, $0xF;
	v63, _, _ =	vpop (xrf0)  }
0x1d9: {  	[tilespmem:s23+$0xFFFFFFC0] =	vst v3;
	v3 =	vsub.s32 v17, v4;
	[smem:s21+$0xFFFFFFFC] =	sst s22;
	(v2sf) =	vpush v63, $0xF;
	s24 =	spop (v2sf)  }
0x1da: {  	[tilespmem:s23+$0xFFFFFFD0] =	vst v3;
	v3 =	vsub.s32 v18, v5;
	[smem:s21+$0xFFFFFFFD] =	sst s24;
	s25 =	spop (v2sf)  }
0x1db: {  	[tilespmem:s23+$0xFFFFFFE0] =	vst v3;
	v3 =	vsub.s32 v19, v8;
	[smem:s21+$0xFFFFFFFE] =	sst s25;
	s26 =	spop (v2sf)  }
0x1dc: {  	[tilespmem:s23+$0xFFFFFFF0] =	vst v3;
	v3 =	vsub.s32 v20, v9;
	[smem:s21+$0xFFFFFFFF] =	sst s26;
	s28 =	spop (v2sf)  }
0x1dd: {  	[tilespmem:s23+$0x0] =	vst v3;
	v3 =	vsub.s32 v21, v10;
	[smem:s21] =	sst s28;
	s29 =	spop (v2sf)  }
0x1de: {  	[tilespmem:s23+$0x10] =	vst v3;
	v3 =	vsub.s32 v62, v11;
	[smem:s21+$0x1] =	sst s29;
	s30 =	spop (v2sf)  }
0x1df: {  	[tilespmem:s23+$0x20] =	vst v3;
	v3 =	vsub.s32 v63, v12;
	[smem:s21+$0x2] =	sst s30;
	s31 =	spop (v2sf)  }
0x1e0: {  	[tilespmem:s23+$0x30] =	vst v3;
	s23 =	sadd.s32 $0x8, s21;
	[smem:s21+$0x3] =	sst s31;
	s22 =	spop (v2sf)  }
0x1e1: {  	[smem:s23+$0xFFFFFFFC] =	sst s22;
	s24 =	spop (v2sf)  }
0x1e2: {  	[smem:s23+$0xFFFFFFFD] =	sst s24;
	s25 =	spop (v2sf)  }
0x1e3: {  	[smem:s23+$0xFFFFFFFE] =	sst s25;
	s26 =	spop (v2sf)  }
0x1e4: {  	p1 =	por $0x1, $0x1;
	[smem:s23+$0xFFFFFFFF] =	sst s26  }
.Ltmp15:
0x1e5: {  	s28 =	spop (v2sf);
	(pc) =	sbr.rel @!p1 .LBB2_23-.Ltmp15, $4  }
0x1e6: {  	[smem:s23] =	sst s28;
	s29 =	spop (v2sf)  }
0x1e7: {  	[smem:s23+$0x1] =	sst s29;
	s30 =	spop (v2sf)  }
0x1e8: {  	p0 =	por $0x0, $0x0;
	[smem:s23+$0x2] =	sst s30;
	s31 =	spop (v2sf)  }
0x1e9: {  	s21 =	simm.s32 $0x2;
	s22 =	simm.s32 $0x0;
	[smem:s23+$0x3] =	sst s31  }
0x1ea: {  	s0 =	sld [smem:$0x0]  }
0x1eb: {  	[smem:$0x0] =	sst s22  }
0x1ec: {  	s23 =	sld [smem:$0x1]  }
0x1ed: {  	s0 =	sadd.s32 $0x0, s0  }
0x1ee: {  	p1 =	por $0x1, $0x1;
	[smem:$0x1] =	sst s0  }
.Ltmp16:
0x1ef: {  	s0 =	sadd.s32 s0, s23;
	s25 =	sld [smem:$0x2];
	(pc) =	sbr.rel @!p1 .LBB2_26-.Ltmp16, $4  }
0x1f0: {  	[smem:s21] =	sst s0  }
0x1f1: {  	s24 =	sld [smem:$0x3]  }
0x1f2: {  	p0 =	por $0x1, $0x1;
	s25 =	sadd.s32 s0, s25  }
0x1f3: {  	s23 =	simm.s32 $0x4;
	s21 =	simm.s32 $0x6;
	[smem:$0x3] =	sst s25  }
.LBB2_25:
0x1f4: {  	s23 =	sadd.s32 $0x4, s23;
	s0 =	sld [smem:s21+$0xFFFFFFFE];
	s24 =	sadd.s32 s25, s24  }
0x1f5: {  	p1 =	slt.u32 s23, $0xFC;
	[smem:s21+$0xFFFFFFFE] =	sst s24  }
0x1f6: {  	s25 =	sld [smem:s21+$0xFFFFFFFF]  }
0x1f7: {  	s0 =	sadd.s32 s24, s0  }
0x1f8: {  	[smem:s21+$0xFFFFFFFF] =	sst s0  }
.Ltmp17:
0x1f9: {  	s0 =	sadd.s32 s0, s25;
	s25 =	sld [smem:s21+$0x0];
	(pc) =	sbr.rel @p1 .LBB2_25-.Ltmp17, $4  }
0x1fa: {  	[smem:s21] =	sst s0  }
0x1fb: {  	s24 =	sld [smem:s21+$0x1]  }
0x1fc: {  	s25 =	sadd.s32 s0, s25  }
0x1fd: {  	[smem:s21+$0x1] =	sst s25;
	s21 =	sadd.s32 $0x4, s21  }
.LBB2_26:
0x1fe: {  	s0 =	sld [smem:s21+$0xFFFFFFFE];
	s23 =	sadd.s32 @p0 s25, s24  }
0x1ff: {  	s22 =	smov.u32 @p0 s23  }
0x200: {  	[smem:s21+$0xFFFFFFFE] =	sst s22  }
0x201: {  	s26 =	sld [smem:s21+$0xFFFFFFFF];
	s0 =	sadd.s32 s22, s0  }
0x202: {  	[smem:s21+$0xFFFFFFFF] =	sst s0  }
0x203: {  	s31 =	sld [smem:s21+$0x0];
	_ =	sdelay $0x1  }
0x204: {  	s22 =	simm.s32 $0x1D040;
	s0 =	sadd.s32 s0, s26  }
0x205: {  	v4 =	vld [tilespmem:s22+$0x30];
	[smem:s21] =	sst s0;
	s0 =	sadd.s32 s0, s31  }
0x206: {  	v9 =	vld [tilespmem:s22+$0xFFFFFFD0];
	[smem:s21+$0x1] =	sst s0  }
0x207: {  	p0 =	por $0x1, $0x1;
	v6 =	vld [tilespmem:s22+$0xFFFFFFE0];
	s0 =	sld [smem:$0x7]  }
.Ltmp18:
0x208: {  	s23 =	sld [smem:$0x0];
	v7 =	vld [tilespmem:s22+$0xFFFFFFF0];
	(pc) =	sbr.rel @!p0 .LBB2_28-.Ltmp18, $4  }
0x209: {  	s26 =	sld [smem:$0x1];
	v3 =	vld [tilespmem:s22+$0x0]  }
0x20a: {  	s29 =	sld [smem:$0x2];
	v5 =	vld [tilespmem:s22+$0x10];
	v8 =	vadd.s32 s0, v4  }
0x20b: {  	s24 =	simm.s32 $0x4;
	s25 =	simm.s32 $0x0;
	s28 =	sld [smem:$0x3];
	v4 =	vld [tilespmem:s22+$0x20];
	[tilespmem:s22+$0x30] =	vst v8  }
0x20c: {  	s21 =	simm.s32 $0x1C040;
	v8 =	vld [tilespmem:s22+$0xFFFFFFC0];
	v9 =	vadd.s32 s26, v9;
	s30 =	sld [smem:$0x4];
	s26 =	simm.s32 $0x1D0C0  }
.LBB2_27:
0x20d: {  	v10 =	vld [tilespmem:s26+$0x30];
	s25 =	sadd.s32 $0x8, s25;
	[tilespmem:s22+$0xFFFFFFD0] =	vst v9;
	v6 =	vadd.s32 s29, v6;
	s0 =	sld [smem:s24+$0x1]  }
0x20e: {  	v9 =	vld [tilespmem:s26+$0xFFFFFFD0];
	p0 =	slt.u32 s25, $0xF8;
	[tilespmem:s22+$0xFFFFFFE0] =	vst v6;
	v7 =	vadd.s32 s28, v7;
	s28 =	sld [smem:s24+$0x2];
	s24 =	sadd.s32 $0x8, s24  }
0x20f: {  	v6 =	vld [tilespmem:s26+$0xFFFFFFE0];
	s31 =	sld [smem:s24+$0x3];
	[tilespmem:s22+$0xFFFFFFF0] =	vst v7;
	v3 =	vadd.s32 s30, v3  }
.Ltmp19:
0x210: {  	s30 =	sld [smem:s24+$0xFFFFFFFC];
	v7 =	vld [tilespmem:s26+$0xFFFFFFF0];
	[tilespmem:s22+$0x0] =	vst v3;
	v5 =	vadd.s32 s0, v5;
	(pc) =	sbr.rel @p0 .LBB2_27-.Ltmp19, $4  }
0x211: {  	s0 =	sld [smem:s24+$0xFFFFFFFD];
	v3 =	vld [tilespmem:s26+$0x0];
	v8 =	vadd.s32 s23, v8;
	[tilespmem:s22+$0x10] =	vst v5;
	v11 =	vadd.s32 s28, v4  }
0x212: {  	s29 =	sld [smem:s24+$0xFFFFFFFE];
	v5 =	vld [tilespmem:s26+$0x10];
	v10 =	vadd.s32 s31, v10;
	[tilespmem:s22+$0xFFFFFFC0] =	vst v8  }
0x213: {  	s28 =	sld [smem:s24+$0xFFFFFFFF];
	v4 =	vld [tilespmem:s26+$0x20];
	[tilespmem:s26+$0x30] =	vst v10;
	s23 =	smov.u32 s30  }
0x214: {  	v8 =	vld [tilespmem:s26+$0xFFFFFFC0];
	v9 =	vadd.s32 s0, v9;
	s30 =	sld [smem:s24+$0x0];
	[tilespmem:s22+$0x20] =	vst v11;
	s22 =	smov.u32 s26;
	s26 =	sadd.s32 $0x80, s26  }
.LBB2_28:
0x215: {  	[tilespmem:s22+$0xFFFFFFD0] =	vst v9  }
0x216: {  	v6 =	vadd.s32 s29, v6;
	s0 =	sld [smem:s24+$0x1]  }
0x217: {  	[tilespmem:s22+$0xFFFFFFE0] =	vst v6;
	v62 =	vadd.s32 s28, v7  }
0x218: {  	s31 =	sld [smem:s24+$0x2];
	[tilespmem:s22+$0xFFFFFFF0] =	vst v62;
	v3 =	vadd.s32 s30, v3  }
0x219: {  	[tilespmem:s22+$0x0] =	vst v3;
	v3 =	vadd.s32 s0, v5  }
0x21a: {  	v63 =	vadd.s32 s23, v8;
	[tilespmem:s22+$0x10] =	vst v3  }
0x21b: {  	v3 =	vadd.s32 s31, v4;
	[tilespmem:s22+$0xFFFFFFC0] =	vst v63  }
0x21c: {  	[tilespmem:s22+$0x20] =	vst v3  }
0x21d: {  	[tilespmem:s21+$0xFFFFFFC0] =	vst v0  }
0x21e: {  	p0 =	por $0x1, $0x1;
	[tilespmem:s21+$0x30] =	vst v0  }
.Ltmp20:
0x21f: {  	[tilespmem:s21+$0x20] =	vst v0;
	(pc) =	sbr.rel @!p0 .LBB2_30-.Ltmp20, $4  }
0x220: {  	[tilespmem:s21+$0x10] =	vst v0  }
0x221: {  	[tilespmem:s21+$0x0] =	vst v0  }
0x222: {  	[tilespmem:s21+$0xFFFFFFF0] =	vst v0  }
0x223: {  	s22 =	simm.s32 $0x0;
	[tilespmem:s21+$0xFFFFFFE0] =	vst v0  }
.LBB2_29:
0x224: {  	s22 =	sadd.s32 $0x8, s22;
	[tilespmem:s21+$0xFFFFFFD0] =	vst v0;
	s21 =	sadd.s32 $0x80, s21  }
0x225: {  	[tilespmem:s21+$0xFFFFFFC0] =	vst v0;
	p0 =	slt.u32 s22, $0xF8  }
0x226: {  	[tilespmem:s21+$0x30] =	vst v0  }
.Ltmp21:
0x227: {  	[tilespmem:s21+$0x20] =	vst v0;
	(pc) =	sbr.rel @p0 .LBB2_29-.Ltmp21, $4  }
0x228: {  	[tilespmem:s21+$0x10] =	vst v0  }
0x229: {  	[tilespmem:s21+$0x0] =	vst v0  }
0x22a: {  	[tilespmem:s21+$0xFFFFFFF0] =	vst v0  }
0x22b: {  	[tilespmem:s21+$0xFFFFFFE0] =	vst v0  }
.LBB2_30:
0x22c: {  	[tilespmem:s21+$0xFFFFFFD0] =	vst v0;
	s21 =	simm.s32 $0x0  }
.LBB2_31:
0x22d: {  	s0 =	sshra.s32 s21, $0x2  }
0x22e: {  	v3 =	vld [tilespmem:s0+$0x18010]  }
0x22f: {  	v4 =	vld [tilespmem:s0+$0x18000]  }
0x230: {  	v5 =	vld [tilespmem:s0+$0x18020]  }
0x231: {  	v6 =	vld [tilespmem:s0+$0x18030];
	_ =	sdelay $0x4  }
0x232: {  	v7 =	vld.idx.msk [tilespmem:v3+s14+$0x0], $0xffff  }
0x233: {  	v8 =	vld.idx.msk [tilespmem:v4+s14+$0x0], $0xffff  }
0x234: {  	vm0 =	veq.s32 v3, v4;
	vm12 =	veq.s32 v5, v4;
	vm13 =	veq.s32 v5, v3;
	v9 =	vld.idx.msk [tilespmem:v5+s14+$0x0], $0xffff  }
0x235: {  	vm1 =	veq.s32 v6, v4;
	vm14 =	veq.s32 v6, v3;
	vm15 =	veq.s32 v6, v5;
	v11 =	vld.idx.msk [tilespmem:v6+s14+$0x0], $0xffff  }
0x236: {  	v10 =	vsel vm0, $0x1, v0;
	v12 =	vsel vm12, $0x1, v0;
	v13 =	vsel vm13, $0x1, v0  }
0x237: {  	v14 =	vsel vm1, $0x1, v0;
	v59 =	vsel vm14, $0x1, v0;
	v60 =	vsel vm15, $0x1, v0  }
0x238: {  	v12 =	vadd.s32 v12, v13;
	v7 =	vadd.s32 v10, v7;
	v10 =	vadd.s32 v14, v59;
	[tilespmem:s0+$0x18000] =	vst v8  }
0x239: {  	v61 =	vadd.s32 v9, v12;
	v62 =	vadd.s32 v60, v10;
	[tilespmem:s0+$0x18010] =	vst v7  }
0x23a: {  	p0 =	sne.s32 s21, $0xFF00;
	[tilespmem:s0+$0x18020] =	vst v61;
	v63 =	vadd.s32 v11, v62  }
.Ltmp22:
0x23b: {  	[tilespmem:s0+$0x18030] =	vst v63;
	(pc) =	sbr.rel @p0 .LBB2_31-.Ltmp22, $4  }
0x23c: {  	[tilespmem:v4+s14+$0x0] =	vst.idx.add.s32.msk $0xffff, v2  }
0x23d: {  	[tilespmem:v3+s14+$0x0] =	vst.idx.add.s32.msk $0xffff, v2  }
0x23e: {  	[tilespmem:v5+s14+$0x0] =	vst.idx.add.s32.msk $0xffff, v2  }
0x23f: {  	s21 =	sadd.s32 $0x100, s21;
	[tilespmem:v6+s14+$0x0] =	vst.idx.add.s32.msk $0xffff, v2  }
0x240: {  	s22 =	simm.s32 $0x18040  }
0x241: {  	v4 =	vld [tilespmem:s22+$0xFFFFFFD0]  }
0x242: {  	v8 =	vld [tilespmem:s22+$0x10]  }
0x243: {  	v16 =	vld [tilespmem:s22+$0x0]  }
0x244: {  	v5 =	vld [tilespmem:s22+$0xFFFFFFE0]  }
0x245: {  	v6 =	vld [tilespmem:s22+$0x20]  }
0x246: {  	v7 =	vld [tilespmem:s22+$0xFFFFFFC0]  }
0x247: {  	v13 =	vld [tilespmem:s22+$0x30]  }
0x248: {  	s0 =	simm.s32 $0x4040  }
0x249: {  	v25 =	vld [tilespmem:s0+$0x20]  }
0x24a: {  	v3 =	vshll.u32 v8, $0x4;
	v9 =	vshll.u32 v16, $0x4;
	v10 =	vshrl.u32 v6, $0xA  }
0x24b: {  	v6 =	vshll.u32 v6, $0x4;
	v15 =	vshll.u32 v7, $0x4;
	v14 =	vshrl.u32 v5, $0xA  }
0x24c: {  	v24 =	vshrl.u32 v13, $0xA;
	v17 =	vand.u32 $0x3FF0, v3;
	v3 =	vshrl.u32 v4, $0xA  }
0x24d: {  	v11 =	vld [tilespmem:s0+$0x10];
	v23 =	vand.u32 $0x3FF0, v9;
	v9 =	vshll.u32 v5, $0x4;
	v4 =	vshll.u32 v4, $0x4  }
0x24e: {  	v28 =	vld [tilespmem:s0+$0xFFFFFFE0];
	v6 =	vand.u32 $0x3FF0, v6;
	v5 =	vshll.u32 v13, $0x4;
	v13 =	vshrl.u32 v25, $0xC  }
0x24f: {  	v22 =	vld [tilespmem:s22+$0xFFFFFFF0];
	v12 =	vand.u32 $0x3FF0, v9;
	v9 =	vshrl.u32 v7, $0xA;
	v19 =	vor.u32 v10, v6  }
0x250: {  	v29 =	vld [tilespmem:s0+$0xFFFFFFD0];
	v4 =	vand.u32 $0x3FF0, v4;
	v26 =	vand.u32 $0xFF0, v13;
	v12 =	vor.u32 v14, v12  }
0x251: {  	v32 =	vld [tilespmem:s0+$0x30];
	v13 =	vshrl.u32 v8, $0xA;
	v7 =	vor.u32 v3, v4;
	v4 =	vand.u32 $0x3FF0, v5  }
0x252: {  	v6 =	vld [tilespmem:s0+$0x0];
	v5 =	vand.u32 $0x3FF0, v15;
	v21 =	vor.u32 v24, v4;
	v4 =	vshrl.u32 v11, $0xC  }
0x253: {  	v15 =	vld [tilespmem:s0+$0xFFFFFFC0];
	v20 =	vor.u32 v9, v5;
	v5 =	vand.u32 $0xFF0, v4;
	v4 =	vshrl.u32 v28, $0xC  }
0x254: {  	s23 =	simm.s32 $0xC040;
	v18 =	vld [tilespmem:s0+$0xFFFFFFF0];
	v16 =	vshrl.u32 v16, $0xA;
	v27 =	vand.u32 $0xFF0, v4;
	v4 =	vor.u32 v13, v17;
	[tilespmem:v19+s15+$0x0] =	vst.idx.msk $0xffff, v25  }
0x255: {  	v31 =	vshll.u32 v22, $0x4;
	v17 =	vor.u32 v16, v23;
	[tilespmem:v12+s15+$0x0] =	vst.idx.msk $0xffff, v28;
	v30 =	vld [tilespmem:s23+$0x20]  }
0x256: {  	v22 =	vshrl.u32 v22, $0xA;
	v8 =	vand.u32 $0x3FF0, v31;
	[tilespmem:v7+s15+$0x0] =	vst.idx.msk $0xffff, v29;
	v28 =	vld [tilespmem:s23+$0xFFFFFFE0]  }
0x257: {  	v8 =	vor.u32 v22, v8;
	v33 =	vshrl.u32 v6, $0xC;
	v31 =	vld [tilespmem:s23+$0xFFFFFFD0];
	[tilespmem:v21+s15+$0x0] =	vst.idx.msk $0xffff, v32  }
0x258: {  	s24 =	simm.s32 $0x0;
	s25 =	simm.s32 $0x40C0;
	s26 =	simm.s32 $0xC040;
	v25 =	vshrl.u32 v29, $0xC;
	v23 =	vand.u32 $0xFF0, v33;
	v32 =	vshrl.u32 v32, $0xC;
	[tilespmem:v20+s15+$0x0] =	vst.idx.msk $0xffff, v15;
	v29 =	vld [tilespmem:s23+$0x30]  }
.LBB2_33:
0x259: {  	s24 =	sadd.s32 $0x8, s24;
	v33 =	vld [tilespmem:s23+$0xFFFFFFC0];
	[tilespmem:v4+s15+$0x0] =	vst.idx.msk $0xffff, v11;
	s22 =	sadd.s32 $0x80, s22;
	s26 =	sadd.s32 $0x80, s26  }
0x25a: {  	p0 =	slt.u32 s24, $0x3F8;
	[tilespmem:v17+s15+$0x0] =	vst.idx.msk $0xffff, v6;
	v34 =	vld [tilespmem:s23+$0x10]  }
0x25b: {  	v6 =	vand.u32 $0xFF0, v32;
	v35 =	vld [tilespmem:s23+$0x0];
	[tilespmem:v19+s16+$0x0] =	vst.idx.msk $0xffff, v30;
	v30 =	vadd.s32 v10, v26  }
0x25c: {  	v26 =	vadd.s32 v14, v27;
	v10 =	vshrl.u32 v18, $0xC;
	v14 =	vadd.s32 v24, v6;
	v32 =	vld [tilespmem:s22+$0xFFFFFFF0];
	[tilespmem:v7+s16+$0x0] =	vst.idx.msk $0xffff, v31  }
0x25d: {  	v10 =	vand.u32 $0xFF0, v10;
	v6 =	vld [tilespmem:s25+$0x0];
	[tilespmem:v19+s17+$0x0] =	vst.idx.msk $0xffff, v30  }
0x25e: {  	v19 =	vld [tilespmem:s22+$0xFFFFFFD0];
	[tilespmem:v12+s16+$0x0] =	vst.idx.msk $0xffff, v28  }
0x25f: {  	v11 =	vshrl.u32 v15, $0xC;
	v15 =	vand.u32 $0xFF0, v25;
	v28 =	vld [tilespmem:s22+$0x10];
	[tilespmem:v20+s16+$0x0] =	vst.idx.msk $0xffff, v33  }
0x260: {  	v11 =	vand.u32 $0xFF0, v11;
	v24 =	vadd.s32 v3, v15;
	v31 =	vld [tilespmem:s22+$0x0];
	[tilespmem:v21+s16+$0x0] =	vst.idx.msk $0xffff, v29  }
0x261: {  	v9 =	vadd.s32 v9, v11;
	v25 =	vld [tilespmem:s22+$0xFFFFFFE0];
	[tilespmem:v21+s17+$0x0] =	vst.idx.msk $0xffff, v14  }
0x262: {  	v15 =	vld [tilespmem:s22+$0x20];
	[tilespmem:v20+s17+$0x0] =	vst.idx.msk $0xffff, v9  }
0x263: {  	v20 =	vld [tilespmem:s22+$0xFFFFFFC0];
	[tilespmem:v12+s17+$0x0] =	vst.idx.msk $0xffff, v26  }
0x264: {  	v11 =	vld [tilespmem:s25+$0x10];
	v3 =	vshll.u32 v28, $0x4;
	[tilespmem:v8+s15+$0x0] =	vst.idx.msk $0xffff, v18  }
0x265: {  	v22 =	vadd.s32 v22, v10;
	v12 =	vshll.u32 v31, $0x4;
	v29 =	vand.u32 $0x3FF0, v3;
	v18 =	vld [tilespmem:s22+$0x30];
	[tilespmem:v7+s17+$0x0] =	vst.idx.msk $0xffff, v24  }
0x266: {  	v3 =	vshrl.u32 v19, $0xA;
	v33 =	vand.u32 $0x3FF0, v12;
	[tilespmem:v14+s10+$0x0] =	vst.idx.add.s32.msk $0xffff, v2  }
0x267: {  	v10 =	vshrl.u32 v15, $0xA;
	v12 =	vld [tilespmem:s23+$0xFFFFFFF0];
	[tilespmem:v17+s16+$0x0] =	vst.idx.msk $0xffff, v35;
	s23 =	smov.u32 s26  }
0x268: {  	v13 =	vadd.s32 v13, v5;
	v7 =	vshll.u32 v15, $0x4;
	v35 =	vld [tilespmem:s25+$0x20];
	[tilespmem:v4+s16+$0x0] =	vst.idx.msk $0xffff, v34  }
0x269: {  	v16 =	vadd.s32 v16, v23;
	v14 =	vshll.u32 v25, $0x4;
	v5 =	vshll.u32 v20, $0x4;
	[tilespmem:v9+s10+$0x0] =	vst.idx.add.s32.msk $0xffff, v2  }
0x26a: {  	v19 =	vshll.u32 v19, $0x4;
	v21 =	vand.u32 $0x3FF0, v14;
	v23 =	vand.u32 $0x3FF0, v7;
	v15 =	vld [tilespmem:s25+$0xFFFFFFC0];
	[tilespmem:v17+s17+$0x0] =	vst.idx.msk $0xffff, v16  }
0x26b: {  	v14 =	vshrl.u32 v25, $0xA;
	v7 =	vand.u32 $0x3FF0, v19;
	v9 =	vshrl.u32 v20, $0xA;
	[tilespmem:v24+s10+$0x0] =	vst.idx.add.s32.msk $0xffff, v2  }
0x26c: {  	v34 =	vshll.u32 v32, $0x4;
	v7 =	vor.u32 v3, v7;
	v19 =	vor.u32 v10, v23;
	v17 =	vld [tilespmem:s25+$0xFFFFFFE0];
	[tilespmem:v8+s16+$0x0] =	vst.idx.msk $0xffff, v12  }
0x26d: {  	v23 =	vshll.u32 v18, $0x4;
	v12 =	vshrl.u32 v11, $0xC;
	v20 =	vshrl.u32 v35, $0xC;
	[tilespmem:v26+s10+$0x0] =	vst.idx.add.s32.msk $0xffff, v2  }
0x26e: {  	v24 =	vand.u32 $0x3FF0, v5;
	v5 =	vand.u32 $0xFF0, v12;
	v26 =	vand.u32 $0xFF0, v20;
	[tilespmem:v30+s10+$0x0] =	vst.idx.add.s32.msk $0xffff, v2  }
0x26f: {  	v37 =	vshrl.u32 v6, $0xC;
	v12 =	vor.u32 v14, v21;
	v36 =	vld [tilespmem:s25+$0xFFFFFFD0];
	[tilespmem:v4+s17+$0x0] =	vst.idx.msk $0xffff, v13  }
0x270: {  	v20 =	vor.u32 v9, v24;
	v24 =	vshrl.u32 v18, $0xA;
	v4 =	vand.u32 $0x3FF0, v23;
	v38 =	vld [tilespmem:s25+$0x30];
	[tilespmem:v8+s17+$0x0] =	vst.idx.msk $0xffff, v22  }
0x271: {  	v21 =	vor.u32 v24, v4;
	v8 =	vshrl.u32 v17, $0xC;
	[tilespmem:v16+s10+$0x0] =	vst.idx.add.s32.msk $0xffff, v2  }
0x272: {  	v27 =	vand.u32 $0xFF0, v8;
	[tilespmem:v13+s10+$0x0] =	vst.idx.add.s32.msk $0xffff, v2  }
0x273: {  	v13 =	vshrl.u32 v28, $0xA;
	v18 =	vld [tilespmem:s25+$0xFFFFFFF0];
	[tilespmem:v19+s15+$0x0] =	vst.idx.msk $0xffff, v35  }
.Ltmp23:
0x274: {  	v16 =	vshrl.u32 v31, $0xA;
	v4 =	vor.u32 v13, v29;
	v25 =	vshrl.u32 v36, $0xC;
	[tilespmem:v22+s10+$0x0] =	vst.idx.add.s32.msk $0xffff, v2;
	(pc) =	sbr.rel @p0 .LBB2_33-.Ltmp23, $4  }
0x275: {  	[tilespmem:v12+s15+$0x0] =	vst.idx.msk $0xffff, v17;
	v17 =	vor.u32 v16, v33;
	v30 =	vld [tilespmem:s26+$0x20]  }
0x276: {  	v8 =	vand.u32 $0x3FF0, v34;
	v22 =	vshrl.u32 v32, $0xA;
	[tilespmem:v7+s15+$0x0] =	vst.idx.msk $0xffff, v36;
	v28 =	vld [tilespmem:s26+$0xFFFFFFE0]  }
0x277: {  	v23 =	vand.u32 $0xFF0, v37;
	v8 =	vor.u32 v22, v8;
	v32 =	vshrl.u32 v38, $0xC;
	v31 =	vld [tilespmem:s26+$0xFFFFFFD0];
	[tilespmem:v21+s15+$0x0] =	vst.idx.msk $0xffff, v38  }
0x278: {  	s28 =	simm.s32 $0x1C040;
	s21 =	simm.s32 $0x4;
	s25 =	sadd.s32 $0x80, s25;
	[tilespmem:v20+s15+$0x0] =	vst.idx.msk $0xffff, v15;
	v29 =	vld [tilespmem:s26+$0x30]  }
0x279: {  	_ =	sdelay $0x3  }
0x27a: {  	[tilespmem:v4+s15+$0x0] =	vst.idx.msk $0xffff, v11  }
0x27b: {  	[tilespmem:v17+s15+$0x0] =	vst.idx.msk $0xffff, v6  }
0x27c: {  	[tilespmem:v8+s15+$0x0] =	vst.idx.msk $0xffff, v18  }
0x27d: {  	v6 =	vadd.s32 v10, v26;
	[tilespmem:v19+s16+$0x0] =	vst.idx.msk $0xffff, v30  }
0x27e: {  	[tilespmem:v19+s17+$0x0] =	vst.idx.msk $0xffff, v6  }
0x27f: {  	v11 =	vld [tilespmem:s23+$0xFFFFFFC0];
	[tilespmem:v12+s16+$0x0] =	vst.idx.msk $0xffff, v28  }
0x280: {  	v14 =	vadd.s32 v14, v27;
	[tilespmem:v7+s16+$0x0] =	vst.idx.msk $0xffff, v31  }
0x281: {  	v58 =	vand.u32 $0xFF0, v25;
	[tilespmem:v12+s17+$0x0] =	vst.idx.msk $0xffff, v14  }
0x282: {  	v10 =	vand.u32 $0xFF0, v32;
	v3 =	vadd.s32 v3, v58;
	[tilespmem:v21+s16+$0x0] =	vst.idx.msk $0xffff, v29  }
0x283: {  	v10 =	vadd.s32 v24, v10;
	[tilespmem:v7+s17+$0x0] =	vst.idx.msk $0xffff, v3  }
0x284: {  	v7 =	vld [tilespmem:s23+$0xFFFFFFF0];
	[tilespmem:v20+s16+$0x0] =	vst.idx.msk $0xffff, v11  }
0x285: {  	v11 =	vshrl.u32 v15, $0xC;
	[tilespmem:v21+s17+$0x0] =	vst.idx.msk $0xffff, v10;
	v15 =	vld [tilespmem:s23+$0x10]  }
0x286: {  	[tilespmem:v14+s10+$0x0] =	vst.idx.add.s32.msk $0xffff, v2  }
0x287: {  	[tilespmem:v6+s10+$0x0] =	vst.idx.add.s32.msk $0xffff, v2  }
0x288: {  	v11 =	vand.u32 $0xFF0, v11;
	[tilespmem:v10+s10+$0x0] =	vst.idx.add.s32.msk $0xffff, v2  }
0x289: {  	[tilespmem:v3+s10+$0x0] =	vst.idx.add.s32.msk $0xffff, v2;
	v9 =	vadd.s32 v9, v11  }
0x28a: {  	v3 =	vshrl.u32 v18, $0xC;
	[tilespmem:v20+s17+$0x0] =	vst.idx.msk $0xffff, v9  }
0x28b: {  	v11 =	vld [tilespmem:s23+$0x0];
	v3 =	vand.u32 $0xFF0, v3;
	[tilespmem:v8+s16+$0x0] =	vst.idx.msk $0xffff, v7  }
0x28c: {  	v5 =	vadd.s32 v13, v5;
	v3 =	vadd.s32 v22, v3;
	[tilespmem:v4+s16+$0x0] =	vst.idx.msk $0xffff, v15  }
0x28d: {  	[tilespmem:v8+s17+$0x0] =	vst.idx.msk $0xffff, v3  }
0x28e: {  	[tilespmem:v4+s17+$0x0] =	vst.idx.msk $0xffff, v5  }
0x28f: {  	[tilespmem:v9+s10+$0x0] =	vst.idx.add.s32.msk $0xffff, v2;
	v9 =	vadd.s32 v16, v23  }
0x290: {  	[tilespmem:v17+s16+$0x0] =	vst.idx.msk $0xffff, v11  }
0x291: {  	[tilespmem:v5+s10+$0x0] =	vst.idx.add.s32.msk $0xffff, v2  }
0x292: {  	[tilespmem:v17+s17+$0x0] =	vst.idx.msk $0xffff, v9  }
0x293: {  	[tilespmem:v3+s10+$0x0] =	vst.idx.add.s32.msk $0xffff, v2  }
0x294: {  	[tilespmem:v9+s10+$0x0] =	vst.idx.add.s32.msk $0xffff, v2  }
0x295: {  	v3 =	vld [tilespmem:s28+$0xFFFFFFC0]  }
0x296: {  	v4 =	vld [tilespmem:s28+$0xFFFFFFD0]  }
0x297: {  	v5 =	vld [tilespmem:s28+$0xFFFFFFE0]  }
0x298: {  	v6 =	vld [tilespmem:s28+$0xFFFFFFF0]  }
0x299: {  	v7 =	vld [tilespmem:s28+$0x0]  }
0x29a: {  	v8 =	vld [tilespmem:s28+$0x10];
	(xrf0) =	vadd.scan.msk.s32 $0xffff, v3  }
0x29b: {  	v9 =	vld [tilespmem:s28+$0x20];
	(xrf0) =	vadd.scan.msk.s32 $0xffff, v4  }
0x29c: {  	s24 =	simm.s32 $0x1C0C0;
	v10 =	vld [tilespmem:s28+$0x30];
	(xrf0) =	vadd.scan.msk.s32 $0xffff, v5  }
0x29d: {  	v11 =	vld [tilespmem:s24+$0xFFFFFFC0];
	(xrf0) =	vadd.scan.msk.s32 $0xffff, v6  }
0x29e: {  	v12 =	vld [tilespmem:s24+$0xFFFFFFD0];
	(xrf0) =	vadd.scan.msk.s32 $0xffff, v7  }
0x29f: {  	v13 =	vld [tilespmem:s24+$0xFFFFFFE0];
	(xrf0) =	vadd.scan.msk.s32 $0xffff, v8  }
0x2a0: {  	v15 =	vld [tilespmem:s24+$0xFFFFFFF0];
	v14, _, _ =	vpop (xrf0);
	(xrf0) =	vadd.scan.msk.s32 $0xffff, v9  }
0x2a1: {  	v59 =	vld [tilespmem:s24+$0x0];
	v3 =	vsub.s32 v14, v3;
	(v2sf) =	vpush v14, $0xF;
	v14, _, _ =	vpop (xrf0);
	(xrf0) =	vadd.scan.msk.s32 $0xffff, v10  }
0x2a2: {  	[tilespmem:s28+$0xFFFFFFC0] =	vst v3;
	v3 =	vsub.s32 v14, v4;
	(v2sf) =	vpush v14, $0xF;
	v4, _, _ =	vpop (xrf0);
	v14 =	vld [tilespmem:s24+$0x10];
	(xrf0) =	vadd.scan.msk.s32 $0xffff, v11  }
0x2a3: {  	[tilespmem:s28+$0xFFFFFFD0] =	vst v3;
	v3 =	vsub.s32 v4, v5;
	(v2sf) =	vpush v4, $0xF;
	v4, _, _ =	vpop (xrf0);
	(xrf0) =	vadd.scan.msk.s32 $0xffff, v12  }
0x2a4: {  	[tilespmem:s28+$0xFFFFFFE0] =	vst v3;
	v3 =	vsub.s32 v4, v6;
	(v2sf) =	vpush v4, $0xF;
	v4, _, _ =	vpop (xrf0);
	(xrf0) =	vadd.scan.msk.s32 $0xffff, v13  }
0x2a5: {  	v5 =	vld [tilespmem:s24+$0x20];
	[tilespmem:s28+$0xFFFFFFF0] =	vst v3;
	v3 =	vsub.s32 v4, v7;
	(v2sf) =	vpush v4, $0xF;
	v4, _, _ =	vpop (xrf0);
	(xrf0) =	vadd.scan.msk.s32 $0xffff, v15  }
0x2a6: {  	v17 =	vld [tilespmem:s24+$0x30];
	[tilespmem:s28+$0x0] =	vst v3;
	v3 =	vsub.s32 v4, v8;
	(v2sf) =	vpush v4, $0xF;
	v4, _, _ =	vpop (xrf0);
	(xrf0) =	vadd.scan.msk.s32 $0xffff, v59  }
0x2a7: {  	s22 =	simm.s32 $0x1C140;
	[tilespmem:s28+$0x10] =	vst v3;
	v3 =	vsub.s32 v4, v9;
	(v2sf) =	vpush v4, $0xF;
	v4, _, _ =	vpop (xrf0);
	(xrf0) =	vadd.scan.msk.s32 $0xffff, v14  }
0x2a8: {  	v60 =	vld [tilespmem:s22+$0xFFFFFFC0];
	[tilespmem:s28+$0x20] =	vst v3;
	v3 =	vsub.s32 v4, v10;
	(v2sf) =	vpush v4, $0xF;
	v4, _, _ =	vpop (xrf0)  }
0x2a9: {  	v61 =	vld [tilespmem:s22+$0xFFFFFFD0];
	[tilespmem:s28+$0x30] =	vst v3;
	v3 =	vsub.s32 v4, v11;
	(v2sf) =	vpush v4, $0xF;
	v4, _, _ =	vpop (xrf0)  }
0x2aa: {  	v20 =	vld [tilespmem:s22+$0xFFFFFFE0];
	(xrf0) =	vadd.scan.msk.s32 $0xffff, v5;
	[tilespmem:s24+$0xFFFFFFC0] =	vst v3;
	v3 =	vsub.s32 v4, v12;
	(v2sf) =	vpush v4, $0xF;
	v4, _, _ =	vpop (xrf0)  }
0x2ab: {  	v21 =	vld [tilespmem:s22+$0xFFFFFFF0];
	(xrf0) =	vadd.scan.msk.s32 $0xffff, v17;
	[tilespmem:s24+$0xFFFFFFD0] =	vst v3;
	v3 =	vsub.s32 v4, v13;
	(v2sf) =	vpush v4, $0xF;
	v4, _, _ =	vpop (xrf0)  }
0x2ac: {  	v62 =	vld [tilespmem:s22+$0x0];
	[tilespmem:s24+$0xFFFFFFE0] =	vst v3;
	v3 =	vsub.s32 v4, v15;
	(v2sf) =	vpush v4, $0xF;
	v4, _, _ =	vpop (xrf0)  }
0x2ad: {  	v63 =	vld [tilespmem:s22+$0x10];
	(xrf0) =	vadd.scan.msk.s32 $0xffff, v60;
	[tilespmem:s24+$0xFFFFFFF0] =	vst v3;
	v3 =	vsub.s32 v4, v59;
	(v2sf) =	vpush v4, $0xF;
	v4, _, _ =	vpop (xrf0)  }
0x2ae: {  	(xrf0) =	vadd.scan.msk.s32 $0xffff, v61;
	v8 =	vsub.s32 v4, v14  }
0x2af: {  	v7 =	vld [tilespmem:s22+$0x20];
	(xrf0) =	vadd.scan.msk.s32 $0xffff, v20  }
0x2b0: {  	s23 =	simm.s32 $0x1C1C0;
	v6 =	vld [tilespmem:s22+$0x30];
	(xrf0) =	vadd.scan.msk.s32 $0xffff, v21;
	[tilespmem:s24+$0x0] =	vst v3;
	(v2sf) =	vpush v4, $0xF;
	v4, _, _ =	vpop (xrf0)  }
0x2b1: {  	v3 =	vld [tilespmem:s23+$0xFFFFFFC0];
	(xrf0) =	vadd.scan.msk.s32 $0xffff, v62;
	[tilespmem:s24+$0x10] =	vst v8;
	v5 =	vsub.s32 v4, v5;
	(v2sf) =	vpush v4, $0xF;
	s0 =	spop (v2sf);
	v8, _, _ =	vpop (xrf0)  }
0x2b2: {  	v4 =	vld [tilespmem:s23+$0xFFFFFFD0];
	(xrf0) =	vadd.scan.msk.s32 $0xffff, v63;
	[tilespmem:s24+$0x20] =	vst v5;
	(v2sf) =	vpush v8, $0xF;
	[smem:$0x0] =	sst s0  }
0x2b3: {  	v8 =	vsub.s32 v8, v17;
	s0 =	spop (v2sf)  }
0x2b4: {  	v5 =	vld [tilespmem:s23+$0xFFFFFFE0];
	v9, _, _ =	vpop (xrf0);
	(xrf0) =	vadd.scan.msk.s32 $0xffff, v7;
	[tilespmem:s24+$0x30] =	vst v8;
	[smem:$0x1] =	sst s0  }
0x2b5: {  	v11 =	vsub.s32 v9, v60;
	s0 =	spop (v2sf)  }
0x2b6: {  	v8 =	vld [tilespmem:s23+$0xFFFFFFF0];
	(v2sf) =	vpush v9, $0xF;
	v10, _, _ =	vpop (xrf0);
	(xrf0) =	vadd.scan.msk.s32 $0xffff, v6;
	[smem:$0x2] =	sst s0  }
0x2b7: {  	s0 =	spop (v2sf)  }
0x2b8: {  	[tilespmem:s22+$0xFFFFFFC0] =	vst v11;
	v9 =	vld [tilespmem:s23+$0x0];
	(v2sf) =	vpush v10, $0xF;
	v11, _, _ =	vpop (xrf0);
	[smem:$0x3] =	sst s0  }
0x2b9: {  	v12 =	vsub.s32 v10, v61;
	s0 =	spop (v2sf)  }
0x2ba: {  	[tilespmem:s22+$0xFFFFFFD0] =	vst v12;
	v12 =	vsub.s32 v11, v20;
	v10 =	vld [tilespmem:s23+$0x10];
	(xrf0) =	vadd.scan.msk.s32 $0xffff, v3;
	(v2sf) =	vpush v11, $0xF;
	v13, _, _ =	vpop (xrf0);
	[smem:s21] =	sst s0;
	s31 =	spop (v2sf)  }
0x2bb: {  	v11 =	vld [tilespmem:s23+$0x20];
	[tilespmem:s22+$0xFFFFFFE0] =	vst v12;
	(xrf0) =	vadd.scan.msk.s32 $0xffff, v4;
	(v2sf) =	vpush v13, $0xF;
	v14, _, _ =	vpop (xrf0);
	[smem:$0x5] =	sst s31  }
0x2bc: {  	v13 =	vsub.s32 v13, v21;
	s0 =	spop (v2sf)  }
0x2bd: {  	[tilespmem:s22+$0xFFFFFFF0] =	vst v13;
	v12 =	vld [tilespmem:s23+$0x30];
	(xrf0) =	vadd.scan.msk.s32 $0xffff, v5;
	(v2sf) =	vpush v14, $0xF;
	v15, _, _ =	vpop (xrf0);
	[smem:$0x6] =	sst s0  }
0x2be: {  	(v2sf) =	vpush v15, $0xF  }
0x2bf: {  	v13 =	vsub.s32 v14, v62;
	_ =	sdelay $0x1  }
0x2c0: {  	s0 =	spop (v2sf)  }
0x2c1: {  	s25 =	simm.s32 $0x1C240;
	s24 =	simm.s32 $0x18;
	[tilespmem:s22+$0x0] =	vst v13;
	v14 =	vsub.s32 v15, v63;
	(xrf0) =	vadd.scan.msk.s32 $0xffff, v8;
	v13, _, _ =	vpop (xrf0);
	[smem:$0x7] =	sst s0  }
.LBB2_35:
0x2c2: {  	(xrf0) =	vadd.scan.msk.s32 $0xffff, v9;
	v19 =	vsub.s32 v13, v7;
	(v2sf) =	vpush v13, $0xF;
	v13, _, _ =	vpop (xrf0)  }
0x2c3: {  	[tilespmem:s22+$0x10] =	vst v14;
	s0 =	spop (v2sf);
	s21 =	sadd.s32 $0x8, s21;
	v14 =	vmovc v3;
	v3 =	vld [tilespmem:s25+$0xFFFFFFC0];
	v15 =	vmovc v4;
	v16 =	vmov v5;
	v17 =	vmov v8;
	v18 =	vmov v9  }
0x2c4: {  	s24 =	sadd.s32 $0x8, s24;
	v4 =	vld [tilespmem:s25+$0xFFFFFFD0];
	(xrf0) =	vadd.scan.msk.s32 $0xffff, v10;
	[tilespmem:s22+$0x20] =	vst v19;
	v19 =	vsub.s32 v13, v6;
	(v2sf) =	vpush v13, $0xF;
	[smem:s21+$0xFFFFFFFC] =	sst s0;
	s0 =	spop (v2sf);
	v13 =	vmovc v10  }
0x2c5: {  	v5 =	vld [tilespmem:s25+$0xFFFFFFE0];
	v9, _, _ =	vpop (xrf0);
	(xrf0) =	vadd.scan.msk.s32 $0xffff, v11;
	[tilespmem:s22+$0x30] =	vst v19;
	[smem:s21+$0xFFFFFFFD] =	sst s0;
	s0 =	spop (v2sf);
	v7 =	vmov v11;
	s22 =	smov.u32 s23  }
0x2c6: {  	s23 =	smov.u32 s25;
	v8 =	vld [tilespmem:s25+$0xFFFFFFF0];
	v10 =	vsub.s32 v9, v14;
	(v2sf) =	vpush v9, $0xF;
	v11, _, _ =	vpop (xrf0);
	(xrf0) =	vadd.scan.msk.s32 $0xffff, v12;
	[smem:s21+$0xFFFFFFFE] =	sst s0;
	s0 =	spop (v2sf);
	v6 =	vmov v12  }
0x2c7: {  	p0 =	slt.u32 s24, $0xF8;
	[smem:s21+$0xFFFFFFFF] =	sst s0  }
.Ltmp24:
0x2c8: {  	v9 =	vld [tilespmem:s25+$0x0];
	[tilespmem:s22+$0xFFFFFFC0] =	vst v10;
	v12 =	vsub.s32 v11, v15;
	(v2sf) =	vpush v11, $0xF;
	v11, _, _ =	vpop (xrf0);
	s0 =	spop (v2sf);
	(pc) =	sbr.rel @p0 .LBB2_35-.Ltmp24, $4  }
0x2c9: {  	v10 =	vld [tilespmem:s25+$0x10];
	(xrf0) =	vadd.scan.msk.s32 $0xffff, v3;
	[tilespmem:s22+$0xFFFFFFD0] =	vst v12;
	v12 =	vsub.s32 v11, v16;
	(v2sf) =	vpush v11, $0xF;
	v14, _, _ =	vpop (xrf0);
	[smem:s21] =	sst s0;
	s0 =	spop (v2sf)  }
0x2ca: {  	v11 =	vld [tilespmem:s25+$0x20];
	(xrf0) =	vadd.scan.msk.s32 $0xffff, v4;
	[tilespmem:s22+$0xFFFFFFE0] =	vst v12;
	v15 =	vsub.s32 v14, v17;
	(v2sf) =	vpush v14, $0xF;
	v14, _, _ =	vpop (xrf0);
	[smem:s21+$0x1] =	sst s0;
	s0 =	spop (v2sf)  }
0x2cb: {  	v12 =	vld [tilespmem:s25+$0x30];
	(xrf0) =	vadd.scan.msk.s32 $0xffff, v5;
	[tilespmem:s22+$0xFFFFFFF0] =	vst v15;
	v15 =	vsub.s32 v14, v18;
	(v2sf) =	vpush v14, $0xF;
	v16, _, _ =	vpop (xrf0);
	[smem:s21+$0x2] =	sst s0;
	s0 =	spop (v2sf)  }
0x2cc: {  	s25 =	sadd.s32 $0x80, s25;
	(xrf0) =	vadd.scan.msk.s32 $0xffff, v8;
	[tilespmem:s22+$0x0] =	vst v15;
	v14 =	vsub.s32 v16, v13;
	(v2sf) =	vpush v16, $0xF;
	v13, _, _ =	vpop (xrf0);
	[smem:s21+$0x3] =	sst s0  }
0x2cd: {  	_ = 	snop  }
0x2ce: {  	(xrf0) =	vadd.scan.msk.s32 $0xffff, v9;
	(v2sf) =	vpush v13, $0xF;
	v15, _, _ =	vpop (xrf0)  }
0x2cf: {  	s0 =	spop (v2sf);
	s21 =	sadd.s32 $0x8, s21;
	(xrf0) =	vadd.scan.msk.s32 $0xffff, v10;
	(v2sf) =	vpush v15, $0xF;
	v16, _, _ =	vpop (xrf0)  }
0x2d0: {  	[smem:s21+$0xFFFFFFFC] =	sst s0;
	s24 =	spop (v2sf);
	(xrf0) =	vadd.scan.msk.s32 $0xffff, v11;
	(v2sf) =	vpush v16, $0xF;
	v17, _, _ =	vpop (xrf0)  }
0x2d1: {  	[smem:s21+$0xFFFFFFFD] =	sst s24;
	s25 =	spop (v2sf);
	(xrf0) =	vadd.scan.msk.s32 $0xffff, v12;
	(v2sf) =	vpush v17, $0xF;
	v18, _, _ =	vpop (xrf0)  }
0x2d2: {  	[smem:s21+$0xFFFFFFFE] =	sst s25;
	s26 =	spop (v2sf);
	(v2sf) =	vpush v18, $0xF;
	v19, _, _ =	vpop (xrf0)  }
0x2d3: {  	[smem:s21+$0xFFFFFFFF] =	sst s26;
	s28 =	spop (v2sf);
	(v2sf) =	vpush v19, $0xF  }
0x2d4: {  	[smem:s21] =	sst s28;
	s29 =	spop (v2sf);
	v20, _, _ =	vpop (xrf0)  }
0x2d5: {  	[tilespmem:s22+$0x10] =	vst v14;
	v7 =	vsub.s32 v13, v7;
	[smem:s21+$0x1] =	sst s29;
	s30 =	spop (v2sf);
	(v2sf) =	vpush v20, $0xF;
	v21, _, _ =	vpop (xrf0)  }
0x2d6: {  	[tilespmem:s22+$0x20] =	vst v7;
	v6 =	vsub.s32 v15, v6;
	[smem:s21+$0x2] =	sst s30;
	s31 =	spop (v2sf);
	(v2sf) =	vpush v21, $0xF;
	v62, _, _ =	vpop (xrf0)  }
0x2d7: {  	[tilespmem:s22+$0x30] =	vst v6;
	v3 =	vsub.s32 v16, v3;
	[smem:s21+$0x3] =	sst s31;
	s22 =	spop (v2sf);
	s21 =	sadd.s32 $0x8, s21;
	(v2sf) =	vpush v62, $0xF;
	v63, _, _ =	vpop (xrf0)  }
0x2d8: {  	[tilespmem:s23+$0xFFFFFFC0] =	vst v3;
	v3 =	vsub.s32 v17, v4;
	[smem:s21+$0xFFFFFFFC] =	sst s22;
	(v2sf) =	vpush v63, $0xF;
	s24 =	spop (v2sf)  }
0x2d9: {  	[tilespmem:s23+$0xFFFFFFD0] =	vst v3;
	v3 =	vsub.s32 v18, v5;
	[smem:s21+$0xFFFFFFFD] =	sst s24;
	s25 =	spop (v2sf)  }
0x2da: {  	[tilespmem:s23+$0xFFFFFFE0] =	vst v3;
	v3 =	vsub.s32 v19, v8;
	[smem:s21+$0xFFFFFFFE] =	sst s25;
	s26 =	spop (v2sf)  }
0x2db: {  	[tilespmem:s23+$0xFFFFFFF0] =	vst v3;
	v3 =	vsub.s32 v20, v9;
	[smem:s21+$0xFFFFFFFF] =	sst s26;
	s28 =	spop (v2sf)  }
0x2dc: {  	[tilespmem:s23+$0x0] =	vst v3;
	v3 =	vsub.s32 v21, v10;
	[smem:s21] =	sst s28;
	s29 =	spop (v2sf)  }
0x2dd: {  	[tilespmem:s23+$0x10] =	vst v3;
	v3 =	vsub.s32 v62, v11;
	[smem:s21+$0x1] =	sst s29;
	s30 =	spop (v2sf)  }
0x2de: {  	[tilespmem:s23+$0x20] =	vst v3;
	v3 =	vsub.s32 v63, v12;
	[smem:s21+$0x2] =	sst s30;
	s31 =	spop (v2sf)  }
0x2df: {  	[tilespmem:s23+$0x30] =	vst v3;
	s23 =	sadd.s32 $0x8, s21;
	[smem:s21+$0x3] =	sst s31;
	s22 =	spop (v2sf)  }
0x2e0: {  	[smem:s23+$0xFFFFFFFC] =	sst s22;
	s24 =	spop (v2sf)  }
0x2e1: {  	[smem:s23+$0xFFFFFFFD] =	sst s24;
	s25 =	spop (v2sf)  }
0x2e2: {  	[smem:s23+$0xFFFFFFFE] =	sst s25;
	s26 =	spop (v2sf)  }
0x2e3: {  	p1 =	por $0x1, $0x1;
	[smem:s23+$0xFFFFFFFF] =	sst s26  }
.Ltmp25:
0x2e4: {  	s28 =	spop (v2sf);
	(pc) =	sbr.rel @!p1 .LBB2_37-.Ltmp25, $4  }
0x2e5: {  	[smem:s23] =	sst s28;
	s29 =	spop (v2sf)  }
0x2e6: {  	[smem:s23+$0x1] =	sst s29;
	s30 =	spop (v2sf)  }
0x2e7: {  	p0 =	por $0x0, $0x0;
	[smem:s23+$0x2] =	sst s30;
	s31 =	spop (v2sf)  }
0x2e8: {  	s21 =	simm.s32 $0x2;
	s22 =	simm.s32 $0x0;
	[smem:s23+$0x3] =	sst s31  }
0x2e9: {  	s0 =	sld [smem:$0x0]  }
0x2ea: {  	[smem:$0x0] =	sst s22  }
0x2eb: {  	s23 =	sld [smem:$0x1]  }
0x2ec: {  	s0 =	sadd.s32 $0x0, s0  }
0x2ed: {  	p1 =	por $0x1, $0x1;
	[smem:$0x1] =	sst s0  }
.Ltmp26:
0x2ee: {  	s0 =	sadd.s32 s0, s23;
	s25 =	sld [smem:$0x2];
	(pc) =	sbr.rel @!p1 .LBB2_40-.Ltmp26, $4  }
0x2ef: {  	[smem:s21] =	sst s0  }
0x2f0: {  	s24 =	sld [smem:$0x3]  }
0x2f1: {  	p0 =	por $0x1, $0x1;
	s25 =	sadd.s32 s0, s25  }
0x2f2: {  	s23 =	simm.s32 $0x4;
	s21 =	simm.s32 $0x6;
	[smem:$0x3] =	sst s25  }
.LBB2_39:
0x2f3: {  	s23 =	sadd.s32 $0x4, s23;
	s0 =	sld [smem:s21+$0xFFFFFFFE];
	s24 =	sadd.s32 s25, s24  }
0x2f4: {  	p1 =	slt.u32 s23, $0xFC;
	[smem:s21+$0xFFFFFFFE] =	sst s24  }
0x2f5: {  	s25 =	sld [smem:s21+$0xFFFFFFFF]  }
0x2f6: {  	s0 =	sadd.s32 s24, s0  }
0x2f7: {  	[smem:s21+$0xFFFFFFFF] =	sst s0  }
.Ltmp27:
0x2f8: {  	s0 =	sadd.s32 s0, s25;
	s25 =	sld [smem:s21+$0x0];
	(pc) =	sbr.rel @p1 .LBB2_39-.Ltmp27, $4  }
0x2f9: {  	[smem:s21] =	sst s0  }
0x2fa: {  	s24 =	sld [smem:s21+$0x1]  }
0x2fb: {  	s25 =	sadd.s32 s0, s25  }
0x2fc: {  	[smem:s21+$0x1] =	sst s25;
	s21 =	sadd.s32 $0x4, s21  }
.LBB2_40:
0x2fd: {  	s0 =	sld [smem:s21+$0xFFFFFFFE];
	s23 =	sadd.s32 @p0 s25, s24  }
0x2fe: {  	s22 =	smov.u32 @p0 s23  }
0x2ff: {  	[smem:s21+$0xFFFFFFFE] =	sst s22  }
0x300: {  	s26 =	sld [smem:s21+$0xFFFFFFFF];
	s0 =	sadd.s32 s22, s0  }
0x301: {  	[smem:s21+$0xFFFFFFFF] =	sst s0  }
0x302: {  	s31 =	sld [smem:s21+$0x0];
	_ =	sdelay $0x1  }
0x303: {  	s22 =	simm.s32 $0x1C040;
	s0 =	sadd.s32 s0, s26  }
0x304: {  	v4 =	vld [tilespmem:s22+$0x30];
	[smem:s21] =	sst s0;
	s0 =	sadd.s32 s0, s31  }
0x305: {  	v9 =	vld [tilespmem:s22+$0xFFFFFFD0];
	[smem:s21+$0x1] =	sst s0  }
0x306: {  	p0 =	por $0x1, $0x1;
	v6 =	vld [tilespmem:s22+$0xFFFFFFE0];
	s0 =	sld [smem:$0x7]  }
.Ltmp28:
0x307: {  	s23 =	sld [smem:$0x0];
	v7 =	vld [tilespmem:s22+$0xFFFFFFF0];
	(pc) =	sbr.rel @!p0 .LBB2_42-.Ltmp28, $4  }
0x308: {  	s26 =	sld [smem:$0x1];
	v3 =	vld [tilespmem:s22+$0x0]  }
0x309: {  	s29 =	sld [smem:$0x2];
	v5 =	vld [tilespmem:s22+$0x10];
	v8 =	vadd.s32 s0, v4  }
0x30a: {  	s24 =	simm.s32 $0x4;
	s25 =	simm.s32 $0x0;
	s28 =	sld [smem:$0x3];
	v4 =	vld [tilespmem:s22+$0x20];
	[tilespmem:s22+$0x30] =	vst v8  }
0x30b: {  	s21 =	simm.s32 $0x1D040;
	v8 =	vld [tilespmem:s22+$0xFFFFFFC0];
	v9 =	vadd.s32 s26, v9;
	s30 =	sld [smem:$0x4];
	s26 =	simm.s32 $0x1C0C0  }
.LBB2_41:
0x30c: {  	v10 =	vld [tilespmem:s26+$0x30];
	s25 =	sadd.s32 $0x8, s25;
	[tilespmem:s22+$0xFFFFFFD0] =	vst v9;
	v6 =	vadd.s32 s29, v6;
	s0 =	sld [smem:s24+$0x1]  }
0x30d: {  	v9 =	vld [tilespmem:s26+$0xFFFFFFD0];
	p0 =	slt.u32 s25, $0xF8;
	[tilespmem:s22+$0xFFFFFFE0] =	vst v6;
	v7 =	vadd.s32 s28, v7;
	s28 =	sld [smem:s24+$0x2];
	s24 =	sadd.s32 $0x8, s24  }
0x30e: {  	v6 =	vld [tilespmem:s26+$0xFFFFFFE0];
	s31 =	sld [smem:s24+$0x3];
	[tilespmem:s22+$0xFFFFFFF0] =	vst v7;
	v3 =	vadd.s32 s30, v3  }
.Ltmp29:
0x30f: {  	s30 =	sld [smem:s24+$0xFFFFFFFC];
	v7 =	vld [tilespmem:s26+$0xFFFFFFF0];
	[tilespmem:s22+$0x0] =	vst v3;
	v5 =	vadd.s32 s0, v5;
	(pc) =	sbr.rel @p0 .LBB2_41-.Ltmp29, $4  }
0x310: {  	s0 =	sld [smem:s24+$0xFFFFFFFD];
	v3 =	vld [tilespmem:s26+$0x0];
	v8 =	vadd.s32 s23, v8;
	[tilespmem:s22+$0x10] =	vst v5;
	v11 =	vadd.s32 s28, v4  }
0x311: {  	s29 =	sld [smem:s24+$0xFFFFFFFE];
	v5 =	vld [tilespmem:s26+$0x10];
	v10 =	vadd.s32 s31, v10;
	[tilespmem:s22+$0xFFFFFFC0] =	vst v8  }
0x312: {  	s28 =	sld [smem:s24+$0xFFFFFFFF];
	v4 =	vld [tilespmem:s26+$0x20];
	[tilespmem:s26+$0x30] =	vst v10;
	s23 =	smov.u32 s30  }
0x313: {  	v8 =	vld [tilespmem:s26+$0xFFFFFFC0];
	v9 =	vadd.s32 s0, v9;
	s30 =	sld [smem:s24+$0x0];
	[tilespmem:s22+$0x20] =	vst v11;
	s22 =	smov.u32 s26;
	s26 =	sadd.s32 $0x80, s26  }
.LBB2_42:
0x314: {  	[tilespmem:s22+$0xFFFFFFD0] =	vst v9  }
0x315: {  	v6 =	vadd.s32 s29, v6;
	s0 =	sld [smem:s24+$0x1]  }
0x316: {  	[tilespmem:s22+$0xFFFFFFE0] =	vst v6;
	v62 =	vadd.s32 s28, v7  }
0x317: {  	s31 =	sld [smem:s24+$0x2];
	[tilespmem:s22+$0xFFFFFFF0] =	vst v62;
	v3 =	vadd.s32 s30, v3  }
0x318: {  	[tilespmem:s22+$0x0] =	vst v3;
	v3 =	vadd.s32 s0, v5  }
0x319: {  	v63 =	vadd.s32 s23, v8;
	[tilespmem:s22+$0x10] =	vst v3  }
0x31a: {  	v3 =	vadd.s32 s31, v4;
	[tilespmem:s22+$0xFFFFFFC0] =	vst v63  }
0x31b: {  	[tilespmem:s22+$0x20] =	vst v3  }
0x31c: {  	[tilespmem:s21+$0xFFFFFFC0] =	vst v0  }
0x31d: {  	p0 =	por $0x1, $0x1;
	[tilespmem:s21+$0x30] =	vst v0  }
.Ltmp30:
0x31e: {  	[tilespmem:s21+$0x20] =	vst v0;
	(pc) =	sbr.rel @!p0 .LBB2_44-.Ltmp30, $4  }
0x31f: {  	[tilespmem:s21+$0x10] =	vst v0  }
0x320: {  	[tilespmem:s21+$0x0] =	vst v0  }
0x321: {  	[tilespmem:s21+$0xFFFFFFF0] =	vst v0  }
0x322: {  	s22 =	simm.s32 $0x0;
	[tilespmem:s21+$0xFFFFFFE0] =	vst v0  }
.LBB2_43:
0x323: {  	s22 =	sadd.s32 $0x8, s22;
	[tilespmem:s21+$0xFFFFFFD0] =	vst v0;
	s21 =	sadd.s32 $0x80, s21  }
0x324: {  	[tilespmem:s21+$0xFFFFFFC0] =	vst v0;
	p0 =	slt.u32 s22, $0xF8  }
0x325: {  	[tilespmem:s21+$0x30] =	vst v0  }
.Ltmp31:
0x326: {  	[tilespmem:s21+$0x20] =	vst v0;
	(pc) =	sbr.rel @p0 .LBB2_43-.Ltmp31, $4  }
0x327: {  	[tilespmem:s21+$0x10] =	vst v0  }
0x328: {  	[tilespmem:s21+$0x0] =	vst v0  }
0x329: {  	[tilespmem:s21+$0xFFFFFFF0] =	vst v0  }
0x32a: {  	[tilespmem:s21+$0xFFFFFFE0] =	vst v0  }
.LBB2_44:
0x32b: {  	[tilespmem:s21+$0xFFFFFFD0] =	vst v0;
	s21 =	simm.s32 $0x0  }
.LBB2_45:
0x32c: {  	s0 =	sshra.s32 s21, $0x2  }
0x32d: {  	v3 =	vld [tilespmem:s0+$0x14010]  }
0x32e: {  	v4 =	vld [tilespmem:s0+$0x14000]  }
0x32f: {  	v5 =	vld [tilespmem:s0+$0x14020]  }
0x330: {  	v6 =	vld [tilespmem:s0+$0x14030];
	_ =	sdelay $0x4  }
0x331: {  	v7 =	vld.idx.msk [tilespmem:v3+s10+$0x0], $0xffff  }
0x332: {  	v8 =	vld.idx.msk [tilespmem:v4+s10+$0x0], $0xffff  }
0x333: {  	vm0 =	veq.s32 v3, v4;
	vm12 =	veq.s32 v5, v4;
	vm13 =	veq.s32 v5, v3;
	v9 =	vld.idx.msk [tilespmem:v5+s10+$0x0], $0xffff  }
0x334: {  	vm1 =	veq.s32 v6, v4;
	vm14 =	veq.s32 v6, v3;
	vm15 =	veq.s32 v6, v5;
	v11 =	vld.idx.msk [tilespmem:v6+s10+$0x0], $0xffff  }
0x335: {  	v10 =	vsel vm0, $0x1, v0;
	v12 =	vsel vm12, $0x1, v0;
	v13 =	vsel vm13, $0x1, v0  }
0x336: {  	v14 =	vsel vm1, $0x1, v0;
	v59 =	vsel vm14, $0x1, v0;
	v60 =	vsel vm15, $0x1, v0  }
0x337: {  	v12 =	vadd.s32 v12, v13;
	v7 =	vadd.s32 v10, v7;
	v10 =	vadd.s32 v14, v59;
	[tilespmem:s0+$0x14000] =	vst v8  }
0x338: {  	v61 =	vadd.s32 v9, v12;
	v62 =	vadd.s32 v60, v10;
	[tilespmem:s0+$0x14010] =	vst v7  }
0x339: {  	p0 =	sne.s32 s21, $0xFF00;
	[tilespmem:s0+$0x14020] =	vst v61;
	v63 =	vadd.s32 v11, v62  }
.Ltmp32:
0x33a: {  	[tilespmem:s0+$0x14030] =	vst v63;
	(pc) =	sbr.rel @p0 .LBB2_45-.Ltmp32, $4  }
0x33b: {  	[tilespmem:v4+s10+$0x0] =	vst.idx.add.s32.msk $0xffff, v2  }
0x33c: {  	[tilespmem:v3+s10+$0x0] =	vst.idx.add.s32.msk $0xffff, v2  }
0x33d: {  	[tilespmem:v5+s10+$0x0] =	vst.idx.add.s32.msk $0xffff, v2  }
0x33e: {  	s21 =	sadd.s32 $0x100, s21;
	[tilespmem:v6+s10+$0x0] =	vst.idx.add.s32.msk $0xffff, v2  }
0x33f: {  	s22 =	simm.s32 $0x14040  }
0x340: {  	v4 =	vld [tilespmem:s22+$0xFFFFFFD0]  }
0x341: {  	v8 =	vld [tilespmem:s22+$0x10]  }
0x342: {  	v16 =	vld [tilespmem:s22+$0x0]  }
0x343: {  	v5 =	vld [tilespmem:s22+$0xFFFFFFE0]  }
0x344: {  	v6 =	vld [tilespmem:s22+$0x20]  }
0x345: {  	v7 =	vld [tilespmem:s22+$0xFFFFFFC0]  }
0x346: {  	v13 =	vld [tilespmem:s22+$0x30]  }
0x347: {  	s0 =	simm.s32 $0x8040  }
0x348: {  	v25 =	vld [tilespmem:s0+$0x20]  }
0x349: {  	v3 =	vshll.u32 v8, $0x4;
	v9 =	vshll.u32 v16, $0x4;
	v10 =	vshrl.u32 v6, $0xA  }
0x34a: {  	v6 =	vshll.u32 v6, $0x4;
	v15 =	vshll.u32 v7, $0x4;
	v14 =	vshrl.u32 v5, $0xA  }
0x34b: {  	v24 =	vshrl.u32 v13, $0xA;
	v17 =	vand.u32 $0x3FF0, v3;
	v3 =	vshrl.u32 v4, $0xA  }
0x34c: {  	v11 =	vld [tilespmem:s0+$0x10];
	v23 =	vand.u32 $0x3FF0, v9;
	v9 =	vshll.u32 v5, $0x4;
	v4 =	vshll.u32 v4, $0x4  }
0x34d: {  	v28 =	vld [tilespmem:s0+$0xFFFFFFE0];
	v6 =	vand.u32 $0x3FF0, v6;
	v5 =	vshll.u32 v13, $0x4;
	v13 =	vshrl.u32 v25, $0x14  }
0x34e: {  	v22 =	vld [tilespmem:s22+$0xFFFFFFF0];
	v12 =	vand.u32 $0x3FF0, v9;
	v9 =	vshrl.u32 v7, $0xA;
	v19 =	vor.u32 v10, v6  }
0x34f: {  	v29 =	vld [tilespmem:s0+$0xFFFFFFD0];
	v4 =	vand.u32 $0x3FF0, v4;
	v26 =	vand.u32 $0xFF0, v13;
	v12 =	vor.u32 v14, v12  }
0x350: {  	v32 =	vld [tilespmem:s0+$0x30];
	v13 =	vshrl.u32 v8, $0xA;
	v7 =	vor.u32 v3, v4;
	v4 =	vand.u32 $0x3FF0, v5  }
0x351: {  	v6 =	vld [tilespmem:s0+$0x0];
	v5 =	vand.u32 $0x3FF0, v15;
	v21 =	vor.u32 v24, v4;
	v4 =	vshrl.u32 v11, $0x14  }
0x352: {  	v15 =	vld [tilespmem:s0+$0xFFFFFFC0];
	v20 =	vor.u32 v9, v5;
	v5 =	vand.u32 $0xFF0, v4;
	v4 =	vshrl.u32 v28, $0x14  }
0x353: {  	s23 =	simm.s32 $0x10040;
	v18 =	vld [tilespmem:s0+$0xFFFFFFF0];
	v16 =	vshrl.u32 v16, $0xA;
	v27 =	vand.u32 $0xFF0, v4;
	v4 =	vor.u32 v13, v17;
	[tilespmem:v19+s11+$0x0] =	vst.idx.msk $0xffff, v25  }
0x354: {  	v31 =	vshll.u32 v22, $0x4;
	v17 =	vor.u32 v16, v23;
	[tilespmem:v12+s11+$0x0] =	vst.idx.msk $0xffff, v28;
	v30 =	vld [tilespmem:s23+$0x20]  }
0x355: {  	v22 =	vshrl.u32 v22, $0xA;
	v8 =	vand.u32 $0x3FF0, v31;
	[tilespmem:v7+s11+$0x0] =	vst.idx.msk $0xffff, v29;
	v28 =	vld [tilespmem:s23+$0xFFFFFFE0]  }
0x356: {  	v8 =	vor.u32 v22, v8;
	v33 =	vshrl.u32 v6, $0x14;
	v31 =	vld [tilespmem:s23+$0xFFFFFFD0];
	[tilespmem:v21+s11+$0x0] =	vst.idx.msk $0xffff, v32  }
0x357: {  	s24 =	simm.s32 $0x0;
	s25 =	simm.s32 $0x80C0;
	s26 =	simm.s32 $0x10040;
	v25 =	vshrl.u32 v29, $0x14;
	v23 =	vand.u32 $0xFF0, v33;
	v32 =	vshrl.u32 v32, $0x14;
	[tilespmem:v20+s11+$0x0] =	vst.idx.msk $0xffff, v15;
	v29 =	vld [tilespmem:s23+$0x30]  }
.LBB2_47:
0x358: {  	s24 =	sadd.s32 $0x8, s24;
	v33 =	vld [tilespmem:s23+$0xFFFFFFC0];
	[tilespmem:v4+s11+$0x0] =	vst.idx.msk $0xffff, v11;
	s22 =	sadd.s32 $0x80, s22;
	s26 =	sadd.s32 $0x80, s26  }
0x359: {  	p0 =	slt.u32 s24, $0x3F8;
	[tilespmem:v17+s11+$0x0] =	vst.idx.msk $0xffff, v6;
	v34 =	vld [tilespmem:s23+$0x10]  }
0x35a: {  	v6 =	vand.u32 $0xFF0, v32;
	v35 =	vld [tilespmem:s23+$0x0];
	[tilespmem:v19+s12+$0x0] =	vst.idx.msk $0xffff, v30;
	v30 =	vadd.s32 v10, v26  }
0x35b: {  	v26 =	vadd.s32 v14, v27;
	v10 =	vshrl.u32 v18, $0x14;
	v14 =	vadd.s32 v24, v6;
	v32 =	vld [tilespmem:s22+$0xFFFFFFF0];
	[tilespmem:v7+s12+$0x0] =	vst.idx.msk $0xffff, v31  }
0x35c: {  	v10 =	vand.u32 $0xFF0, v10;
	v6 =	vld [tilespmem:s25+$0x0];
	[tilespmem:v19+s13+$0x0] =	vst.idx.msk $0xffff, v30  }
0x35d: {  	v19 =	vld [tilespmem:s22+$0xFFFFFFD0];
	[tilespmem:v12+s12+$0x0] =	vst.idx.msk $0xffff, v28  }
0x35e: {  	v11 =	vshrl.u32 v15, $0x14;
	v15 =	vand.u32 $0xFF0, v25;
	v28 =	vld [tilespmem:s22+$0x10];
	[tilespmem:v20+s12+$0x0] =	vst.idx.msk $0xffff, v33  }
0x35f: {  	v11 =	vand.u32 $0xFF0, v11;
	v24 =	vadd.s32 v3, v15;
	v31 =	vld [tilespmem:s22+$0x0];
	[tilespmem:v21+s12+$0x0] =	vst.idx.msk $0xffff, v29  }
0x360: {  	v9 =	vadd.s32 v9, v11;
	v25 =	vld [tilespmem:s22+$0xFFFFFFE0];
	[tilespmem:v21+s13+$0x0] =	vst.idx.msk $0xffff, v14  }
0x361: {  	v15 =	vld [tilespmem:s22+$0x20];
	[tilespmem:v20+s13+$0x0] =	vst.idx.msk $0xffff, v9  }
0x362: {  	v20 =	vld [tilespmem:s22+$0xFFFFFFC0];
	[tilespmem:v12+s13+$0x0] =	vst.idx.msk $0xffff, v26  }
0x363: {  	v11 =	vld [tilespmem:s25+$0x10];
	v3 =	vshll.u32 v28, $0x4;
	[tilespmem:v8+s11+$0x0] =	vst.idx.msk $0xffff, v18  }
0x364: {  	v22 =	vadd.s32 v22, v10;
	v12 =	vshll.u32 v31, $0x4;
	v29 =	vand.u32 $0x3FF0, v3;
	v18 =	vld [tilespmem:s22+$0x30];
	[tilespmem:v7+s13+$0x0] =	vst.idx.msk $0xffff, v24  }
0x365: {  	v3 =	vshrl.u32 v19, $0xA;
	v33 =	vand.u32 $0x3FF0, v12;
	[tilespmem:v14+s14+$0x0] =	vst.idx.add.s32.msk $0xffff, v2  }
0x366: {  	v10 =	vshrl.u32 v15, $0xA;
	v12 =	vld [tilespmem:s23+$0xFFFFFFF0];
	[tilespmem:v17+s12+$0x0] =	vst.idx.msk $0xffff, v35;
	s23 =	smov.u32 s26  }
0x367: {  	v13 =	vadd.s32 v13, v5;
	v7 =	vshll.u32 v15, $0x4;
	v35 =	vld [tilespmem:s25+$0x20];
	[tilespmem:v4+s12+$0x0] =	vst.idx.msk $0xffff, v34  }
0x368: {  	v16 =	vadd.s32 v16, v23;
	v14 =	vshll.u32 v25, $0x4;
	v5 =	vshll.u32 v20, $0x4;
	[tilespmem:v9+s14+$0x0] =	vst.idx.add.s32.msk $0xffff, v2  }
0x369: {  	v19 =	vshll.u32 v19, $0x4;
	v21 =	vand.u32 $0x3FF0, v14;
	v23 =	vand.u32 $0x3FF0, v7;
	v15 =	vld [tilespmem:s25+$0xFFFFFFC0];
	[tilespmem:v17+s13+$0x0] =	vst.idx.msk $0xffff, v16  }
0x36a: {  	v14 =	vshrl.u32 v25, $0xA;
	v7 =	vand.u32 $0x3FF0, v19;
	v9 =	vshrl.u32 v20, $0xA;
	[tilespmem:v24+s14+$0x0] =	vst.idx.add.s32.msk $0xffff, v2  }
0x36b: {  	v34 =	vshll.u32 v32, $0x4;
	v7 =	vor.u32 v3, v7;
	v19 =	vor.u32 v10, v23;
	v17 =	vld [tilespmem:s25+$0xFFFFFFE0];
	[tilespmem:v8+s12+$0x0] =	vst.idx.msk $0xffff, v12  }
0x36c: {  	v23 =	vshll.u32 v18, $0x4;
	v12 =	vshrl.u32 v11, $0x14;
	v20 =	vshrl.u32 v35, $0x14;
	[tilespmem:v26+s14+$0x0] =	vst.idx.add.s32.msk $0xffff, v2  }
0x36d: {  	v24 =	vand.u32 $0x3FF0, v5;
	v5 =	vand.u32 $0xFF0, v12;
	v26 =	vand.u32 $0xFF0, v20;
	[tilespmem:v30+s14+$0x0] =	vst.idx.add.s32.msk $0xffff, v2  }
0x36e: {  	v37 =	vshrl.u32 v6, $0x14;
	v12 =	vor.u32 v14, v21;
	v36 =	vld [tilespmem:s25+$0xFFFFFFD0];
	[tilespmem:v4+s13+$0x0] =	vst.idx.msk $0xffff, v13  }
0x36f: {  	v20 =	vor.u32 v9, v24;
	v24 =	vshrl.u32 v18, $0xA;
	v4 =	vand.u32 $0x3FF0, v23;
	v38 =	vld [tilespmem:s25+$0x30];
	[tilespmem:v8+s13+$0x0] =	vst.idx.msk $0xffff, v22  }
0x370: {  	v21 =	vor.u32 v24, v4;
	v8 =	vshrl.u32 v17, $0x14;
	[tilespmem:v16+s14+$0x0] =	vst.idx.add.s32.msk $0xffff, v2  }
0x371: {  	v27 =	vand.u32 $0xFF0, v8;
	[tilespmem:v13+s14+$0x0] =	vst.idx.add.s32.msk $0xffff, v2  }
0x372: {  	v13 =	vshrl.u32 v28, $0xA;
	v18 =	vld [tilespmem:s25+$0xFFFFFFF0];
	[tilespmem:v19+s11+$0x0] =	vst.idx.msk $0xffff, v35  }
.Ltmp33:
0x373: {  	v16 =	vshrl.u32 v31, $0xA;
	v4 =	vor.u32 v13, v29;
	v25 =	vshrl.u32 v36, $0x14;
	[tilespmem:v22+s14+$0x0] =	vst.idx.add.s32.msk $0xffff, v2;
	(pc) =	sbr.rel @p0 .LBB2_47-.Ltmp33, $4  }
0x374: {  	[tilespmem:v12+s11+$0x0] =	vst.idx.msk $0xffff, v17;
	v17 =	vor.u32 v16, v33;
	v30 =	vld [tilespmem:s26+$0x20]  }
0x375: {  	v8 =	vand.u32 $0x3FF0, v34;
	v22 =	vshrl.u32 v32, $0xA;
	[tilespmem:v7+s11+$0x0] =	vst.idx.msk $0xffff, v36;
	v28 =	vld [tilespmem:s26+$0xFFFFFFE0]  }
0x376: {  	v23 =	vand.u32 $0xFF0, v37;
	v8 =	vor.u32 v22, v8;
	v32 =	vshrl.u32 v38, $0x14;
	v31 =	vld [tilespmem:s26+$0xFFFFFFD0];
	[tilespmem:v21+s11+$0x0] =	vst.idx.msk $0xffff, v38  }
0x377: {  	s28 =	simm.s32 $0x1D040;
	s21 =	simm.s32 $0x4;
	s25 =	sadd.s32 $0x80, s25;
	[tilespmem:v20+s11+$0x0] =	vst.idx.msk $0xffff, v15;
	v29 =	vld [tilespmem:s26+$0x30]  }
0x378: {  	_ =	sdelay $0x3  }
0x379: {  	[tilespmem:v4+s11+$0x0] =	vst.idx.msk $0xffff, v11  }
0x37a: {  	[tilespmem:v17+s11+$0x0] =	vst.idx.msk $0xffff, v6  }
0x37b: {  	[tilespmem:v8+s11+$0x0] =	vst.idx.msk $0xffff, v18  }
0x37c: {  	v6 =	vadd.s32 v10, v26;
	[tilespmem:v19+s12+$0x0] =	vst.idx.msk $0xffff, v30  }
0x37d: {  	[tilespmem:v19+s13+$0x0] =	vst.idx.msk $0xffff, v6  }
0x37e: {  	v11 =	vld [tilespmem:s23+$0xFFFFFFC0];
	[tilespmem:v12+s12+$0x0] =	vst.idx.msk $0xffff, v28  }
0x37f: {  	v14 =	vadd.s32 v14, v27;
	[tilespmem:v7+s12+$0x0] =	vst.idx.msk $0xffff, v31  }
0x380: {  	v58 =	vand.u32 $0xFF0, v25;
	[tilespmem:v12+s13+$0x0] =	vst.idx.msk $0xffff, v14  }
0x381: {  	v10 =	vand.u32 $0xFF0, v32;
	v3 =	vadd.s32 v3, v58;
	[tilespmem:v21+s12+$0x0] =	vst.idx.msk $0xffff, v29  }
0x382: {  	v10 =	vadd.s32 v24, v10;
	[tilespmem:v7+s13+$0x0] =	vst.idx.msk $0xffff, v3  }
0x383: {  	v7 =	vld [tilespmem:s23+$0xFFFFFFF0];
	[tilespmem:v20+s12+$0x0] =	vst.idx.msk $0xffff, v11  }
0x384: {  	v11 =	vshrl.u32 v15, $0x14;
	[tilespmem:v21+s13+$0x0] =	vst.idx.msk $0xffff, v10;
	v15 =	vld [tilespmem:s23+$0x10]  }
0x385: {  	[tilespmem:v14+s14+$0x0] =	vst.idx.add.s32.msk $0xffff, v2  }
0x386: {  	[tilespmem:v6+s14+$0x0] =	vst.idx.add.s32.msk $0xffff, v2  }
0x387: {  	v11 =	vand.u32 $0xFF0, v11;
	[tilespmem:v10+s14+$0x0] =	vst.idx.add.s32.msk $0xffff, v2  }
0x388: {  	[tilespmem:v3+s14+$0x0] =	vst.idx.add.s32.msk $0xffff, v2;
	v9 =	vadd.s32 v9, v11  }
0x389: {  	v3 =	vshrl.u32 v18, $0x14;
	[tilespmem:v20+s13+$0x0] =	vst.idx.msk $0xffff, v9  }
0x38a: {  	v11 =	vld [tilespmem:s23+$0x0];
	v3 =	vand.u32 $0xFF0, v3;
	[tilespmem:v8+s12+$0x0] =	vst.idx.msk $0xffff, v7  }
0x38b: {  	v5 =	vadd.s32 v13, v5;
	v3 =	vadd.s32 v22, v3;
	[tilespmem:v4+s12+$0x0] =	vst.idx.msk $0xffff, v15  }
0x38c: {  	[tilespmem:v8+s13+$0x0] =	vst.idx.msk $0xffff, v3  }
0x38d: {  	[tilespmem:v4+s13+$0x0] =	vst.idx.msk $0xffff, v5  }
0x38e: {  	[tilespmem:v9+s14+$0x0] =	vst.idx.add.s32.msk $0xffff, v2;
	v9 =	vadd.s32 v16, v23  }
0x38f: {  	[tilespmem:v17+s12+$0x0] =	vst.idx.msk $0xffff, v11  }
0x390: {  	[tilespmem:v5+s14+$0x0] =	vst.idx.add.s32.msk $0xffff, v2  }
0x391: {  	[tilespmem:v17+s13+$0x0] =	vst.idx.msk $0xffff, v9  }
0x392: {  	[tilespmem:v3+s14+$0x0] =	vst.idx.add.s32.msk $0xffff, v2  }
0x393: {  	[tilespmem:v9+s14+$0x0] =	vst.idx.add.s32.msk $0xffff, v2  }
0x394: {  	v3 =	vld [tilespmem:s28+$0xFFFFFFC0]  }
0x395: {  	v4 =	vld [tilespmem:s28+$0xFFFFFFD0]  }
0x396: {  	v5 =	vld [tilespmem:s28+$0xFFFFFFE0]  }
0x397: {  	v6 =	vld [tilespmem:s28+$0xFFFFFFF0]  }
0x398: {  	v7 =	vld [tilespmem:s28+$0x0]  }
0x399: {  	v8 =	vld [tilespmem:s28+$0x10];
	(xrf0) =	vadd.scan.msk.s32 $0xffff, v3  }
0x39a: {  	v9 =	vld [tilespmem:s28+$0x20];
	(xrf0) =	vadd.scan.msk.s32 $0xffff, v4  }
0x39b: {  	s24 =	simm.s32 $0x1D0C0;
	v10 =	vld [tilespmem:s28+$0x30];
	(xrf0) =	vadd.scan.msk.s32 $0xffff, v5  }
0x39c: {  	v11 =	vld [tilespmem:s24+$0xFFFFFFC0];
	(xrf0) =	vadd.scan.msk.s32 $0xffff, v6  }
0x39d: {  	v12 =	vld [tilespmem:s24+$0xFFFFFFD0];
	(xrf0) =	vadd.scan.msk.s32 $0xffff, v7  }
0x39e: {  	v13 =	vld [tilespmem:s24+$0xFFFFFFE0];
	(xrf0) =	vadd.scan.msk.s32 $0xffff, v8  }
0x39f: {  	v15 =	vld [tilespmem:s24+$0xFFFFFFF0];
	v14, _, _ =	vpop (xrf0);
	(xrf0) =	vadd.scan.msk.s32 $0xffff, v9  }
0x3a0: {  	v59 =	vld [tilespmem:s24+$0x0];
	v3 =	vsub.s32 v14, v3;
	(v2sf) =	vpush v14, $0xF;
	v14, _, _ =	vpop (xrf0);
	(xrf0) =	vadd.scan.msk.s32 $0xffff, v10  }
0x3a1: {  	[tilespmem:s28+$0xFFFFFFC0] =	vst v3;
	v3 =	vsub.s32 v14, v4;
	(v2sf) =	vpush v14, $0xF;
	v4, _, _ =	vpop (xrf0);
	v14 =	vld [tilespmem:s24+$0x10];
	(xrf0) =	vadd.scan.msk.s32 $0xffff, v11  }
0x3a2: {  	[tilespmem:s28+$0xFFFFFFD0] =	vst v3;
	v3 =	vsub.s32 v4, v5;
	(v2sf) =	vpush v4, $0xF;
	v4, _, _ =	vpop (xrf0);
	(xrf0) =	vadd.scan.msk.s32 $0xffff, v12  }
0x3a3: {  	[tilespmem:s28+$0xFFFFFFE0] =	vst v3;
	v3 =	vsub.s32 v4, v6;
	(v2sf) =	vpush v4, $0xF;
	v4, _, _ =	vpop (xrf0);
	(xrf0) =	vadd.scan.msk.s32 $0xffff, v13  }
0x3a4: {  	v5 =	vld [tilespmem:s24+$0x20];
	[tilespmem:s28+$0xFFFFFFF0] =	vst v3;
	v3 =	vsub.s32 v4, v7;
	(v2sf) =	vpush v4, $0xF;
	v4, _, _ =	vpop (xrf0);
	(xrf0) =	vadd.scan.msk.s32 $0xffff, v15  }
0x3a5: {  	v17 =	vld [tilespmem:s24+$0x30];
	[tilespmem:s28+$0x0] =	vst v3;
	v3 =	vsub.s32 v4, v8;
	(v2sf) =	vpush v4, $0xF;
	v4, _, _ =	vpop (xrf0);
	(xrf0) =	vadd.scan.msk.s32 $0xffff, v59  }
0x3a6: {  	s22 =	simm.s32 $0x1D140;
	[tilespmem:s28+$0x10] =	vst v3;
	v3 =	vsub.s32 v4, v9;
	(v2sf) =	vpush v4, $0xF;
	v4, _, _ =	vpop (xrf0);
	(xrf0) =	vadd.scan.msk.s32 $0xffff, v14  }
0x3a7: {  	v60 =	vld [tilespmem:s22+$0xFFFFFFC0];
	[tilespmem:s28+$0x20] =	vst v3;
	v3 =	vsub.s32 v4, v10;
	(v2sf) =	vpush v4, $0xF;
	v4, _, _ =	vpop (xrf0)  }
0x3a8: {  	v61 =	vld [tilespmem:s22+$0xFFFFFFD0];
	[tilespmem:s28+$0x30] =	vst v3;
	v3 =	vsub.s32 v4, v11;
	(v2sf) =	vpush v4, $0xF;
	v4, _, _ =	vpop (xrf0)  }
0x3a9: {  	v20 =	vld [tilespmem:s22+$0xFFFFFFE0];
	(xrf0) =	vadd.scan.msk.s32 $0xffff, v5;
	[tilespmem:s24+$0xFFFFFFC0] =	vst v3;
	v3 =	vsub.s32 v4, v12;
	(v2sf) =	vpush v4, $0xF;
	v4, _, _ =	vpop (xrf0)  }
0x3aa: {  	v21 =	vld [tilespmem:s22+$0xFFFFFFF0];
	(xrf0) =	vadd.scan.msk.s32 $0xffff, v17;
	[tilespmem:s24+$0xFFFFFFD0] =	vst v3;
	v3 =	vsub.s32 v4, v13;
	(v2sf) =	vpush v4, $0xF;
	v4, _, _ =	vpop (xrf0)  }
0x3ab: {  	v62 =	vld [tilespmem:s22+$0x0];
	[tilespmem:s24+$0xFFFFFFE0] =	vst v3;
	v3 =	vsub.s32 v4, v15;
	(v2sf) =	vpush v4, $0xF;
	v4, _, _ =	vpop (xrf0)  }
0x3ac: {  	v63 =	vld [tilespmem:s22+$0x10];
	(xrf0) =	vadd.scan.msk.s32 $0xffff, v60;
	[tilespmem:s24+$0xFFFFFFF0] =	vst v3;
	v3 =	vsub.s32 v4, v59;
	(v2sf) =	vpush v4, $0xF;
	v4, _, _ =	vpop (xrf0)  }
0x3ad: {  	(xrf0) =	vadd.scan.msk.s32 $0xffff, v61;
	v8 =	vsub.s32 v4, v14  }
0x3ae: {  	v7 =	vld [tilespmem:s22+$0x20];
	(xrf0) =	vadd.scan.msk.s32 $0xffff, v20  }
0x3af: {  	s23 =	simm.s32 $0x1D1C0;
	v6 =	vld [tilespmem:s22+$0x30];
	(xrf0) =	vadd.scan.msk.s32 $0xffff, v21;
	[tilespmem:s24+$0x0] =	vst v3;
	(v2sf) =	vpush v4, $0xF;
	v4, _, _ =	vpop (xrf0)  }
0x3b0: {  	v3 =	vld [tilespmem:s23+$0xFFFFFFC0];
	(xrf0) =	vadd.scan.msk.s32 $0xffff, v62;
	[tilespmem:s24+$0x10] =	vst v8;
	v5 =	vsub.s32 v4, v5;
	(v2sf) =	vpush v4, $0xF;
	s0 =	spop (v2sf);
	v8, _, _ =	vpop (xrf0)  }
0x3b1: {  	v4 =	vld [tilespmem:s23+$0xFFFFFFD0];
	(xrf0) =	vadd.scan.msk.s32 $0xffff, v63;
	[tilespmem:s24+$0x20] =	vst v5;
	(v2sf) =	vpush v8, $0xF;
	[smem:$0x0] =	sst s0  }
0x3b2: {  	v8 =	vsub.s32 v8, v17;
	s0 =	spop (v2sf)  }
0x3b3: {  	v5 =	vld [tilespmem:s23+$0xFFFFFFE0];
	v9, _, _ =	vpop (xrf0);
	(xrf0) =	vadd.scan.msk.s32 $0xffff, v7;
	[tilespmem:s24+$0x30] =	vst v8;
	[smem:$0x1] =	sst s0  }
0x3b4: {  	v11 =	vsub.s32 v9, v60;
	s0 =	spop (v2sf)  }
0x3b5: {  	v8 =	vld [tilespmem:s23+$0xFFFFFFF0];
	(v2sf) =	vpush v9, $0xF;
	v10, _, _ =	vpop (xrf0);
	(xrf0) =	vadd.scan.msk.s32 $0xffff, v6;
	[smem:$0x2] =	sst s0  }
0x3b6: {  	s0 =	spop (v2sf)  }
0x3b7: {  	[tilespmem:s22+$0xFFFFFFC0] =	vst v11;
	v9 =	vld [tilespmem:s23+$0x0];
	(v2sf) =	vpush v10, $0xF;
	v11, _, _ =	vpop (xrf0);
	[smem:$0x3] =	sst s0  }
0x3b8: {  	v12 =	vsub.s32 v10, v61;
	s0 =	spop (v2sf)  }
0x3b9: {  	[tilespmem:s22+$0xFFFFFFD0] =	vst v12;
	v12 =	vsub.s32 v11, v20;
	v10 =	vld [tilespmem:s23+$0x10];
	(xrf0) =	vadd.scan.msk.s32 $0xffff, v3;
	(v2sf) =	vpush v11, $0xF;
	v13, _, _ =	vpop (xrf0);
	[smem:s21] =	sst s0;
	s31 =	spop (v2sf)  }
0x3ba: {  	v11 =	vld [tilespmem:s23+$0x20];
	[tilespmem:s22+$0xFFFFFFE0] =	vst v12;
	(xrf0) =	vadd.scan.msk.s32 $0xffff, v4;
	(v2sf) =	vpush v13, $0xF;
	v14, _, _ =	vpop (xrf0);
	[smem:$0x5] =	sst s31  }
0x3bb: {  	v13 =	vsub.s32 v13, v21;
	s0 =	spop (v2sf)  }
0x3bc: {  	[tilespmem:s22+$0xFFFFFFF0] =	vst v13;
	v12 =	vld [tilespmem:s23+$0x30];
	(xrf0) =	vadd.scan.msk.s32 $0xffff, v5;
	(v2sf) =	vpush v14, $0xF;
	v15, _, _ =	vpop (xrf0);
	[smem:$0x6] =	sst s0  }
0x3bd: {  	(v2sf) =	vpush v15, $0xF  }
0x3be: {  	v13 =	vsub.s32 v14, v62;
	_ =	sdelay $0x1  }
0x3bf: {  	s0 =	spop (v2sf)  }
0x3c0: {  	s25 =	simm.s32 $0x1D240;
	s24 =	simm.s32 $0x18;
	[tilespmem:s22+$0x0] =	vst v13;
	v14 =	vsub.s32 v15, v63;
	(xrf0) =	vadd.scan.msk.s32 $0xffff, v8;
	v13, _, _ =	vpop (xrf0);
	[smem:$0x7] =	sst s0  }
.LBB2_49:
0x3c1: {  	(xrf0) =	vadd.scan.msk.s32 $0xffff, v9;
	v19 =	vsub.s32 v13, v7;
	(v2sf) =	vpush v13, $0xF;
	v13, _, _ =	vpop (xrf0)  }
0x3c2: {  	[tilespmem:s22+$0x10] =	vst v14;
	s0 =	spop (v2sf);
	s21 =	sadd.s32 $0x8, s21;
	v14 =	vmovc v3;
	v3 =	vld [tilespmem:s25+$0xFFFFFFC0];
	v15 =	vmovc v4;
	v16 =	vmov v5;
	v17 =	vmov v8;
	v18 =	vmov v9  }
0x3c3: {  	s24 =	sadd.s32 $0x8, s24;
	v4 =	vld [tilespmem:s25+$0xFFFFFFD0];
	(xrf0) =	vadd.scan.msk.s32 $0xffff, v10;
	[tilespmem:s22+$0x20] =	vst v19;
	v19 =	vsub.s32 v13, v6;
	(v2sf) =	vpush v13, $0xF;
	[smem:s21+$0xFFFFFFFC] =	sst s0;
	s0 =	spop (v2sf);
	v13 =	vmovc v10  }
0x3c4: {  	v5 =	vld [tilespmem:s25+$0xFFFFFFE0];
	v9, _, _ =	vpop (xrf0);
	(xrf0) =	vadd.scan.msk.s32 $0xffff, v11;
	[tilespmem:s22+$0x30] =	vst v19;
	[smem:s21+$0xFFFFFFFD] =	sst s0;
	s0 =	spop (v2sf);
	v7 =	vmov v11;
	s22 =	smov.u32 s23  }
0x3c5: {  	s23 =	smov.u32 s25;
	v8 =	vld [tilespmem:s25+$0xFFFFFFF0];
	v10 =	vsub.s32 v9, v14;
	(v2sf) =	vpush v9, $0xF;
	v11, _, _ =	vpop (xrf0);
	(xrf0) =	vadd.scan.msk.s32 $0xffff, v12;
	[smem:s21+$0xFFFFFFFE] =	sst s0;
	s0 =	spop (v2sf);
	v6 =	vmov v12  }
0x3c6: {  	p0 =	slt.u32 s24, $0xF8;
	[smem:s21+$0xFFFFFFFF] =	sst s0  }
.Ltmp34:
0x3c7: {  	v9 =	vld [tilespmem:s25+$0x0];
	[tilespmem:s22+$0xFFFFFFC0] =	vst v10;
	v12 =	vsub.s32 v11, v15;
	(v2sf) =	vpush v11, $0xF;
	v11, _, _ =	vpop (xrf0);
	s0 =	spop (v2sf);
	(pc) =	sbr.rel @p0 .LBB2_49-.Ltmp34, $4  }
0x3c8: {  	v10 =	vld [tilespmem:s25+$0x10];
	(xrf0) =	vadd.scan.msk.s32 $0xffff, v3;
	[tilespmem:s22+$0xFFFFFFD0] =	vst v12;
	v12 =	vsub.s32 v11, v16;
	(v2sf) =	vpush v11, $0xF;
	v14, _, _ =	vpop (xrf0);
	[smem:s21] =	sst s0;
	s0 =	spop (v2sf)  }
0x3c9: {  	v11 =	vld [tilespmem:s25+$0x20];
	(xrf0) =	vadd.scan.msk.s32 $0xffff, v4;
	[tilespmem:s22+$0xFFFFFFE0] =	vst v12;
	v15 =	vsub.s32 v14, v17;
	(v2sf) =	vpush v14, $0xF;
	v14, _, _ =	vpop (xrf0);
	[smem:s21+$0x1] =	sst s0;
	s0 =	spop (v2sf)  }
0x3ca: {  	v12 =	vld [tilespmem:s25+$0x30];
	(xrf0) =	vadd.scan.msk.s32 $0xffff, v5;
	[tilespmem:s22+$0xFFFFFFF0] =	vst v15;
	v15 =	vsub.s32 v14, v18;
	(v2sf) =	vpush v14, $0xF;
	v16, _, _ =	vpop (xrf0);
	[smem:s21+$0x2] =	sst s0;
	s0 =	spop (v2sf)  }
0x3cb: {  	s25 =	sadd.s32 $0x80, s25;
	(xrf0) =	vadd.scan.msk.s32 $0xffff, v8;
	[tilespmem:s22+$0x0] =	vst v15;
	v14 =	vsub.s32 v16, v13;
	(v2sf) =	vpush v16, $0xF;
	v13, _, _ =	vpop (xrf0);
	[smem:s21+$0x3] =	sst s0  }
0x3cc: {  	_ = 	snop  }
0x3cd: {  	(xrf0) =	vadd.scan.msk.s32 $0xffff, v9;
	(v2sf) =	vpush v13, $0xF;
	v15, _, _ =	vpop (xrf0)  }
0x3ce: {  	s0 =	spop (v2sf);
	s21 =	sadd.s32 $0x8, s21;
	(xrf0) =	vadd.scan.msk.s32 $0xffff, v10;
	(v2sf) =	vpush v15, $0xF;
	v16, _, _ =	vpop (xrf0)  }
0x3cf: {  	[smem:s21+$0xFFFFFFFC] =	sst s0;
	s24 =	spop (v2sf);
	(xrf0) =	vadd.scan.msk.s32 $0xffff, v11;
	(v2sf) =	vpush v16, $0xF;
	v17, _, _ =	vpop (xrf0)  }
0x3d0: {  	[smem:s21+$0xFFFFFFFD] =	sst s24;
	s25 =	spop (v2sf);
	(xrf0) =	vadd.scan.msk.s32 $0xffff, v12;
	(v2sf) =	vpush v17, $0xF;
	v18, _, _ =	vpop (xrf0)  }
0x3d1: {  	[smem:s21+$0xFFFFFFFE] =	sst s25;
	s26 =	spop (v2sf);
	(v2sf) =	vpush v18, $0xF;
	v19, _, _ =	vpop (xrf0)  }
0x3d2: {  	[smem:s21+$0xFFFFFFFF] =	sst s26;
	s28 =	spop (v2sf);
	(v2sf) =	vpush v19, $0xF  }
0x3d3: {  	[smem:s21] =	sst s28;
	s29 =	spop (v2sf);
	v20, _, _ =	vpop (xrf0)  }
0x3d4: {  	[tilespmem:s22+$0x10] =	vst v14;
	v7 =	vsub.s32 v13, v7;
	[smem:s21+$0x1] =	sst s29;
	s30 =	spop (v2sf);
	(v2sf) =	vpush v20, $0xF;
	v21, _, _ =	vpop (xrf0)  }
0x3d5: {  	[tilespmem:s22+$0x20] =	vst v7;
	v6 =	vsub.s32 v15, v6;
	[smem:s21+$0x2] =	sst s30;
	s31 =	spop (v2sf);
	(v2sf) =	vpush v21, $0xF;
	v62, _, _ =	vpop (xrf0)  }
0x3d6: {  	[tilespmem:s22+$0x30] =	vst v6;
	v3 =	vsub.s32 v16, v3;
	[smem:s21+$0x3] =	sst s31;
	s24 =	spop (v2sf);
	s21 =	sadd.s32 $0x8, s21;
	(v2sf) =	vpush v62, $0xF;
	v63, _, _ =	vpop (xrf0)  }
0x3d7: {  	[tilespmem:s23+$0xFFFFFFC0] =	vst v3;
	v3 =	vsub.s32 v17, v4;
	[smem:s21+$0xFFFFFFFC] =	sst s24;
	(v2sf) =	vpush v63, $0xF;
	s25 =	spop (v2sf)  }
0x3d8: {  	[tilespmem:s23+$0xFFFFFFD0] =	vst v3;
	v3 =	vsub.s32 v18, v5;
	[smem:s21+$0xFFFFFFFD] =	sst s25;
	s26 =	spop (v2sf)  }
0x3d9: {  	[tilespmem:s23+$0xFFFFFFE0] =	vst v3;
	v3 =	vsub.s32 v19, v8;
	[smem:s21+$0xFFFFFFFE] =	sst s26;
	s28 =	spop (v2sf)  }
0x3da: {  	[tilespmem:s23+$0xFFFFFFF0] =	vst v3;
	v3 =	vsub.s32 v20, v9;
	[smem:s21+$0xFFFFFFFF] =	sst s28;
	s29 =	spop (v2sf)  }
0x3db: {  	[tilespmem:s23+$0x0] =	vst v3;
	v3 =	vsub.s32 v21, v10;
	[smem:s21] =	sst s29;
	s30 =	spop (v2sf)  }
0x3dc: {  	[tilespmem:s23+$0x10] =	vst v3;
	v3 =	vsub.s32 v62, v11;
	[smem:s21+$0x1] =	sst s30;
	s31 =	spop (v2sf)  }
0x3dd: {  	[tilespmem:s23+$0x20] =	vst v3;
	v3 =	vsub.s32 v63, v12;
	[smem:s21+$0x2] =	sst s31;
	s22 =	spop (v2sf)  }
0x3de: {  	[tilespmem:s23+$0x30] =	vst v3;
	[smem:s21+$0x3] =	sst s22;
	s22 =	sadd.s32 $0x8, s21;
	s23 =	spop (v2sf)  }
0x3df: {  	[smem:s22+$0xFFFFFFFC] =	sst s23;
	s24 =	spop (v2sf)  }
0x3e0: {  	[smem:s22+$0xFFFFFFFD] =	sst s24;
	s25 =	spop (v2sf)  }
0x3e1: {  	[smem:s22+$0xFFFFFFFE] =	sst s25;
	s26 =	spop (v2sf)  }
0x3e2: {  	p1 =	por $0x1, $0x1;
	[smem:s22+$0xFFFFFFFF] =	sst s26  }
.Ltmp35:
0x3e3: {  	s28 =	spop (v2sf);
	(pc) =	sbr.rel @!p1 .LBB2_51-.Ltmp35, $4  }
0x3e4: {  	[smem:s22] =	sst s28;
	s29 =	spop (v2sf)  }
0x3e5: {  	[smem:s22+$0x1] =	sst s29;
	s30 =	spop (v2sf)  }
0x3e6: {  	p0 =	por $0x0, $0x0;
	[smem:s22+$0x2] =	sst s30;
	s31 =	spop (v2sf)  }
0x3e7: {  	s21 =	simm.s32 $0x0;
	s23 =	simm.s32 $0x2;
	[smem:s22+$0x3] =	sst s31  }
0x3e8: {  	s0 =	sld [smem:$0x0]  }
0x3e9: {  	[smem:$0x0] =	sst s21  }
0x3ea: {  	s22 =	sld [smem:$0x1]  }
0x3eb: {  	s0 =	sadd.s32 $0x0, s0  }
0x3ec: {  	p1 =	por $0x1, $0x1;
	[smem:$0x1] =	sst s0  }
.Ltmp36:
0x3ed: {  	s0 =	sadd.s32 s0, s22;
	s25 =	sld [smem:$0x2];
	(pc) =	sbr.rel @!p1 .LBB2_54-.Ltmp36, $4  }
0x3ee: {  	[smem:s23] =	sst s0  }
0x3ef: {  	s24 =	sld [smem:$0x3]  }
0x3f0: {  	p0 =	por $0x1, $0x1;
	s25 =	sadd.s32 s0, s25  }
0x3f1: {  	s22 =	simm.s32 $0x4;
	s23 =	simm.s32 $0x6;
	[smem:$0x3] =	sst s25  }
.LBB2_53:
0x3f2: {  	s22 =	sadd.s32 $0x4, s22;
	s0 =	sld [smem:s23+$0xFFFFFFFE];
	s24 =	sadd.s32 s25, s24  }
0x3f3: {  	p1 =	slt.u32 s22, $0xFC;
	[smem:s23+$0xFFFFFFFE] =	sst s24  }
0x3f4: {  	s25 =	sld [smem:s23+$0xFFFFFFFF]  }
0x3f5: {  	s0 =	sadd.s32 s24, s0  }
0x3f6: {  	[smem:s23+$0xFFFFFFFF] =	sst s0  }
.Ltmp37:
0x3f7: {  	s0 =	sadd.s32 s0, s25;
	s25 =	sld [smem:s23+$0x0];
	(pc) =	sbr.rel @p1 .LBB2_53-.Ltmp37, $4  }
0x3f8: {  	[smem:s23] =	sst s0  }
0x3f9: {  	s24 =	sld [smem:s23+$0x1]  }
0x3fa: {  	s25 =	sadd.s32 s0, s25  }
0x3fb: {  	[smem:s23+$0x1] =	sst s25;
	s23 =	sadd.s32 $0x4, s23  }
.LBB2_54:
0x3fc: {  	s0 =	sld [smem:s23+$0xFFFFFFFE];
	s22 =	sadd.s32 @p0 s25, s24;
	s24 =	simm.s32 $0x0  }
0x3fd: {  	s24 =	smov.u32 @p0 s22  }
0x3fe: {  	[smem:s23+$0xFFFFFFFE] =	sst s24  }
0x3ff: {  	s26 =	sld [smem:s23+$0xFFFFFFFF];
	s0 =	sadd.s32 s24, s0  }
0x400: {  	[smem:s23+$0xFFFFFFFF] =	sst s0  }
0x401: {  	s31 =	sld [smem:s23+$0x0];
	_ =	sdelay $0x1  }
0x402: {  	s22 =	simm.s32 $0x1D040;
	s0 =	sadd.s32 s0, s26  }
0x403: {  	v4 =	vld [tilespmem:s22+$0x30];
	[smem:s23] =	sst s0;
	s0 =	sadd.s32 s0, s31  }
0x404: {  	v9 =	vld [tilespmem:s22+$0xFFFFFFD0];
	[smem:s23+$0x1] =	sst s0  }
0x405: {  	p0 =	por $0x1, $0x1;
	v6 =	vld [tilespmem:s22+$0xFFFFFFE0];
	s0 =	sld [smem:$0x7]  }
.Ltmp38:
0x406: {  	s23 =	sld [smem:$0x0];
	v7 =	vld [tilespmem:s22+$0xFFFFFFF0];
	(pc) =	sbr.rel @!p0 .LBB2_56-.Ltmp38, $4  }
0x407: {  	s26 =	sld [smem:$0x1];
	v3 =	vld [tilespmem:s22+$0x0]  }
0x408: {  	s29 =	sld [smem:$0x2];
	v5 =	vld [tilespmem:s22+$0x10];
	v8 =	vadd.s32 s0, v4  }
0x409: {  	s25 =	simm.s32 $0x0;
	s28 =	sld [smem:$0x3];
	v4 =	vld [tilespmem:s22+$0x20];
	[tilespmem:s22+$0x30] =	vst v8  }
0x40a: {  	s24 =	simm.s32 $0x4;
	v8 =	vld [tilespmem:s22+$0xFFFFFFC0];
	v9 =	vadd.s32 s26, v9;
	s30 =	sld [smem:$0x4];
	s26 =	simm.s32 $0x1D0C0  }
.LBB2_55:
0x40b: {  	v10 =	vld [tilespmem:s26+$0x30];
	s25 =	sadd.s32 $0x8, s25;
	[tilespmem:s22+$0xFFFFFFD0] =	vst v9;
	v6 =	vadd.s32 s29, v6;
	s0 =	sld [smem:s24+$0x1]  }
0x40c: {  	v9 =	vld [tilespmem:s26+$0xFFFFFFD0];
	p0 =	slt.u32 s25, $0xF8;
	[tilespmem:s22+$0xFFFFFFE0] =	vst v6;
	v7 =	vadd.s32 s28, v7;
	s28 =	sld [smem:s24+$0x2];
	s24 =	sadd.s32 $0x8, s24  }
0x40d: {  	v6 =	vld [tilespmem:s26+$0xFFFFFFE0];
	s31 =	sld [smem:s24+$0x3];
	[tilespmem:s22+$0xFFFFFFF0] =	vst v7;
	v3 =	vadd.s32 s30, v3  }
.Ltmp39:
0x40e: {  	s30 =	sld [smem:s24+$0xFFFFFFFC];
	v7 =	vld [tilespmem:s26+$0xFFFFFFF0];
	[tilespmem:s22+$0x0] =	vst v3;
	v5 =	vadd.s32 s0, v5;
	(pc) =	sbr.rel @p0 .LBB2_55-.Ltmp39, $4  }
0x40f: {  	s0 =	sld [smem:s24+$0xFFFFFFFD];
	v3 =	vld [tilespmem:s26+$0x0];
	v8 =	vadd.s32 s23, v8;
	[tilespmem:s22+$0x10] =	vst v5;
	v11 =	vadd.s32 s28, v4  }
0x410: {  	s29 =	sld [smem:s24+$0xFFFFFFFE];
	v5 =	vld [tilespmem:s26+$0x10];
	v10 =	vadd.s32 s31, v10;
	[tilespmem:s22+$0xFFFFFFC0] =	vst v8  }
0x411: {  	s28 =	sld [smem:s24+$0xFFFFFFFF];
	v4 =	vld [tilespmem:s26+$0x20];
	[tilespmem:s26+$0x30] =	vst v10;
	s23 =	smov.u32 s30  }
0x412: {  	v8 =	vld [tilespmem:s26+$0xFFFFFFC0];
	v9 =	vadd.s32 s0, v9;
	s30 =	sld [smem:s24+$0x0];
	[tilespmem:s22+$0x20] =	vst v11;
	s22 =	smov.u32 s26;
	s26 =	sadd.s32 $0x80, s26  }
.LBB2_56:
0x413: {  	[tilespmem:s22+$0xFFFFFFD0] =	vst v9  }
0x414: {  	v6 =	vadd.s32 s29, v6;
	s0 =	sld [smem:s24+$0x1]  }
0x415: {  	[tilespmem:s22+$0xFFFFFFE0] =	vst v6;
	v62 =	vadd.s32 s28, v7  }
0x416: {  	s31 =	sld [smem:s24+$0x2];
	[tilespmem:s22+$0xFFFFFFF0] =	vst v62;
	v3 =	vadd.s32 s30, v3  }
0x417: {  	[tilespmem:s22+$0x0] =	vst v3;
	v3 =	vadd.s32 s0, v5  }
0x418: {  	v63 =	vadd.s32 s23, v8;
	[tilespmem:s22+$0x10] =	vst v3  }
0x419: {  	v3 =	vadd.s32 s31, v4;
	[tilespmem:s22+$0xFFFFFFC0] =	vst v63  }
0x41a: {  	[tilespmem:s22+$0x20] =	vst v3  }
.LBB2_57:
0x41b: {  	s0 =	sshra.s32 s21, $0x2  }
0x41c: {  	v3 =	vld [tilespmem:s0+$0x18010]  }
0x41d: {  	v4 =	vld [tilespmem:s0+$0x18000]  }
0x41e: {  	v5 =	vld [tilespmem:s0+$0x18020]  }
0x41f: {  	v6 =	vld [tilespmem:s0+$0x18030];
	_ =	sdelay $0x4  }
0x420: {  	v7 =	vld.idx.msk [tilespmem:v3+s14+$0x0], $0xffff  }
0x421: {  	v8 =	vld.idx.msk [tilespmem:v4+s14+$0x0], $0xffff  }
0x422: {  	vm0 =	veq.s32 v3, v4;
	vm12 =	veq.s32 v5, v4;
	vm13 =	veq.s32 v5, v3;
	v9 =	vld.idx.msk [tilespmem:v5+s14+$0x0], $0xffff  }
0x423: {  	vm1 =	veq.s32 v6, v4;
	vm14 =	veq.s32 v6, v3;
	vm15 =	veq.s32 v6, v5;
	v11 =	vld.idx.msk [tilespmem:v6+s14+$0x0], $0xffff  }
0x424: {  	v10 =	vsel vm0, $0x1, v0;
	v12 =	vsel vm12, $0x1, v0;
	v13 =	vsel vm13, $0x1, v0  }
0x425: {  	v14 =	vsel vm1, $0x1, v0;
	v59 =	vsel vm14, $0x1, v0;
	v60 =	vsel vm15, $0x1, v0  }
0x426: {  	v12 =	vadd.s32 v12, v13;
	v7 =	vadd.s32 v10, v7;
	v10 =	vadd.s32 v14, v59;
	[tilespmem:s0+$0x18000] =	vst v8  }
0x427: {  	v61 =	vadd.s32 v9, v12;
	v62 =	vadd.s32 v60, v10;
	[tilespmem:s0+$0x18010] =	vst v7  }
0x428: {  	p0 =	sne.s32 s21, $0xFF00;
	[tilespmem:s0+$0x18020] =	vst v61;
	v63 =	vadd.s32 v11, v62  }
.Ltmp40:
0x429: {  	[tilespmem:s0+$0x18030] =	vst v63;
	(pc) =	sbr.rel @p0 .LBB2_57-.Ltmp40, $4  }
0x42a: {  	[tilespmem:v4+s14+$0x0] =	vst.idx.add.s32.msk $0xffff, v2  }
0x42b: {  	[tilespmem:v3+s14+$0x0] =	vst.idx.add.s32.msk $0xffff, v2  }
0x42c: {  	[tilespmem:v5+s14+$0x0] =	vst.idx.add.s32.msk $0xffff, v2  }
0x42d: {  	s21 =	sadd.s32 $0x100, s21;
	[tilespmem:v6+s14+$0x0] =	vst.idx.add.s32.msk $0xffff, v2  }
0x42e: {  	s0 =	simm.s32 $0x18040  }
0x42f: {  	v3 =	vld [tilespmem:s0+$0x30]  }
0x430: {  	s21 =	simm.s32 $0xC040;
	v4 =	vld [tilespmem:s0+$0xFFFFFFD0]  }
0x431: {  	v13 =	vld [tilespmem:s21+$0x30]  }
0x432: {  	v5 =	vld [tilespmem:s0+$0xFFFFFFE0]  }
0x433: {  	v6 =	vld [tilespmem:s0+$0xFFFFFFF0]  }
0x434: {  	v7 =	vld [tilespmem:s0+$0x0]  }
0x435: {  	v8 =	vld [tilespmem:s0+$0x10]  }
0x436: {  	v11 =	vld [tilespmem:s0+$0xFFFFFFC0]  }
0x437: {  	v10 =	vld [tilespmem:s0+$0x20];
	v3 =	vadd.s32 $0x1, v3;
	v4 =	vadd.s32 $0x1, v4  }
0x438: {  	v5 =	vadd.s32 $0x1, v5;
	v6 =	vadd.s32 $0x1, v6;
	v3 =	vcvt.s32.f32 v3  }
0x439: {  	v15 =	vadd.s32 $0x1, v7;
	v7 =	vld [tilespmem:s21+$0xFFFFFFE0];
	v4 =	vcvt.s32.f32 v4;
	v9 =	vcvt.s32.f32 v5  }
0x43a: {  	v16 =	vadd.s32 $0x1, v8;
	v12 =	vcvt.s32.f32 v6;
	v14 =	vmul.f32 $6.103143090e-05, v3;
	v3 =	vld [tilespmem:s21+$0xFFFFFFC0]  }
0x43b: {  	v5 =	vld [tilespmem:s21+$0xFFFFFFD0];
	v15 =	vcvt.s32.f32 v15;
	v17 =	vcvt.s32.f32 v16;
	v16 =	vadd.s32 $0x1, v11  }
0x43c: {  	v6 =	vmul.f32 $6.103143090e-05, v9;
	v8 =	vmul.f32 $6.103143090e-05, v12;
	v9 =	vld [tilespmem:s21+$0xFFFFFFF0];
	v12 =	vadd.s32 $0x1, v10  }
0x43d: {  	v16 =	vcvt.s32.f32 v16;
	v10 =	vld [tilespmem:s21+$0x0];
	v18 =	vcvt.s32.f32 v12  }
0x43e: {  	v4 =	vmul.f32 $6.103143090e-05, v4;
	v11 =	vmul.f32 $6.103143090e-05, v15;
	v15 =	vld [tilespmem:s21+$0x20]  }
0x43f: {  	s22 =	simm.s32 $0x0;
	s23 =	simm.s32 $0x180C0;
	v12 =	vld [tilespmem:s21+$0x10];
	[tilespmem:v13+s2+$0x0] =	vst.idx.msk $0xffff, v14;
	v14 =	vmul.f32 $6.103143090e-05, v17;
	v13 =	vmul.f32 $6.103143090e-05, v18  }
.LBB2_59:
0x440: {  	v17 =	vld [tilespmem:s23+$0x30];
	s22 =	sadd.s32 $0x8, s22;
	v16 =	vmul.f32 $6.103143090e-05, v16  }
0x441: {  	s21 =	sadd.s32 $0x80, s21;
	v18 =	vld [tilespmem:s23+$0xFFFFFFD0];
	p0 =	slt.u32 s22, $0x3F8  }
0x442: {  	v19 =	vld [tilespmem:s21+$0x30];
	[tilespmem:v3+s2+$0x0] =	vst.idx.msk $0xffff, v16  }
0x443: {  	v3 =	vld [tilespmem:s23+$0xFFFFFFE0];
	[tilespmem:v5+s2+$0x0] =	vst.idx.msk $0xffff, v4  }
0x444: {  	v5 =	vld [tilespmem:s23+$0xFFFFFFF0];
	[tilespmem:v7+s2+$0x0] =	vst.idx.msk $0xffff, v6  }
0x445: {  	v6 =	vld [tilespmem:s23+$0x0];
	v4 =	vadd.s32 $0x1, v17;
	[tilespmem:v9+s2+$0x0] =	vst.idx.msk $0xffff, v8  }
0x446: {  	v7 =	vadd.s32 $0x1, v18;
	v8 =	vld [tilespmem:s23+$0x10];
	v4 =	vcvt.s32.f32 v4;
	[tilespmem:v10+s2+$0x0] =	vst.idx.msk $0xffff, v11  }
0x447: {  	v7 =	vcvt.s32.f32 v7;
	v10 =	vld [tilespmem:s23+$0x20];
	[tilespmem:v12+s2+$0x0] =	vst.idx.msk $0xffff, v14  }
0x448: {  	v11 =	vld [tilespmem:s23+$0xFFFFFFC0];
	v9 =	vadd.s32 $0x1, v3;
	v12 =	vmul.f32 $6.103143090e-05, v4;
	[tilespmem:v15+s2+$0x0] =	vst.idx.msk $0xffff, v13  }
0x449: {  	v3 =	vld [tilespmem:s21+$0xFFFFFFC0];
	v4 =	vmul.f32 $6.103143090e-05, v7;
	v7 =	vcvt.s32.f32 v9;
	v9 =	vadd.s32 $0x1, v5  }
0x44a: {  	v5 =	vld [tilespmem:s21+$0xFFFFFFD0];
	v9 =	vcvt.s32.f32 v9;
	v13 =	vadd.s32 $0x1, v6;
	[tilespmem:v19+s2+$0x0] =	vst.idx.msk $0xffff, v12  }
.Ltmp41:
0x44b: {  	v6 =	vmul.f32 $6.103143090e-05, v7;
	v7 =	vld [tilespmem:s21+$0xFFFFFFE0];
	v12 =	vcvt.s32.f32 v13;
	v13 =	vadd.s32 $0x1, v8;
	(pc) =	sbr.rel @p0 .LBB2_59-.Ltmp41, $4  }
0x44c: {  	v8 =	vmul.f32 $6.103143090e-05, v9;
	v9 =	vld [tilespmem:s21+$0xFFFFFFF0];
	v13 =	vcvt.s32.f32 v13;
	v14 =	vadd.s32 $0x1, v10  }
0x44d: {  	v15 =	vadd.s32 $0x1, v11;
	v11 =	vmul.f32 $6.103143090e-05, v12;
	v10 =	vld [tilespmem:s21+$0x0];
	v17 =	vcvt.s32.f32 v14  }
0x44e: {  	v16 =	vcvt.s32.f32 v15;
	v14 =	vmul.f32 $6.103143090e-05, v13;
	v12 =	vld [tilespmem:s21+$0x10]  }
0x44f: {  	s23 =	sadd.s32 $0x80, s23;
	v13 =	vmul.f32 $6.103143090e-05, v17;
	v15 =	vld [tilespmem:s21+$0x20]  }
0x450: {  	_ =	sdelay $0x3  }
0x451: {  	[tilespmem:v5+s2+$0x0] =	vst.idx.msk $0xffff, v4  }
0x452: {  	v16 =	vmul.f32 $6.103143090e-05, v16;
	[tilespmem:v7+s2+$0x0] =	vst.idx.msk $0xffff, v6  }
0x453: {  	[tilespmem:v9+s2+$0x0] =	vst.idx.msk $0xffff, v8  }
0x454: {  	[tilespmem:v3+s2+$0x0] =	vst.idx.msk $0xffff, v16  }
0x455: {  	[tilespmem:v10+s2+$0x0] =	vst.idx.msk $0xffff, v11  }
0x456: {  	s19 =	sadd.s32 $0x1, s19;
	[tilespmem:v12+s2+$0x0] =	vst.idx.msk $0xffff, v14  }
0x457: {  	s0 =	sadd.s32 s1, s20;
	p0 =	sne.s32 s19, $0x8;
	[tilespmem:v15+s2+$0x0] =	vst.idx.msk $0xffff, v13  }
0x458: {  	[hbm4b:s0+s7] =	stream.strided.scatter [tilespmem:s2], [sflag:$0x1], $0x4000, s8, s7, $0x38;
	[tilespmem:$0x1E000] =	vst v63  }
.Ltmp42:
0x459: {  	_ = 	snop;
	(pc) =	sbr.rel @p0 .LBB2_2-.Ltmp42, $4  }
.Ltmp43:
0x45a: {  	_ = 	snop;
	(pc) =	sbr.rel @!p0 .LBB2_61-.Ltmp43, $4  }
0x45b: {  	_ =	swait.ge [sflag:s9], $0x4000  }
0x45c: {  	[sflag:s9] =	ssyncset.done $0x0  }
0x45d: {  	[sflag:s9] =	ssyncadd.s32 $0xFFFFC000  }
0x45e: {  	_ = 	snop  }
.LBB2_9:
.Ltmp44:
0x45f: {  	(pc) =	sbr.rel .LBB2_12-.Ltmp44, $2  }
0x460: {  	_ =	sdelay $0x2  }
0x461: {  	_ = 	snop  }
.LBB2_23:
.Ltmp45:
0x462: {  	(pc) =	sbr.rel .LBB2_26-.Ltmp45, $2  }
0x463: {  	_ =	sdelay $0x2  }
0x464: {  	_ = 	snop  }
.LBB2_37:
.Ltmp46:
0x465: {  	(pc) =	sbr.rel .LBB2_40-.Ltmp46, $2  }
0x466: {  	_ =	sdelay $0x2  }
0x467: {  	_ = 	snop  }
.LBB2_51:
.Ltmp47:
0x468: {  	(pc) =	sbr.rel .LBB2_54-.Ltmp47, $2  }
0x469: {  	_ =	sdelay $0x2  }
0x46a: {  	_ = 	snop  }
.LBB2_62:
0x46b: {  	_ =	sfence.sel $0x180000  }
0x46c: {  	[bflag:$0x0] =	sbarrier.arrive $0xFFFF  }
0x46d: {  	_ =	strace $0x90000047  }
0x46e: {  	[bflag:$0x2] =	sbarrier.arrive $0xFFFF  }
0x46f: {  	p0 =	sne.s32 s3, $0x0;
	s0 =	rddreg [dreg:$0x2]  }
0x470: {  	s0 =	sadd.s32 @!p0 $0x100000, s0  }
0x471: {  	[sflag:s0] =	ssyncadd.tile.s32 @!p0 $0x1;
	_ =	shalt  }
.Lfunc_end2:
_tile_overlayer_lowered:
.L_overlay_start_2:
0x472: {  	(tag) =	ssettag $0x2  }
0x473: {  	s0 =	rddreg [dreg:$0x0];
	s2 =	stileid.u32  }
0x474: {  	s1 =	rddreg [dreg:$0x1];
	p0 =	sne.s32 s2, $0x0  }
0x475: {  	s3 =	rddreg [dreg:$0x2];
	[bflag:$0x3] =	sbarrier.arrive $0xFFFF;
	s2 =	simm.s32 @!p0 $0x1C01  }
0x476: {  	[timem:s3], [sflag:s2] =	dma.local @!p0 [hbm:s0], s1  }
0x477: {  	s0 =	simm.s32 @!p0 $0x1  }
0x478: {  	_ =	swait.ge @!p0 [sflag:s0], s1  }
0x479: {  	s1 =	ssub.s32 @!p0 $0x0, s1;
	[sflag:s0] =	ssyncset.done @!p0 $0x0  }
0x47a: {  	[sflag:s0] =	ssyncadd.s32 @!p0 s1  }
0x47b: {  	[bflag:$0x3] =	sbarrier.arrive $0xFFFF  }
0x47c: {  	_ =	shalt  }

</sc_bundles>
